<compile_context>
chip_gen: v7x
topology: tpu7x:2x2x1
jax: 0.10.2.dev20260603
libtpu: 0.0.44.dev20260713+nightly
codegen_flags: <defaults>
</compile_context>

<pallas_src>
import functools

import jax
import jax.numpy as jnp
from jax import lax
from jax.experimental import pallas as pl
from jax.experimental.pallas import tpu as pltpu
from jax.experimental.pallas import tpu_sc as plsc

N = 10000
E = 320000
NC = 2
NS = 16
NW = NC * NS
NPAD = 10240
CH = 128

_MESH = dict(core_axis_name="c", subcore_axis_name="s",
             num_cores=NC, num_subcores=NS)


def _deg_hist(dst):
  epw = E // NW
  nfull = epw // CH
  tail = epw - nfull * CH
  rpw = NPAD // NS

  @functools.partial(
      pl.kernel,
      out_type=jax.ShapeDtypeStruct((NC, NPAD), jnp.float32),
      mesh=plsc.VectorSubcoreMesh(**_MESH),
      scratch_types=[
          pltpu.VMEM((CH,), jnp.int32),
          pltpu.VMEM((CH,), jnp.int32),
          pltpu.VMEM((tail,), jnp.int32),
          pltpu.VMEM((CH,), jnp.float32),
          pltpu.VMEM((rpw,), jnp.float32),
          pltpu.VMEM_SHARED((NPAD,), jnp.float32),
          pltpu.SemaphoreType.DMA,
          pltpu.SemaphoreType.DMA,
      ],
  )
  def hist(dst_hbm, out_hbm, ib0, ib1, ibt, ones_v, zbuf, acc, sem0, sem1):
    c = lax.axis_index("c")
    s = lax.axis_index("s")
    wid = c * NS + s
    one16 = jnp.ones((16,), jnp.float32)
    zero16 = jnp.zeros((16,), jnp.float32)
    for k in range(CH // 16):
      ones_v[pl.ds(k * 16, 16)] = one16

    @pl.loop(0, rpw // 16)
    def _(i):
      zbuf[pl.ds(i * 16, 16)] = zero16

    pltpu.sync_copy(zbuf, acc.at[pl.ds(s * rpw, rpw)])
    plsc.subcore_barrier()

    def idx_base(k):
      kc = jnp.minimum(k, nfull - 1)
      return pl.multiple_of(wid * epw + kc * CH, 8)

    def start_idx(k, ib, sem):
      pltpu.async_copy(dst_hbm.at[pl.ds(idx_base(k), CH)], ib, sem)

    def wait_idx(ib, sem):
      pltpu.make_async_copy(dst_hbm.at[pl.ds(0, CH)], ib, sem).wait()

    def scatter(ib):
      pltpu.sync_copy(ones_v, acc.at[ib], add=True)

    pltpu.sync_copy(dst_hbm.at[pl.ds(idx_base(0), CH)], ib0)
    start_idx(1, ib1, sem1)

    @pl.loop(0, nfull // 2)
    def _(p):
      j = p * 2
      scatter(ib0)
      start_idx(j + 2, ib0, sem0)
      wait_idx(ib1, sem1)
      scatter(ib1)
      start_idx(j + 3, ib1, sem1)
      wait_idx(ib0, sem0)

    wait_idx(ib1, sem1)
    tbase = pl.multiple_of(wid * epw + nfull * CH, 8)
    pltpu.sync_copy(dst_hbm.at[pl.ds(tbase, tail)], ibt)
    pltpu.sync_copy(ones_v.at[pl.ds(0, tail)], acc.at[ibt], add=True)
    plsc.subcore_barrier()
    pltpu.sync_copy(acc.at[pl.ds(s * rpw, rpw)], out_hbm.at[c, pl.ds(s * rpw, rpw)])

  return hist(dst)


def _edge_agg(hp, eidx, width):
  epw = E // NW
  nfull = epw // CH
  tail = epw - nfull * CH
  rpw = NPAD // NS

  @functools.partial(
      pl.kernel,
      out_type=jax.ShapeDtypeStruct((NC, NPAD, width), jnp.float32),
      mesh=plsc.VectorSubcoreMesh(**_MESH),
      scratch_types=[
          [pltpu.VMEM((2, CH), jnp.int32)] * 4,
          pltpu.VMEM((2, tail), jnp.int32),
          [pltpu.VMEM((CH, width), jnp.float32)] * 4,
          pltpu.VMEM((tail, width), jnp.float32),
          pltpu.VMEM_SHARED((NPAD, width), jnp.float32),
          [pltpu.SemaphoreType.DMA] * 4,
          [pltpu.SemaphoreType.DMA] * 4,
          [pltpu.SemaphoreType.DMA] * 4,
      ],
      compiler_params=pltpu.CompilerParams(use_tc_tiling_on_sc=False),
  )
  def agg(hp_hbm, eidx_hbm, out_hbm, ebs, ebt, rbs, rbt, acc,
          semis, semgs, semss):
    c = lax.axis_index("c")
    s = lax.axis_index("s")
    wid = c * NS + s
    zero16 = jnp.zeros((16,), jnp.float32)
    rb0 = rbs[0]

    @pl.loop(0, CH)
    def _(i):
      for k in range(width // 16):
        rb0[i, pl.ds(k * 16, 16)] = zero16

    for j in range(rpw // CH):
      pltpu.sync_copy(rb0, acc.at[pl.ds(s * rpw + j * CH, CH), :])
    plsc.subcore_barrier()

    def idx_base(k):
      kc = jnp.minimum(k, nfull - 1)
      return pl.multiple_of(wid * epw + kc * CH, 8)

    def start_idx(k, b):
      pltpu.async_copy(eidx_hbm.at[:, pl.ds(idx_base(k), CH)], ebs[b], semis[b])

    def wait_idx(b):
      pltpu.make_async_copy(eidx_hbm.at[:, pl.ds(0, CH)], ebs[b], semis[b]).wait()

    def start_gather(b):
      pltpu.async_copy(hp_hbm.at[ebs[b].at[0]], rbs[b], semgs[b])

    def wait_gather(b):
      pltpu.make_async_copy(hp_hbm.at[ebs[b].at[0]], rbs[b], semgs[b]).wait()

    def start_scatter(b):
      pltpu.async_copy(rbs[b], acc.at[ebs[b].at[1]], semss[b], add=True)

    def wait_scatter(b):
      pltpu.make_async_copy(rbs[b], acc.at[ebs[b].at[1]], semss[b]).wait()

    def step(k, bk, skip_scatter_wait):
      b1 = (bk + 1) % 4
      b2 = (bk + 2) % 4
      wait_idx(b1)
      start_gather(b1)
      wait_gather(bk)
      start_scatter(bk)
      if not skip_scatter_wait:
        wait_scatter(b2)
      start_idx(k + 2, b2)

    pltpu.sync_copy(eidx_hbm.at[:, pl.ds(idx_base(0), CH)], ebs[0])
    start_gather(0)
    start_idx(1, 1)
    step(jnp.int32(0), 0, True)
    step(jnp.int32(1), 1, True)

    @pl.loop(0, (nfull - 2) // 4)
    def _(p):
      for m in range(4):
        step(2 + p * 4 + m, (2 + m) % 4, False)

    wait_idx((nfull + 1) % 4)
    wait_gather(nfull % 4)
    wait_scatter((nfull - 2) % 4)
    wait_scatter((nfull - 1) % 4)
    tbase = pl.multiple_of(wid * epw + nfull * CH, 8)
    pltpu.sync_copy(eidx_hbm.at[:, pl.ds(tbase, tail)], ebt)
    pltpu.async_copy(hp_hbm.at[ebt.at[0]], rbt, semgs[0]).wait()
    pltpu.sync_copy(rbt, acc.at[ebt.at[1]], add=True)
    plsc.subcore_barrier()
    pltpu.sync_copy(acc.at[pl.ds(s * rpw, rpw), :],
                    out_hbm.at[c, pl.ds(s * rpw, rpw), :])

  return agg(hp, eidx)


def _dinv_block(d_ref):
  deg = d_ref[:, 0:1] + d_ref[:, 1:2] + jnp.float32(1.0)
  return lax.rsqrt(deg)


def _tc_layer1(x, w1, dpt):
  b = 2000
  grid = N // b

  def body(x_ref, w_ref, d_ref, o_ref):
    h = jnp.dot(x_ref[...], w_ref[...], preferred_element_type=jnp.float32)
    o_ref[...] = h * _dinv_block(d_ref)

  return pl.pallas_call(
      body,
      grid=(grid,),
      in_specs=[
          pl.BlockSpec((b, 128), lambda i: (i, 0)),
          pl.BlockSpec((128, 64), lambda i: (0, 0)),
          pl.BlockSpec((b, 2), lambda i: (i, 0)),
      ],
      out_specs=pl.BlockSpec((b, 64), lambda i: (i, 0)),
      out_shape=jax.ShapeDtypeStruct((NPAD, 64), jnp.float32),
  )(x, w1, dpt)


def _tc_layer2(ap1, hp1, dpt, b1, w2):
  b = 2000
  grid = N // b

  def body(a_ref, h_ref, d_ref, b_ref, w_ref, o_ref):
    dinv = _dinv_block(d_ref)
    t = a_ref[0] + a_ref[1] + h_ref[...]
    x2 = jnp.maximum(t * dinv + b_ref[...], jnp.float32(0.0))
    o_ref[...] = jnp.dot(x2, w_ref[...], preferred_element_type=jnp.float32) * dinv

  return pl.pallas_call(
      body,
      grid=(grid,),
      in_specs=[
          pl.BlockSpec((NC, b, 64), lambda i: (0, i, 0)),
          pl.BlockSpec((b, 64), lambda i: (i, 0)),
          pl.BlockSpec((b, 2), lambda i: (i, 0)),
          pl.BlockSpec((1, 64), lambda i: (0, 0)),
          pl.BlockSpec((64, 16), lambda i: (0, 0)),
      ],
      out_specs=pl.BlockSpec((b, 16), lambda i: (i, 0)),
      out_shape=jax.ShapeDtypeStruct((NPAD, 16), jnp.float32),
  )(ap1, hp1, dpt, b1, w2)


def _tc_final(ap2, hp2, dpt, b2):
  b = 2000
  grid = N // b

  def body(a_ref, h_ref, d_ref, b_ref, o_ref):
    t = a_ref[0] + a_ref[1] + h_ref[...]
    o_ref[...] = t * _dinv_block(d_ref) + b_ref[...]

  return pl.pallas_call(
      body,
      grid=(grid,),
      in_specs=[
          pl.BlockSpec((NC, b, 16), lambda i: (0, i, 0)),
          pl.BlockSpec((b, 16), lambda i: (i, 0)),
          pl.BlockSpec((b, 2), lambda i: (i, 0)),
          pl.BlockSpec((1, 16), lambda i: (0, 0)),
      ],
      out_specs=pl.BlockSpec((b, 16), lambda i: (i, 0)),
      out_shape=jax.ShapeDtypeStruct((N, 16), jnp.float32),
  )(ap2, hp2, dpt, b2)


def kernel(X, edge_index, W1, b1, W2, b2):
  deg_parts = _deg_hist(edge_index[1])
  dpt = jnp.transpose(deg_parts)
  hp1 = _tc_layer1(X, W1, dpt)
  ap1 = _edge_agg(hp1, edge_index, 64)
  hp2 = _tc_layer2(ap1, hp1, dpt, b1.reshape(1, 64), W2)
  ap2 = _edge_agg(hp2, edge_index, 16)
  return _tc_final(ap2, hp2, dpt, b2.reshape(1, 16))

# --- scband reference (transcript-rebuilt; emitter-appended) ---
"""Pipeline reference for scband-gcn-86663850098969 (READ-ONLY COPY).

The authoritative reference and input builder live on the scoring server;
editing this copy changes nothing except your own understanding.
"""

import jax, jax.numpy as jnp
import numpy as np

N_NODES = 10000
N_EDGES = 320000
D_FEAT = 128
N_FILTER = 64
N_CLASSES = 16


def setup_inputs(seed: int = 0) -> dict:
    key = jax.random.key(seed)
    k1, k2, k3, k4, k5, k6 = jax.random.split(key, 6)
    X = jax.random.normal(k1, (N_NODES, D_FEAT), dtype=jnp.float32)
    edge_index = jax.random.randint(k2, (2, N_EDGES), 0, N_NODES, dtype=jnp.int64 if jax.config.jax_enable_x64 else jnp.int32).astype(jnp.int32)
    # Glorot-style init for GCNConv weights
    W1 = jax.random.normal(k3, (D_FEAT, N_FILTER), dtype=jnp.float32) * (1.0 / np.sqrt(D_FEAT))
    b1 = jnp.zeros((N_FILTER,), dtype=jnp.float32)
    W2 = jax.random.normal(k4, (N_FILTER, N_CLASSES), dtype=jnp.float32) * (1.0 / np.sqrt(N_FILTER))
    b2 = jnp.zeros((N_CLASSES,), dtype=jnp.float32)
    return {"X": X, "edge_index": edge_index, "W1": W1, "b1": b1, "W2": W2, "b2": b2}


def _gcn_conv(x, src, dst, W, b, n):
    # PyG GCNConv with normalize=True: add self-loops, symmetric normalization
    loop = jnp.arange(n, dtype=src.dtype)
    src_f = jnp.concatenate([src, loop])
    dst_f = jnp.concatenate([dst, loop])
    w = jnp.ones(src_f.shape[0], dtype=x.dtype)
    deg = jax.ops.segment_sum(w, dst_f, num_segments=n)
    deg_inv_sqrt = jnp.where(deg > 0, 1.0 / jnp.sqrt(deg), 0.0)
    norm = deg_inv_sqrt[src_f] * w * deg_inv_sqrt[dst_f]
    h = x @ W
    msgs = h[src_f] * norm[:, None]
    out = jax.ops.segment_sum(msgs, dst_f, num_segments=n)
    return out + b


def reference(X, edge_index, W1, b1, W2, b2):
    n = X.shape[0]
    src = edge_index[0]
    dst = edge_index[1]
    x = _gcn_conv(X, src, dst, W1, b1, n)
    x = jax.nn.relu(x)
    # dropout p=0 -> identity
    x = _gcn_conv(x, src, dst, W2, b2, n)
    return x

if __name__ == "__main__":
    import jax
    _d = setup_inputs()
    print(jax.jit(kernel)(*tuple(_d.values())))

</pallas_src>

<mosaic_0001>
#map = affine_map<(d0, d1) -> (0)>
#map1 = affine_map<(d0, d1) -> (0, 0)>
module attributes {stable_mosaic.version = 14 : i64} {
  func.func @hist(%arg0: i32, %arg1: i32, %arg2: memref<320000xi32, #tpu.memory_space<hbm>>, %arg3: memref<2x10240xf32, #tpu.memory_space<hbm>>, %arg4: memref<128xi32, #tpu.memory_space<vmem>>, %arg5: memref<128xi32, #tpu.memory_space<vmem>>, %arg6: memref<16xi32, #tpu.memory_space<vmem>>, %arg7: memref<128xf32, #tpu.memory_space<vmem>>, %arg8: memref<640xf32, #tpu.memory_space<vmem>>, %arg9: memref<10240xf32, #tpu.memory_space<vmem_shared>>, %arg10: memref<!tpu.dma_semaphore, #tpu.memory_space<semaphore_mem>>, %arg11: memref<!tpu.dma_semaphore, #tpu.memory_space<semaphore_mem>>) attributes {dimension_semantics = [#tpu.dimension_semantics<core_parallel>, #tpu.dimension_semantics<subcore_parallel>], iteration_bounds = array<i64: 2, 16>, scalar_prefetch = 0 : i64, scratch_operands = 8 : i64, tpu.core_type = #tpu.core_type<sc_vector_subcore>, window_params = [{transform_indices = #map}, {transform_indices = #map1}]} {
    %mul3A = arith.constant 16 : i32
    %mul3A_0 = arith.muli %arg0, %mul3A : i32
    %add3A = arith.addi %mul3A_0, %arg1 : i32
    %broadcast_in_dim3A = arith.constant 1.000000e+00 : f32
    %broadcast_in_dim3A_1 = vector.broadcast %broadcast_in_dim3A : f32 to vector<16xf32>
    %broadcast_in_dim3A_2 = arith.constant 0.000000e+00 : f32
    %broadcast_in_dim3A_3 = vector.broadcast %broadcast_in_dim3A_2 : f32 to vector<16xf32>
    %swap3A = arith.constant 0 : index
    %swap3A_4 = tpu.vector_load %arg7[%swap3A] {strides = array<i32>} : memref<128xf32, #tpu.memory_space<vmem>>, vector<16xf32>,
    %swap3A_5 = vector.shape_cast %swap3A_4 : vector<16xf32> to vector<16xf32>
    %swap3A_6 = vector.shape_cast %broadcast_in_dim3A_1 : vector<16xf32> to vector<16xf32>
    tpu.vector_store %arg7[%swap3A], %swap3A_6 {strides = array<i32>} : memref<128xf32, #tpu.memory_space<vmem>>, vector<16xf32>,
    %swap3A_7 = arith.constant 16 : index
    %swap3A_8 = tpu.vector_load %arg7[%swap3A_7] {strides = array<i32>} : memref<128xf32, #tpu.memory_space<vmem>>, vector<16xf32>,
    %swap3A_9 = vector.shape_cast %swap3A_8 : vector<16xf32> to vector<16xf32>
    %swap3A_10 = vector.shape_cast %broadcast_in_dim3A_1 : vector<16xf32> to vector<16xf32>
    tpu.vector_store %arg7[%swap3A_7], %swap3A_10 {strides = array<i32>} : memref<128xf32, #tpu.memory_space<vmem>>, vector<16xf32>,
    %swap3A_11 = arith.constant 32 : index
    %swap3A_12 = tpu.vector_load %arg7[%swap3A_11] {strides = array<i32>} : memref<128xf32, #tpu.memory_space<vmem>>, vector<16xf32>,
    %swap3A_13 = vector.shape_cast %swap3A_12 : vector<16xf32> to vector<16xf32>
    %swap3A_14 = vector.shape_cast %broadcast_in_dim3A_1 : vector<16xf32> to vector<16xf32>
    tpu.vector_store %arg7[%swap3A_11], %swap3A_14 {strides = array<i32>} : memref<128xf32, #tpu.memory_space<vmem>>, vector<16xf32>,
    %swap3A_15 = arith.constant 48 : index
    %swap3A_16 = tpu.vector_load %arg7[%swap3A_15] {strides = array<i32>} : memref<128xf32, #tpu.memory_space<vmem>>, vector<16xf32>,
    %swap3A_17 = vector.shape_cast %swap3A_16 : vector<16xf32> to vector<16xf32>
    %swap3A_18 = vector.shape_cast %broadcast_in_dim3A_1 : vector<16xf32> to vector<16xf32>
    tpu.vector_store %arg7[%swap3A_15], %swap3A_18 {strides = array<i32>} : memref<128xf32, #tpu.memory_space<vmem>>, vector<16xf32>,
    %swap3A_19 = arith.constant 64 : index
    %swap3A_20 = tpu.vector_load %arg7[%swap3A_19] {strides = array<i32>} : memref<128xf32, #tpu.memory_space<vmem>>, vector<16xf32>,
    %swap3A_21 = vector.shape_cast %swap3A_20 : vector<16xf32> to vector<16xf32>
    %swap3A_22 = vector.shape_cast %broadcast_in_dim3A_1 : vector<16xf32> to vector<16xf32>
    tpu.vector_store %arg7[%swap3A_19], %swap3A_22 {strides = array<i32>} : memref<128xf32, #tpu.memory_space<vmem>>, vector<16xf32>,
    %swap3A_23 = arith.constant 80 : index
    %swap3A_24 = tpu.vector_load %arg7[%swap3A_23] {strides = array<i32>} : memref<128xf32, #tpu.memory_space<vmem>>, vector<16xf32>,
    %swap3A_25 = vector.shape_cast %swap3A_24 : vector<16xf32> to vector<16xf32>
    %swap3A_26 = vector.shape_cast %broadcast_in_dim3A_1 : vector<16xf32> to vector<16xf32>
    tpu.vector_store %arg7[%swap3A_23], %swap3A_26 {strides = array<i32>} : memref<128xf32, #tpu.memory_space<vmem>>, vector<16xf32>,
    %swap3A_27 = arith.constant 96 : index
    %swap3A_28 = tpu.vector_load %arg7[%swap3A_27] {strides = array<i32>} : memref<128xf32, #tpu.memory_space<vmem>>, vector<16xf32>,
    %swap3A_29 = vector.shape_cast %swap3A_28 : vector<16xf32> to vector<16xf32>
    %swap3A_30 = vector.shape_cast %broadcast_in_dim3A_1 : vector<16xf32> to vector<16xf32>
    tpu.vector_store %arg7[%swap3A_27], %swap3A_30 {strides = array<i32>} : memref<128xf32, #tpu.memory_space<vmem>>, vector<16xf32>,
    %swap3A_31 = arith.constant 112 : index
    %swap3A_32 = tpu.vector_load %arg7[%swap3A_31] {strides = array<i32>} : memref<128xf32, #tpu.memory_space<vmem>>, vector<16xf32>,
    %swap3A_33 = vector.shape_cast %swap3A_32 : vector<16xf32> to vector<16xf32>
    %swap3A_34 = vector.shape_cast %broadcast_in_dim3A_1 : vector<16xf32> to vector<16xf32>
    tpu.vector_store %arg7[%swap3A_31], %swap3A_34 {strides = array<i32>} : memref<128xf32, #tpu.memory_space<vmem>>, vector<16xf32>,
    %scan3A = arith.constant 0 : i32
    %scan3A_35 = arith.constant 40 : i32
    %scan3A_36 = arith.addi %scan3A, %scan3A_35 : i32
    %scan3A_37 = arith.constant 1 : i32
    scf.for %scan3A_76 = %scan3A to %scan3A_36 step %scan3A_37  : i32 {
      %mul3A_77 = arith.constant 1 : i32
      %mul3A_78 = arith.muli %scan3A_76, %mul3A_77 : i32
      %add3A_79 = arith.constant 0 : i32
      %add3A_80 = arith.addi %add3A_79, %mul3A_78 : i32
      %mul3A_81 = arith.constant 16 : i32
      %mul3A_82 = arith.muli %add3A_80, %mul3A_81 : i32
      %swap3A_83 = arith.index_cast %mul3A_82 : i32 to index
      %swap3A_84 = tpu.vector_load %arg8[%swap3A_83] {strides = array<i32>} : memref<640xf32, #tpu.memory_space<vmem>>, vector<16xf32>,
      %swap3A_85 = vector.shape_cast %swap3A_84 : vector<16xf32> to vector<16xf32>
      %swap3A_86 = vector.shape_cast %broadcast_in_dim3A_3 : vector<16xf32> to vector<16xf32>
      tpu.vector_store %arg8[%swap3A_83], %swap3A_86 {strides = array<i32>} : memref<640xf32, #tpu.memory_space<vmem>>, vector<16xf32>,
    }
    %scan3A_38 = arith.constant 40 : i32
    %mul3A_39 = arith.constant 640 : i32
    %mul3A_40 = arith.muli %arg1, %mul3A_39 : i32
    "tpu.region"() ({
      %run_scoped3A = tpu.sem_alloc : memref<!tpu.dma_semaphore, #tpu.memory_space<semaphore_mem>>
      %dma_start3A_76 = tpu.memref_slice %arg9[%mul3A_40] : memref<10240xf32, #tpu.memory_space<vmem_shared>> -> memref<640xf32, #tpu.memory_space<vmem_shared>>
      %dma_start3A_77 = tpu.memref_slice %arg9[%mul3A_40] : memref<10240xf32, #tpu.memory_space<vmem_shared>> -> memref<640xf32, #tpu.memory_space<vmem_shared>>
      tpu.enqueue_dma source(%arg8 : memref<640xf32, #tpu.memory_space<vmem>>) target(%dma_start3A_77 : memref<640xf32, #tpu.memory_space<vmem_shared>>) target_semaphore(%run_scoped3A : memref<!tpu.dma_semaphore, #tpu.memory_space<semaphore_mem>>)
      %dma_wait3A_78 = tpu.memref_slice %arg9[%mul3A_40] : memref<10240xf32, #tpu.memory_space<vmem_shared>> -> memref<640xf32, #tpu.memory_space<vmem_shared>>
      %dma_wait3A_79 = tpu.memref_slice %arg9[%mul3A_40] : memref<10240xf32, #tpu.memory_space<vmem_shared>> -> memref<640xf32, #tpu.memory_space<vmem_shared>>
      tpu.wait_dma2 semaphore(%run_scoped3A : memref<!tpu.dma_semaphore, #tpu.memory_space<semaphore_mem>>) src(%arg8 : memref<640xf32, #tpu.memory_space<vmem>>) dst(%dma_wait3A_79 : memref<640xf32, #tpu.memory_space<vmem_shared>>)
      tpu.yield
    }) : () -> ()
    %barrier3A = arith.constant 0 : index
    tpu.barrier barrier_id(%barrier3A)
    %min3A = arith.constant 0 : i32
    %min3A_41 = arith.constant 77 : i32
    %min3A_42 = arith.minsi %min3A, %min3A_41 : i32
    %mul3A_43 = arith.constant 10000 : i32
    %mul3A_44 = arith.muli %add3A, %mul3A_43 : i32
    %mul3A_45 = arith.constant 128 : i32
    %mul3A_46 = arith.muli %min3A_42, %mul3A_45 : i32
    %add3A_47 = arith.addi %mul3A_44, %mul3A_46 : i32
    %multiple_of3A = tpu.assume_multiple %add3A_47, 8 : i32
    "tpu.region"() ({
      %run_scoped3A = tpu.sem_alloc : memref<!tpu.dma_semaphore, #tpu.memory_space<semaphore_mem>>
      %dma_start3A_76 = tpu.memref_slice %arg2[%multiple_of3A] : memref<320000xi32, #tpu.memory_space<hbm>> -> memref<128xi32, #tpu.memory_space<hbm>>
      %dma_start3A_77 = tpu.memref_slice %arg2[%multiple_of3A] : memref<320000xi32, #tpu.memory_space<hbm>> -> memref<128xi32, #tpu.memory_space<hbm>>
      tpu.enqueue_dma source(%dma_start3A_77 : memref<128xi32, #tpu.memory_space<hbm>>) target(%arg4 : memref<128xi32, #tpu.memory_space<vmem>>) target_semaphore(%run_scoped3A : memref<!tpu.dma_semaphore, #tpu.memory_space<semaphore_mem>>)
      %dma_wait3A_78 = tpu.memref_slice %arg2[%multiple_of3A] : memref<320000xi32, #tpu.memory_space<hbm>> -> memref<128xi32, #tpu.memory_space<hbm>>
      %dma_wait3A_79 = tpu.memref_slice %arg2[%multiple_of3A] : memref<320000xi32, #tpu.memory_space<hbm>> -> memref<128xi32, #tpu.memory_space<hbm>>
      tpu.wait_dma2 semaphore(%run_scoped3A : memref<!tpu.dma_semaphore, #tpu.memory_space<semaphore_mem>>) src(%dma_wait3A_79 : memref<128xi32, #tpu.memory_space<hbm>>) dst(%arg4 : memref<128xi32, #tpu.memory_space<vmem>>)
      tpu.yield
    }) : () -> ()
    %min3A_48 = arith.constant 1 : i32
    %min3A_49 = arith.constant 77 : i32
    %min3A_50 = arith.minsi %min3A_48, %min3A_49 : i32
    %mul3A_51 = arith.constant 10000 : i32
    %mul3A_52 = arith.muli %add3A, %mul3A_51 : i32
    %mul3A_53 = arith.constant 128 : i32
    %mul3A_54 = arith.muli %min3A_50, %mul3A_53 : i32
    %add3A_55 = arith.addi %mul3A_52, %mul3A_54 : i32
    %multiple_of3A_56 = tpu.assume_multiple %add3A_55, 8 : i32
    %dma_start3A = tpu.memref_slice %arg2[%multiple_of3A_56] : memref<320000xi32, #tpu.memory_space<hbm>> -> memref<128xi32, #tpu.memory_space<hbm>>
    %dma_start3A_57 = tpu.memref_slice %arg2[%multiple_of3A_56] : memref<320000xi32, #tpu.memory_space<hbm>> -> memref<128xi32, #tpu.memory_space<hbm>>
    tpu.enqueue_dma source(%dma_start3A_57 : memref<128xi32, #tpu.memory_space<hbm>>) target(%arg5 : memref<128xi32, #tpu.memory_space<vmem>>) target_semaphore(%arg11 : memref<!tpu.dma_semaphore, #tpu.memory_space<semaphore_mem>>)
    %scan3A_58 = arith.constant 0 : i32
    %scan3A_59 = arith.constant 39 : i32
    %scan3A_60 = arith.addi %scan3A_58, %scan3A_59 : i32
    %scan3A_61 = arith.constant 1 : i32
    scf.for %scan3A_76 = %scan3A_58 to %scan3A_60 step %scan3A_61  : i32 {
      %mul3A_77 = arith.constant 1 : i32
      %mul3A_78 = arith.muli %scan3A_76, %mul3A_77 : i32
      %add3A_79 = arith.constant 0 : i32
      %add3A_80 = arith.addi %add3A_79, %mul3A_78 : i32
      %mul3A_81 = arith.constant 2 : i32
      %mul3A_82 = arith.muli %add3A_80, %mul3A_81 : i32
      "tpu.region"() ({
        %run_scoped3A = tpu.sem_alloc : memref<!tpu.dma_semaphore, #tpu.memory_space<semaphore_mem>>
        %dma_start3A_115 = arith.constant 0 : i32
        %dma_start3A_116 = tpu.memref_slice %arg9[%dma_start3A_115] : memref<10240xf32, #tpu.memory_space<vmem_shared>> -> memref<10240xf32, #tpu.memory_space<vmem_shared>>
        tpu.enqueue_indirect_dma source(%arg7 : memref<128xf32, #tpu.memory_space<vmem>>) target(%dma_start3A_116 : memref<10240xf32, #tpu.memory_space<vmem_shared>>) offsets(%arg4 : memref<128xi32, #tpu.memory_space<vmem>>) semaphore(%run_scoped3A : memref<!tpu.dma_semaphore, #tpu.memory_space<semaphore_mem>>) {add = true}
        %dma_wait3A_117 = arith.constant 0 : i32
        %dma_wait3A_118 = tpu.memref_slice %arg9[%dma_wait3A_117] : memref<10240xf32, #tpu.memory_space<vmem_shared>> -> memref<10240xf32, #tpu.memory_space<vmem_shared>>
        tpu.wait_indirect_dma semaphore(%run_scoped3A : memref<!tpu.dma_semaphore, #tpu.memory_space<semaphore_mem>>) src(%arg7 : memref<128xf32, #tpu.memory_space<vmem>>) dst(%dma_wait3A_118 : memref<10240xf32, #tpu.memory_space<vmem_shared>>)
        tpu.yield
      }) : () -> ()
      %add3A_83 = arith.constant 2 : i32
      %add3A_84 = arith.addi %mul3A_82, %add3A_83 : i32
      %min3A_85 = arith.constant 77 : i32
      %min3A_86 = arith.minsi %add3A_84, %min3A_85 : i32
      %mul3A_87 = arith.constant 10000 : i32
      %mul3A_88 = arith.muli %add3A, %mul3A_87 : i32
      %mul3A_89 = arith.constant 128 : i32
      %mul3A_90 = arith.muli %min3A_86, %mul3A_89 : i32
      %add3A_91 = arith.addi %mul3A_88, %mul3A_90 : i32
      %multiple_of3A_92 = tpu.assume_multiple %add3A_91, 8 : i32
      %dma_start3A_93 = tpu.memref_slice %arg2[%multiple_of3A_92] : memref<320000xi32, #tpu.memory_space<hbm>> -> memref<128xi32, #tpu.memory_space<hbm>>
      %dma_start3A_94 = tpu.memref_slice %arg2[%multiple_of3A_92] : memref<320000xi32, #tpu.memory_space<hbm>> -> memref<128xi32, #tpu.memory_space<hbm>>
      tpu.enqueue_dma source(%dma_start3A_94 : memref<128xi32, #tpu.memory_space<hbm>>) target(%arg4 : memref<128xi32, #tpu.memory_space<vmem>>) target_semaphore(%arg10 : memref<!tpu.dma_semaphore, #tpu.memory_space<semaphore_mem>>)
      %dma_wait3A_95 = arith.constant 0 : i32
      %dma_wait3A_96 = tpu.memref_slice %arg2[%dma_wait3A_95] : memref<320000xi32, #tpu.memory_space<hbm>> -> memref<128xi32, #tpu.memory_space<hbm>>
      %dma_wait3A_97 = arith.constant 0 : i32
      %dma_wait3A_98 = tpu.memref_slice %arg2[%dma_wait3A_97] : memref<320000xi32, #tpu.memory_space<hbm>> -> memref<128xi32, #tpu.memory_space<hbm>>
      tpu.wait_dma2 semaphore(%arg11 : memref<!tpu.dma_semaphore, #tpu.memory_space<semaphore_mem>>) src(%dma_wait3A_98 : memref<128xi32, #tpu.memory_space<hbm>>) dst(%arg5 : memref<128xi32, #tpu.memory_space<vmem>>)
      "tpu.region"() ({
        %run_scoped3A = tpu.sem_alloc : memref<!tpu.dma_semaphore, #tpu.memory_space<semaphore_mem>>
        %dma_start3A_115 = arith.constant 0 : i32
        %dma_start3A_116 = tpu.memref_slice %arg9[%dma_start3A_115] : memref<10240xf32, #tpu.memory_space<vmem_shared>> -> memref<10240xf32, #tpu.memory_space<vmem_shared>>
        tpu.enqueue_indirect_dma source(%arg7 : memref<128xf32, #tpu.memory_space<vmem>>) target(%dma_start3A_116 : memref<10240xf32, #tpu.memory_space<vmem_shared>>) offsets(%arg5 : memref<128xi32, #tpu.memory_space<vmem>>) semaphore(%run_scoped3A : memref<!tpu.dma_semaphore, #tpu.memory_space<semaphore_mem>>) {add = true}
        %dma_wait3A_117 = arith.constant 0 : i32
        %dma_wait3A_118 = tpu.memref_slice %arg9[%dma_wait3A_117] : memref<10240xf32, #tpu.memory_space<vmem_shared>> -> memref<10240xf32, #tpu.memory_space<vmem_shared>>
        tpu.wait_indirect_dma semaphore(%run_scoped3A : memref<!tpu.dma_semaphore, #tpu.memory_space<semaphore_mem>>) src(%arg7 : memref<128xf32, #tpu.memory_space<vmem>>) dst(%dma_wait3A_118 : memref<10240xf32, #tpu.memory_space<vmem_shared>>)
        tpu.yield
      }) : () -> ()
      %add3A_99 = arith.constant 3 : i32
      %add3A_100 = arith.addi %mul3A_82, %add3A_99 : i32
      %min3A_101 = arith.constant 77 : i32
      %min3A_102 = arith.minsi %add3A_100, %min3A_101 : i32
      %mul3A_103 = arith.constant 10000 : i32
      %mul3A_104 = arith.muli %add3A, %mul3A_103 : i32
      %mul3A_105 = arith.constant 128 : i32
      %mul3A_106 = arith.muli %min3A_102, %mul3A_105 : i32
      %add3A_107 = arith.addi %mul3A_104, %mul3A_106 : i32
      %multiple_of3A_108 = tpu.assume_multiple %add3A_107, 8 : i32
      %dma_start3A_109 = tpu.memref_slice %arg2[%multiple_of3A_108] : memref<320000xi32, #tpu.memory_space<hbm>> -> memref<128xi32, #tpu.memory_space<hbm>>
      %dma_start3A_110 = tpu.memref_slice %arg2[%multiple_of3A_108] : memref<320000xi32, #tpu.memory_space<hbm>> -> memref<128xi32, #tpu.memory_space<hbm>>
      tpu.enqueue_dma source(%dma_start3A_110 : memref<128xi32, #tpu.memory_space<hbm>>) target(%arg5 : memref<128xi32, #tpu.memory_space<vmem>>) target_semaphore(%arg11 : memref<!tpu.dma_semaphore, #tpu.memory_space<semaphore_mem>>)
      %dma_wait3A_111 = arith.constant 0 : i32
      %dma_wait3A_112 = tpu.memref_slice %arg2[%dma_wait3A_111] : memref<320000xi32, #tpu.memory_space<hbm>> -> memref<128xi32, #tpu.memory_space<hbm>>
      %dma_wait3A_113 = arith.constant 0 : i32
      %dma_wait3A_114 = tpu.memref_slice %arg2[%dma_wait3A_113] : memref<320000xi32, #tpu.memory_space<hbm>> -> memref<128xi32, #tpu.memory_space<hbm>>
      tpu.wait_dma2 semaphore(%arg10 : memref<!tpu.dma_semaphore, #tpu.memory_space<semaphore_mem>>) src(%dma_wait3A_114 : memref<128xi32, #tpu.memory_space<hbm>>) dst(%arg4 : memref<128xi32, #tpu.memory_space<vmem>>)
    }
    %scan3A_62 = arith.constant 39 : i32
    %dma_wait3A = arith.constant 0 : i32
    %dma_wait3A_63 = tpu.memref_slice %arg2[%dma_wait3A] : memref<320000xi32, #tpu.memory_space<hbm>> -> memref<128xi32, #tpu.memory_space<hbm>>
    %dma_wait3A_64 = arith.constant 0 : i32
    %dma_wait3A_65 = tpu.memref_slice %arg2[%dma_wait3A_64] : memref<320000xi32, #tpu.memory_space<hbm>> -> memref<128xi32, #tpu.memory_space<hbm>>
    tpu.wait_dma2 semaphore(%arg11 : memref<!tpu.dma_semaphore, #tpu.memory_space<semaphore_mem>>) src(%dma_wait3A_65 : memref<128xi32, #tpu.memory_space<hbm>>) dst(%arg5 : memref<128xi32, #tpu.memory_space<vmem>>)
    %mul3A_66 = arith.constant 10000 : i32
    %mul3A_67 = arith.muli %add3A, %mul3A_66 : i32
    %add3A_68 = arith.constant 9984 : i32
    %add3A_69 = arith.addi %mul3A_67, %add3A_68 : i32
    %multiple_of3A_70 = tpu.assume_multiple %add3A_69, 8 : i32
    "tpu.region"() ({
      %run_scoped3A = tpu.sem_alloc : memref<!tpu.dma_semaphore, #tpu.memory_space<semaphore_mem>>
      %dma_start3A_76 = tpu.memref_slice %arg2[%multiple_of3A_70] : memref<320000xi32, #tpu.memory_space<hbm>> -> memref<16xi32, #tpu.memory_space<hbm>>
      %dma_start3A_77 = tpu.memref_slice %arg2[%multiple_of3A_70] : memref<320000xi32, #tpu.memory_space<hbm>> -> memref<16xi32, #tpu.memory_space<hbm>>
      tpu.enqueue_dma source(%dma_start3A_77 : memref<16xi32, #tpu.memory_space<hbm>>) target(%arg6 : memref<16xi32, #tpu.memory_space<vmem>>) target_semaphore(%run_scoped3A : memref<!tpu.dma_semaphore, #tpu.memory_space<semaphore_mem>>)
      %dma_wait3A_78 = tpu.memref_slice %arg2[%multiple_of3A_70] : memref<320000xi32, #tpu.memory_space<hbm>> -> memref<16xi32, #tpu.memory_space<hbm>>
      %dma_wait3A_79 = tpu.memref_slice %arg2[%multiple_of3A_70] : memref<320000xi32, #tpu.memory_space<hbm>> -> memref<16xi32, #tpu.memory_space<hbm>>
      tpu.wait_dma2 semaphore(%run_scoped3A : memref<!tpu.dma_semaphore, #tpu.memory_space<semaphore_mem>>) src(%dma_wait3A_79 : memref<16xi32, #tpu.memory_space<hbm>>) dst(%arg6 : memref<16xi32, #tpu.memory_space<vmem>>)
      tpu.yield
    }) : () -> ()
    "tpu.region"() ({
      %run_scoped3A = tpu.sem_alloc : memref<!tpu.dma_semaphore, #tpu.memory_space<semaphore_mem>>
      %dma_start3A_76 = arith.constant 0 : i32
      %dma_start3A_77 = tpu.memref_slice %arg7[%dma_start3A_76] : memref<128xf32, #tpu.memory_space<vmem>> -> memref<16xf32, #tpu.memory_space<vmem>>
      %dma_start3A_78 = arith.constant 0 : i32
      %dma_start3A_79 = tpu.memref_slice %arg9[%dma_start3A_78] : memref<10240xf32, #tpu.memory_space<vmem_shared>> -> memref<10240xf32, #tpu.memory_space<vmem_shared>>
      tpu.enqueue_indirect_dma source(%dma_start3A_77 : memref<16xf32, #tpu.memory_space<vmem>>) target(%dma_start3A_79 : memref<10240xf32, #tpu.memory_space<vmem_shared>>) offsets(%arg6 : memref<16xi32, #tpu.memory_space<vmem>>) semaphore(%run_scoped3A : memref<!tpu.dma_semaphore, #tpu.memory_space<semaphore_mem>>) {add = true}
      %dma_wait3A_80 = arith.constant 0 : i32
      %dma_wait3A_81 = tpu.memref_slice %arg7[%dma_wait3A_80] : memref<128xf32, #tpu.memory_space<vmem>> -> memref<16xf32, #tpu.memory_space<vmem>>
      %dma_wait3A_82 = arith.constant 0 : i32
      %dma_wait3A_83 = tpu.memref_slice %arg9[%dma_wait3A_82] : memref<10240xf32, #tpu.memory_space<vmem_shared>> -> memref<10240xf32, #tpu.memory_space<vmem_shared>>
      tpu.wait_indirect_dma semaphore(%run_scoped3A : memref<!tpu.dma_semaphore, #tpu.memory_space<semaphore_mem>>) src(%dma_wait3A_81 : memref<16xf32, #tpu.memory_space<vmem>>) dst(%dma_wait3A_83 : memref<10240xf32, #tpu.memory_space<vmem_shared>>)
      tpu.yield
    }) : () -> ()
    %barrier3A_71 = arith.constant 0 : index
    tpu.barrier barrier_id(%barrier3A_71)
    %mul3A_72 = arith.constant 640 : i32
    %mul3A_73 = arith.muli %arg1, %mul3A_72 : i32
    %mul3A_74 = arith.constant 640 : i32
    %mul3A_75 = arith.muli %arg1, %mul3A_74 : i32
    "tpu.region"() ({
      %run_scoped3A = tpu.sem_alloc : memref<!tpu.dma_semaphore, #tpu.memory_space<semaphore_mem>>
      %dma_start3A_76 = tpu.memref_slice %arg3[%arg0, %mul3A_75] : memref<2x10240xf32, #tpu.memory_space<hbm>> -> memref<1x640xf32, #tpu.memory_space<hbm>>
      %dma_start3A_77 = tpu.memref_squeeze %dma_start3A_76 : memref<1x640xf32, #tpu.memory_space<hbm>> -> memref<640xf32, #tpu.memory_space<hbm>>
      %dma_start3A_78 = tpu.memref_slice %arg9[%mul3A_73] : memref<10240xf32, #tpu.memory_space<vmem_shared>> -> memref<640xf32, #tpu.memory_space<vmem_shared>>
      tpu.enqueue_dma source(%dma_start3A_78 : memref<640xf32, #tpu.memory_space<vmem_shared>>) target(%dma_start3A_77 : memref<640xf32, #tpu.memory_space<hbm>>) target_semaphore(%run_scoped3A : memref<!tpu.dma_semaphore, #tpu.memory_space<semaphore_mem>>)
      %dma_wait3A_79 = tpu.memref_slice %arg3[%arg0, %mul3A_75] : memref<2x10240xf32, #tpu.memory_space<hbm>> -> memref<1x640xf32, #tpu.memory_space<hbm>>
      %dma_wait3A_80 = tpu.memref_squeeze %dma_wait3A_79 : memref<1x640xf32, #tpu.memory_space<hbm>> -> memref<640xf32, #tpu.memory_space<hbm>>
      %dma_wait3A_81 = tpu.memref_slice %arg9[%mul3A_73] : memref<10240xf32, #tpu.memory_space<vmem_shared>> -> memref<640xf32, #tpu.memory_space<vmem_shared>>
      tpu.wait_dma2 semaphore(%run_scoped3A : memref<!tpu.dma_semaphore, #tpu.memory_space<semaphore_mem>>) src(%dma_wait3A_81 : memref<640xf32, #tpu.memory_space<vmem_shared>>) dst(%dma_wait3A_80 : memref<640xf32, #tpu.memory_space<hbm>>)
      tpu.yield
    }) : () -> ()
    return
  }
}

#map = affine_map<(d0, d1) -> (0, 0)>
#map1 = affine_map<(d0, d1) -> (0, 0, 0)>
module attributes {stable_mosaic.version = 14 : i64} {
  func.func @agg(%arg0: i32, %arg1: i32, %arg2: memref<10240x16xf32, #tpu.memory_space<hbm>>, %arg3: memref<2x320000xi32, #tpu.memory_space<hbm>>, %arg4: memref<2x10240x16xf32, #tpu.memory_space<hbm>>, %arg5: memref<2x128xi32, #tpu.memory_space<vmem>>, %arg6: memref<2x128xi32, #tpu.memory_space<vmem>>, %arg7: memref<2x128xi32, #tpu.memory_space<vmem>>, %arg8: memref<2x128xi32, #tpu.memory_space<vmem>>, %arg9: memref<2x16xi32, #tpu.memory_space<vmem>>, %arg10: memref<128x16xf32, #tpu.memory_space<vmem>>, %arg11: memref<128x16xf32, #tpu.memory_space<vmem>>, %arg12: memref<128x16xf32, #tpu.memory_space<vmem>>, %arg13: memref<128x16xf32, #tpu.memory_space<vmem>>, %arg14: memref<16x16xf32, #tpu.memory_space<vmem>>, %arg15: memref<10240x16xf32, #tpu.memory_space<vmem_shared>>, %arg16: memref<!tpu.dma_semaphore, #tpu.memory_space<semaphore_mem>>, %arg17: memref<!tpu.dma_semaphore, #tpu.memory_space<semaphore_mem>>, %arg18: memref<!tpu.dma_semaphore, #tpu.memory_space<semaphore_mem>>, %arg19: memref<!tpu.dma_semaphore, #tpu.memory_space<semaphore_mem>>, %arg20: memref<!tpu.dma_semaphore, #tpu.memory_space<semaphore_mem>>, %arg21: memref<!tpu.dma_semaphore, #tpu.memory_space<semaphore_mem>>, %arg22: memref<!tpu.dma_semaphore, #tpu.memory_space<semaphore_mem>>, %arg23: memref<!tpu.dma_semaphore, #tpu.memory_space<semaphore_mem>>, %arg24: memref<!tpu.dma_semaphore, #tpu.memory_space<semaphore_mem>>, %arg25: memref<!tpu.dma_semaphore, #tpu.memory_space<semaphore_mem>>, %arg26: memref<!tpu.dma_semaphore, #tpu.memory_space<semaphore_mem>>, %arg27: memref<!tpu.dma_semaphore, #tpu.memory_space<semaphore_mem>>) attributes {dimension_semantics = [#tpu.dimension_semantics<core_parallel>, #tpu.dimension_semantics<subcore_parallel>], iteration_bounds = array<i64: 2, 16>, scalar_prefetch = 0 : i64, scratch_operands = 23 : i64, tpu.core_type = #tpu.core_type<sc_vector_subcore>, window_params = [{transform_indices = #map}, {transform_indices = #map}, {transform_indices = #map1}]} {
    %mul3A = arith.constant 16 : i32
    %mul3A_0 = arith.muli %arg0, %mul3A : i32
    %add3A = arith.addi %mul3A_0, %arg1 : i32
    %broadcast_in_dim3A = arith.constant 0.000000e+00 : f32
    %broadcast_in_dim3A_1 = vector.broadcast %broadcast_in_dim3A : f32 to vector<16xf32>
    %scan3A = arith.constant 0 : i32
    %scan3A_2 = arith.constant 128 : i32
    %scan3A_3 = arith.addi %scan3A, %scan3A_2 : i32
    %scan3A_4 = arith.constant 1 : i32
    scf.for %scan3A_191 = %scan3A to %scan3A_3 step %scan3A_4  : i32 {
      %mul3A_192 = arith.constant 1 : i32
      %mul3A_193 = arith.muli %scan3A_191, %mul3A_192 : i32
      %add3A_194 = arith.constant 0 : i32
      %add3A_195 = arith.addi %add3A_194, %mul3A_193 : i32
      %swap3A = arith.index_cast %add3A_195 : i32 to index
      %swap3A_196 = arith.constant 0 : index
      %swap3A_197 = tpu.vector_load %arg10[%swap3A, %swap3A_196] {strides = array<i32>} : memref<128x16xf32, #tpu.memory_space<vmem>>, vector<1x16xf32>,
      %swap3A_198 = vector.shape_cast %swap3A_197 : vector<1x16xf32> to vector<16xf32>
      %swap3A_199 = vector.shape_cast %broadcast_in_dim3A_1 : vector<16xf32> to vector<1x16xf32>
      tpu.vector_store %arg10[%swap3A, %swap3A_196], %swap3A_199 {strides = array<i32>} : memref<128x16xf32, #tpu.memory_space<vmem>>, vector<1x16xf32>,
    }
    %scan3A_5 = arith.constant 128 : i32
    %mul3A_6 = arith.constant 640 : i32
    %mul3A_7 = arith.muli %arg1, %mul3A_6 : i32
    %add3A_8 = arith.constant 0 : i32
    %add3A_9 = arith.addi %mul3A_7, %add3A_8 : i32
    "tpu.region"() ({
      %run_scoped3A_191 = tpu.sem_alloc : memref<!tpu.dma_semaphore, #tpu.memory_space<semaphore_mem>>
      %dma_start3A_192 = arith.constant 0 : i32
      %dma_start3A_193 = tpu.memref_slice %arg15[%add3A_9, %dma_start3A_192] : memref<10240x16xf32, #tpu.memory_space<vmem_shared>> -> memref<128x16xf32, #tpu.memory_space<vmem_shared>>
      %dma_start3A_194 = arith.constant 0 : i32
      %dma_start3A_195 = tpu.memref_slice %arg15[%add3A_9, %dma_start3A_194] : memref<10240x16xf32, #tpu.memory_space<vmem_shared>> -> memref<128x16xf32, #tpu.memory_space<vmem_shared>>
      tpu.enqueue_dma source(%arg10 : memref<128x16xf32, #tpu.memory_space<vmem>>) target(%dma_start3A_195 : memref<128x16xf32, #tpu.memory_space<vmem_shared>>) target_semaphore(%run_scoped3A_191 : memref<!tpu.dma_semaphore, #tpu.memory_space<semaphore_mem>>)
      %dma_wait3A_196 = arith.constant 0 : i32
      %dma_wait3A_197 = tpu.memref_slice %arg15[%add3A_9, %dma_wait3A_196] : memref<10240x16xf32, #tpu.memory_space<vmem_shared>> -> memref<128x16xf32, #tpu.memory_space<vmem_shared>>
      %dma_wait3A_198 = arith.constant 0 : i32
      %dma_wait3A_199 = tpu.memref_slice %arg15[%add3A_9, %dma_wait3A_198] : memref<10240x16xf32, #tpu.memory_space<vmem_shared>> -> memref<128x16xf32, #tpu.memory_space<vmem_shared>>
      tpu.wait_dma2 semaphore(%run_scoped3A_191 : memref<!tpu.dma_semaphore, #tpu.memory_space<semaphore_mem>>) src(%arg10 : memref<128x16xf32, #tpu.memory_space<vmem>>) dst(%dma_wait3A_199 : memref<128x16xf32, #tpu.memory_space<vmem_shared>>)
      tpu.yield
    }) : () -> ()
    %mul3A_10 = arith.constant 640 : i32
    %mul3A_11 = arith.muli %arg1, %mul3A_10 : i32
    %add3A_12 = arith.constant 128 : i32
    %add3A_13 = arith.addi %mul3A_11, %add3A_12 : i32
    "tpu.region"() ({
      %run_scoped3A_191 = tpu.sem_alloc : memref<!tpu.dma_semaphore, #tpu.memory_space<semaphore_mem>>
      %dma_start3A_192 = arith.constant 0 : i32
      %dma_start3A_193 = tpu.memref_slice %arg15[%add3A_13, %dma_start3A_192] : memref<10240x16xf32, #tpu.memory_space<vmem_shared>> -> memref<128x16xf32, #tpu.memory_space<vmem_shared>>
      %dma_start3A_194 = arith.constant 0 : i32
      %dma_start3A_195 = tpu.memref_slice %arg15[%add3A_13, %dma_start3A_194] : memref<10240x16xf32, #tpu.memory_space<vmem_shared>> -> memref<128x16xf32, #tpu.memory_space<vmem_shared>>
      tpu.enqueue_dma source(%arg10 : memref<128x16xf32, #tpu.memory_space<vmem>>) target(%dma_start3A_195 : memref<128x16xf32, #tpu.memory_space<vmem_shared>>) target_semaphore(%run_scoped3A_191 : memref<!tpu.dma_semaphore, #tpu.memory_space<semaphore_mem>>)
      %dma_wait3A_196 = arith.constant 0 : i32
      %dma_wait3A_197 = tpu.memref_slice %arg15[%add3A_13, %dma_wait3A_196] : memref<10240x16xf32, #tpu.memory_space<vmem_shared>> -> memref<128x16xf32, #tpu.memory_space<vmem_shared>>
      %dma_wait3A_198 = arith.constant 0 : i32
      %dma_wait3A_199 = tpu.memref_slice %arg15[%add3A_13, %dma_wait3A_198] : memref<10240x16xf32, #tpu.memory_space<vmem_shared>> -> memref<128x16xf32, #tpu.memory_space<vmem_shared>>
      tpu.wait_dma2 semaphore(%run_scoped3A_191 : memref<!tpu.dma_semaphore, #tpu.memory_space<semaphore_mem>>) src(%arg10 : memref<128x16xf32, #tpu.memory_space<vmem>>) dst(%dma_wait3A_199 : memref<128x16xf32, #tpu.memory_space<vmem_shared>>)
      tpu.yield
    }) : () -> ()
    %mul3A_14 = arith.constant 640 : i32
    %mul3A_15 = arith.muli %arg1, %mul3A_14 : i32
    %add3A_16 = arith.constant 256 : i32
    %add3A_17 = arith.addi %mul3A_15, %add3A_16 : i32
    "tpu.region"() ({
      %run_scoped3A_191 = tpu.sem_alloc : memref<!tpu.dma_semaphore, #tpu.memory_space<semaphore_mem>>
      %dma_start3A_192 = arith.constant 0 : i32
      %dma_start3A_193 = tpu.memref_slice %arg15[%add3A_17, %dma_start3A_192] : memref<10240x16xf32, #tpu.memory_space<vmem_shared>> -> memref<128x16xf32, #tpu.memory_space<vmem_shared>>
      %dma_start3A_194 = arith.constant 0 : i32
      %dma_start3A_195 = tpu.memref_slice %arg15[%add3A_17, %dma_start3A_194] : memref<10240x16xf32, #tpu.memory_space<vmem_shared>> -> memref<128x16xf32, #tpu.memory_space<vmem_shared>>
      tpu.enqueue_dma source(%arg10 : memref<128x16xf32, #tpu.memory_space<vmem>>) target(%dma_start3A_195 : memref<128x16xf32, #tpu.memory_space<vmem_shared>>) target_semaphore(%run_scoped3A_191 : memref<!tpu.dma_semaphore, #tpu.memory_space<semaphore_mem>>)
      %dma_wait3A_196 = arith.constant 0 : i32
      %dma_wait3A_197 = tpu.memref_slice %arg15[%add3A_17, %dma_wait3A_196] : memref<10240x16xf32, #tpu.memory_space<vmem_shared>> -> memref<128x16xf32, #tpu.memory_space<vmem_shared>>
      %dma_wait3A_198 = arith.constant 0 : i32
      %dma_wait3A_199 = tpu.memref_slice %arg15[%add3A_17, %dma_wait3A_198] : memref<10240x16xf32, #tpu.memory_space<vmem_shared>> -> memref<128x16xf32, #tpu.memory_space<vmem_shared>>
      tpu.wait_dma2 semaphore(%run_scoped3A_191 : memref<!tpu.dma_semaphore, #tpu.memory_space<semaphore_mem>>) src(%arg10 : memref<128x16xf32, #tpu.memory_space<vmem>>) dst(%dma_wait3A_199 : memref<128x16xf32, #tpu.memory_space<vmem_shared>>)
      tpu.yield
    }) : () -> ()
    %mul3A_18 = arith.constant 640 : i32
    %mul3A_19 = arith.muli %arg1, %mul3A_18 : i32
    %add3A_20 = arith.constant 384 : i32
    %add3A_21 = arith.addi %mul3A_19, %add3A_20 : i32
    "tpu.region"() ({
      %run_scoped3A_191 = tpu.sem_alloc : memref<!tpu.dma_semaphore, #tpu.memory_space<semaphore_mem>>
      %dma_start3A_192 = arith.constant 0 : i32
      %dma_start3A_193 = tpu.memref_slice %arg15[%add3A_21, %dma_start3A_192] : memref<10240x16xf32, #tpu.memory_space<vmem_shared>> -> memref<128x16xf32, #tpu.memory_space<vmem_shared>>
      %dma_start3A_194 = arith.constant 0 : i32
      %dma_start3A_195 = tpu.memref_slice %arg15[%add3A_21, %dma_start3A_194] : memref<10240x16xf32, #tpu.memory_space<vmem_shared>> -> memref<128x16xf32, #tpu.memory_space<vmem_shared>>
      tpu.enqueue_dma source(%arg10 : memref<128x16xf32, #tpu.memory_space<vmem>>) target(%dma_start3A_195 : memref<128x16xf32, #tpu.memory_space<vmem_shared>>) target_semaphore(%run_scoped3A_191 : memref<!tpu.dma_semaphore, #tpu.memory_space<semaphore_mem>>)
      %dma_wait3A_196 = arith.constant 0 : i32
      %dma_wait3A_197 = tpu.memref_slice %arg15[%add3A_21, %dma_wait3A_196] : memref<10240x16xf32, #tpu.memory_space<vmem_shared>> -> memref<128x16xf32, #tpu.memory_space<vmem_shared>>
      %dma_wait3A_198 = arith.constant 0 : i32
      %dma_wait3A_199 = tpu.memref_slice %arg15[%add3A_21, %dma_wait3A_198] : memref<10240x16xf32, #tpu.memory_space<vmem_shared>> -> memref<128x16xf32, #tpu.memory_space<vmem_shared>>
      tpu.wait_dma2 semaphore(%run_scoped3A_191 : memref<!tpu.dma_semaphore, #tpu.memory_space<semaphore_mem>>) src(%arg10 : memref<128x16xf32, #tpu.memory_space<vmem>>) dst(%dma_wait3A_199 : memref<128x16xf32, #tpu.memory_space<vmem_shared>>)
      tpu.yield
    }) : () -> ()
    %mul3A_22 = arith.constant 640 : i32
    %mul3A_23 = arith.muli %arg1, %mul3A_22 : i32
    %add3A_24 = arith.constant 512 : i32
    %add3A_25 = arith.addi %mul3A_23, %add3A_24 : i32
    "tpu.region"() ({
      %run_scoped3A_191 = tpu.sem_alloc : memref<!tpu.dma_semaphore, #tpu.memory_space<semaphore_mem>>
      %dma_start3A_192 = arith.constant 0 : i32
      %dma_start3A_193 = tpu.memref_slice %arg15[%add3A_25, %dma_start3A_192] : memref<10240x16xf32, #tpu.memory_space<vmem_shared>> -> memref<128x16xf32, #tpu.memory_space<vmem_shared>>
      %dma_start3A_194 = arith.constant 0 : i32
      %dma_start3A_195 = tpu.memref_slice %arg15[%add3A_25, %dma_start3A_194] : memref<10240x16xf32, #tpu.memory_space<vmem_shared>> -> memref<128x16xf32, #tpu.memory_space<vmem_shared>>
      tpu.enqueue_dma source(%arg10 : memref<128x16xf32, #tpu.memory_space<vmem>>) target(%dma_start3A_195 : memref<128x16xf32, #tpu.memory_space<vmem_shared>>) target_semaphore(%run_scoped3A_191 : memref<!tpu.dma_semaphore, #tpu.memory_space<semaphore_mem>>)
      %dma_wait3A_196 = arith.constant 0 : i32
      %dma_wait3A_197 = tpu.memref_slice %arg15[%add3A_25, %dma_wait3A_196] : memref<10240x16xf32, #tpu.memory_space<vmem_shared>> -> memref<128x16xf32, #tpu.memory_space<vmem_shared>>
      %dma_wait3A_198 = arith.constant 0 : i32
      %dma_wait3A_199 = tpu.memref_slice %arg15[%add3A_25, %dma_wait3A_198] : memref<10240x16xf32, #tpu.memory_space<vmem_shared>> -> memref<128x16xf32, #tpu.memory_space<vmem_shared>>
      tpu.wait_dma2 semaphore(%run_scoped3A_191 : memref<!tpu.dma_semaphore, #tpu.memory_space<semaphore_mem>>) src(%arg10 : memref<128x16xf32, #tpu.memory_space<vmem>>) dst(%dma_wait3A_199 : memref<128x16xf32, #tpu.memory_space<vmem_shared>>)
      tpu.yield
    }) : () -> ()
    %barrier3A = arith.constant 0 : index
    tpu.barrier barrier_id(%barrier3A)
    %min3A = arith.constant 0 : i32
    %min3A_26 = arith.constant 77 : i32
    %min3A_27 = arith.minsi %min3A, %min3A_26 : i32
    %mul3A_28 = arith.constant 10000 : i32
    %mul3A_29 = arith.muli %add3A, %mul3A_28 : i32
    %mul3A_30 = arith.constant 128 : i32
    %mul3A_31 = arith.muli %min3A_27, %mul3A_30 : i32
    %add3A_32 = arith.addi %mul3A_29, %mul3A_31 : i32
    %multiple_of3A = tpu.assume_multiple %add3A_32, 8 : i32
    "tpu.region"() ({
      %run_scoped3A_191 = tpu.sem_alloc : memref<!tpu.dma_semaphore, #tpu.memory_space<semaphore_mem>>
      %dma_start3A_192 = arith.constant 0 : i32
      %dma_start3A_193 = tpu.memref_slice %arg3[%dma_start3A_192, %multiple_of3A] : memref<2x320000xi32, #tpu.memory_space<hbm>> -> memref<2x128xi32, #tpu.memory_space<hbm>>
      %dma_start3A_194 = arith.constant 0 : i32
      %dma_start3A_195 = tpu.memref_slice %arg3[%dma_start3A_194, %multiple_of3A] : memref<2x320000xi32, #tpu.memory_space<hbm>> -> memref<2x128xi32, #tpu.memory_space<hbm>>
      tpu.enqueue_dma source(%dma_start3A_195 : memref<2x128xi32, #tpu.memory_space<hbm>>) target(%arg5 : memref<2x128xi32, #tpu.memory_space<vmem>>) target_semaphore(%run_scoped3A_191 : memref<!tpu.dma_semaphore, #tpu.memory_space<semaphore_mem>>)
      %dma_wait3A_196 = arith.constant 0 : i32
      %dma_wait3A_197 = tpu.memref_slice %arg3[%dma_wait3A_196, %multiple_of3A] : memref<2x320000xi32, #tpu.memory_space<hbm>> -> memref<2x128xi32, #tpu.memory_space<hbm>>
      %dma_wait3A_198 = arith.constant 0 : i32
      %dma_wait3A_199 = tpu.memref_slice %arg3[%dma_wait3A_198, %multiple_of3A] : memref<2x320000xi32, #tpu.memory_space<hbm>> -> memref<2x128xi32, #tpu.memory_space<hbm>>
      tpu.wait_dma2 semaphore(%run_scoped3A_191 : memref<!tpu.dma_semaphore, #tpu.memory_space<semaphore_mem>>) src(%dma_wait3A_199 : memref<2x128xi32, #tpu.memory_space<hbm>>) dst(%arg5 : memref<2x128xi32, #tpu.memory_space<vmem>>)
      tpu.yield
    }) : () -> ()
    %dma_start3A = arith.constant 0 : i32
    %dma_start3A_33 = arith.constant 0 : i32
    %dma_start3A_34 = tpu.memref_slice %arg5[%dma_start3A, %dma_start3A_33] : memref<2x128xi32, #tpu.memory_space<vmem>> -> memref<1x128xi32, #tpu.memory_space<vmem>>
    %dma_start3A_35 = tpu.memref_squeeze %dma_start3A_34 : memref<1x128xi32, #tpu.memory_space<vmem>> -> memref<128xi32, #tpu.memory_space<vmem>>
    %dma_start3A_36 = arith.constant 0 : i32
    %dma_start3A_37 = arith.constant 0 : i32
    %dma_start3A_38 = tpu.memref_slice %arg2[%dma_start3A_36, %dma_start3A_37] : memref<10240x16xf32, #tpu.memory_space<hbm>> -> memref<10240x16xf32, #tpu.memory_space<hbm>>
    tpu.enqueue_indirect_dma source(%dma_start3A_38 : memref<10240x16xf32, #tpu.memory_space<hbm>>) target(%arg10 : memref<128x16xf32, #tpu.memory_space<vmem>>) offsets(%dma_start3A_35 : memref<128xi32, #tpu.memory_space<vmem>>) semaphore(%arg20 : memref<!tpu.dma_semaphore, #tpu.memory_space<semaphore_mem>>)
    %min3A_39 = arith.constant 1 : i32
    %min3A_40 = arith.constant 77 : i32
    %min3A_41 = arith.minsi %min3A_39, %min3A_40 : i32
    %mul3A_42 = arith.constant 10000 : i32
    %mul3A_43 = arith.muli %add3A, %mul3A_42 : i32
    %mul3A_44 = arith.constant 128 : i32
    %mul3A_45 = arith.muli %min3A_41, %mul3A_44 : i32
    %add3A_46 = arith.addi %mul3A_43, %mul3A_45 : i32
    %multiple_of3A_47 = tpu.assume_multiple %add3A_46, 8 : i32
    %dma_start3A_48 = arith.constant 0 : i32
    %dma_start3A_49 = tpu.memref_slice %arg3[%dma_start3A_48, %multiple_of3A_47] : memref<2x320000xi32, #tpu.memory_space<hbm>> -> memref<2x128xi32, #tpu.memory_space<hbm>>
    %dma_start3A_50 = arith.constant 0 : i32
    %dma_start3A_51 = tpu.memref_slice %arg3[%dma_start3A_50, %multiple_of3A_47] : memref<2x320000xi32, #tpu.memory_space<hbm>> -> memref<2x128xi32, #tpu.memory_space<hbm>>
    tpu.enqueue_dma source(%dma_start3A_51 : memref<2x128xi32, #tpu.memory_space<hbm>>) target(%arg6 : memref<2x128xi32, #tpu.memory_space<vmem>>) target_semaphore(%arg17 : memref<!tpu.dma_semaphore, #tpu.memory_space<semaphore_mem>>)
    %dma_wait3A = arith.constant 0 : i32
    %dma_wait3A_52 = arith.constant 0 : i32
    %dma_wait3A_53 = tpu.memref_slice %arg3[%dma_wait3A, %dma_wait3A_52] : memref<2x320000xi32, #tpu.memory_space<hbm>> -> memref<2x128xi32, #tpu.memory_space<hbm>>
    %dma_wait3A_54 = arith.constant 0 : i32
    %dma_wait3A_55 = arith.constant 0 : i32
    %dma_wait3A_56 = tpu.memref_slice %arg3[%dma_wait3A_54, %dma_wait3A_55] : memref<2x320000xi32, #tpu.memory_space<hbm>> -> memref<2x128xi32, #tpu.memory_space<hbm>>
    tpu.wait_dma2 semaphore(%arg17 : memref<!tpu.dma_semaphore, #tpu.memory_space<semaphore_mem>>) src(%dma_wait3A_56 : memref<2x128xi32, #tpu.memory_space<hbm>>) dst(%arg6 : memref<2x128xi32, #tpu.memory_space<vmem>>)
    %dma_start3A_57 = arith.constant 0 : i32
    %dma_start3A_58 = arith.constant 0 : i32
    %dma_start3A_59 = tpu.memref_slice %arg6[%dma_start3A_57, %dma_start3A_58] : memref<2x128xi32, #tpu.memory_space<vmem>> -> memref<1x128xi32, #tpu.memory_space<vmem>>
    %dma_start3A_60 = tpu.memref_squeeze %dma_start3A_59 : memref<1x128xi32, #tpu.memory_space<vmem>> -> memref<128xi32, #tpu.memory_space<vmem>>
    %dma_start3A_61 = arith.constant 0 : i32
    %dma_start3A_62 = arith.constant 0 : i32
    %dma_start3A_63 = tpu.memref_slice %arg2[%dma_start3A_61, %dma_start3A_62] : memref<10240x16xf32, #tpu.memory_space<hbm>> -> memref<10240x16xf32, #tpu.memory_space<hbm>>
    tpu.enqueue_indirect_dma source(%dma_start3A_63 : memref<10240x16xf32, #tpu.memory_space<hbm>>) target(%arg11 : memref<128x16xf32, #tpu.memory_space<vmem>>) offsets(%dma_start3A_60 : memref<128xi32, #tpu.memory_space<vmem>>) semaphore(%arg21 : memref<!tpu.dma_semaphore, #tpu.memory_space<semaphore_mem>>)
    %dma_wait3A_64 = arith.constant 0 : i32
    %dma_wait3A_65 = arith.constant 0 : i32
    %dma_wait3A_66 = tpu.memref_slice %arg5[%dma_wait3A_64, %dma_wait3A_65] : memref<2x128xi32, #tpu.memory_space<vmem>> -> memref<1x128xi32, #tpu.memory_space<vmem>>
    %dma_wait3A_67 = tpu.memref_squeeze %dma_wait3A_66 : memref<1x128xi32, #tpu.memory_space<vmem>> -> memref<128xi32, #tpu.memory_space<vmem>>
    %dma_wait3A_68 = arith.constant 0 : i32
    %dma_wait3A_69 = arith.constant 0 : i32
    %dma_wait3A_70 = tpu.memref_slice %arg2[%dma_wait3A_68, %dma_wait3A_69] : memref<10240x16xf32, #tpu.memory_space<hbm>> -> memref<10240x16xf32, #tpu.memory_space<hbm>>
    tpu.wait_indirect_dma semaphore(%arg20 : memref<!tpu.dma_semaphore, #tpu.memory_space<semaphore_mem>>) src(%dma_wait3A_70 : memref<10240x16xf32, #tpu.memory_space<hbm>>) dst(%arg10 : memref<128x16xf32, #tpu.memory_space<vmem>>)
    %dma_start3A_71 = arith.constant 1 : i32
    %dma_start3A_72 = arith.constant 0 : i32
    %dma_start3A_73 = tpu.memref_slice %arg5[%dma_start3A_71, %dma_start3A_72] : memref<2x128xi32, #tpu.memory_space<vmem>> -> memref<1x128xi32, #tpu.memory_space<vmem>>
    %dma_start3A_74 = tpu.memref_squeeze %dma_start3A_73 : memref<1x128xi32, #tpu.memory_space<vmem>> -> memref<128xi32, #tpu.memory_space<vmem>>
    %dma_start3A_75 = arith.constant 0 : i32
    %dma_start3A_76 = arith.constant 0 : i32
    %dma_start3A_77 = tpu.memref_slice %arg15[%dma_start3A_75, %dma_start3A_76] : memref<10240x16xf32, #tpu.memory_space<vmem_shared>> -> memref<10240x16xf32, #tpu.memory_space<vmem_shared>>
    tpu.enqueue_indirect_dma source(%arg10 : memref<128x16xf32, #tpu.memory_space<vmem>>) target(%dma_start3A_77 : memref<10240x16xf32, #tpu.memory_space<vmem_shared>>) offsets(%dma_start3A_74 : memref<128xi32, #tpu.memory_space<vmem>>) semaphore(%arg24 : memref<!tpu.dma_semaphore, #tpu.memory_space<semaphore_mem>>) {add = true}
    %add3A_78 = arith.constant 0 : i32
    %add3A_79 = arith.constant 2 : i32
    %add3A_80 = arith.addi %add3A_78, %add3A_79 : i32
    %min3A_81 = arith.constant 77 : i32
    %min3A_82 = arith.minsi %add3A_80, %min3A_81 : i32
    %mul3A_83 = arith.constant 10000 : i32
    %mul3A_84 = arith.muli %add3A, %mul3A_83 : i32
    %mul3A_85 = arith.constant 128 : i32
    %mul3A_86 = arith.muli %min3A_82, %mul3A_85 : i32
    %add3A_87 = arith.addi %mul3A_84, %mul3A_86 : i32
    %multiple_of3A_88 = tpu.assume_multiple %add3A_87, 8 : i32
    %dma_start3A_89 = arith.constant 0 : i32
    %dma_start3A_90 = tpu.memref_slice %arg3[%dma_start3A_89, %multiple_of3A_88] : memref<2x320000xi32, #tpu.memory_space<hbm>> -> memref<2x128xi32, #tpu.memory_space<hbm>>
    %dma_start3A_91 = arith.constant 0 : i32
    %dma_start3A_92 = tpu.memref_slice %arg3[%dma_start3A_91, %multiple_of3A_88] : memref<2x320000xi32, #tpu.memory_space<hbm>> -> memref<2x128xi32, #tpu.memory_space<hbm>>
    tpu.enqueue_dma source(%dma_start3A_92 : memref<2x128xi32, #tpu.memory_space<hbm>>) target(%arg7 : memref<2x128xi32, #tpu.memory_space<vmem>>) target_semaphore(%arg18 : memref<!tpu.dma_semaphore, #tpu.memory_space<semaphore_mem>>)
    %dma_wait3A_93 = arith.constant 0 : i32
    %dma_wait3A_94 = arith.constant 0 : i32
    %dma_wait3A_95 = tpu.memref_slice %arg3[%dma_wait3A_93, %dma_wait3A_94] : memref<2x320000xi32, #tpu.memory_space<hbm>> -> memref<2x128xi32, #tpu.memory_space<hbm>>
    %dma_wait3A_96 = arith.constant 0 : i32
    %dma_wait3A_97 = arith.constant 0 : i32
    %dma_wait3A_98 = tpu.memref_slice %arg3[%dma_wait3A_96, %dma_wait3A_97] : memref<2x320000xi32, #tpu.memory_space<hbm>> -> memref<2x128xi32, #tpu.memory_space<hbm>>
    tpu.wait_dma2 semaphore(%arg18 : memref<!tpu.dma_semaphore, #tpu.memory_space<semaphore_mem>>) src(%dma_wait3A_98 : memref<2x128xi32, #tpu.memory_space<hbm>>) dst(%arg7 : memref<2x128xi32, #tpu.memory_space<vmem>>)
    %dma_start3A_99 = arith.constant 0 : i32
    %dma_start3A_100 = arith.constant 0 : i32
    %dma_start3A_101 = tpu.memref_slice %arg7[%dma_start3A_99, %dma_start3A_100] : memref<2x128xi32, #tpu.memory_space<vmem>> -> memref<1x128xi32, #tpu.memory_space<vmem>>
    %dma_start3A_102 = tpu.memref_squeeze %dma_start3A_101 : memref<1x128xi32, #tpu.memory_space<vmem>> -> memref<128xi32, #tpu.memory_space<vmem>>
    %dma_start3A_103 = arith.constant 0 : i32
    %dma_start3A_104 = arith.constant 0 : i32
    %dma_start3A_105 = tpu.memref_slice %arg2[%dma_start3A_103, %dma_start3A_104] : memref<10240x16xf32, #tpu.memory_space<hbm>> -> memref<10240x16xf32, #tpu.memory_space<hbm>>
    tpu.enqueue_indirect_dma source(%dma_start3A_105 : memref<10240x16xf32, #tpu.memory_space<hbm>>) target(%arg12 : memref<128x16xf32, #tpu.memory_space<vmem>>) offsets(%dma_start3A_102 : memref<128xi32, #tpu.memory_space<vmem>>) semaphore(%arg22 : memref<!tpu.dma_semaphore, #tpu.memory_space<semaphore_mem>>)
    %dma_wait3A_106 = arith.constant 0 : i32
    %dma_wait3A_107 = arith.constant 0 : i32
    %dma_wait3A_108 = tpu.memref_slice %arg6[%dma_wait3A_106, %dma_wait3A_107] : memref<2x128xi32, #tpu.memory_space<vmem>> -> memref<1x128xi32, #tpu.memory_space<vmem>>
    %dma_wait3A_109 = tpu.memref_squeeze %dma_wait3A_108 : memref<1x128xi32, #tpu.memory_space<vmem>> -> memref<128xi32, #tpu.memory_space<vmem>>
    %dma_wait3A_110 = arith.constant 0 : i32
    %dma_wait3A_111 = arith.constant 0 : i32
    %dma_wait3A_112 = tpu.memref_slice %arg2[%dma_wait3A_110, %dma_wait3A_111] : memref<10240x16xf32, #tpu.memory_space<hbm>> -> memref<10240x16xf32, #tpu.memory_space<hbm>>
    tpu.wait_indirect_dma semaphore(%arg21 : memref<!tpu.dma_semaphore, #tpu.memory_space<semaphore_mem>>) src(%dma_wait3A_112 : memref<10240x16xf32, #tpu.memory_space<hbm>>) dst(%arg11 : memref<128x16xf32, #tpu.memory_space<vmem>>)
    %dma_start3A_113 = arith.constant 1 : i32
    %dma_start3A_114 = arith.constant 0 : i32
    %dma_start3A_115 = tpu.memref_slice %arg6[%dma_start3A_113, %dma_start3A_114] : memref<2x128xi32, #tpu.memory_space<vmem>> -> memref<1x128xi32, #tpu.memory_space<vmem>>
    %dma_start3A_116 = tpu.memref_squeeze %dma_start3A_115 : memref<1x128xi32, #tpu.memory_space<vmem>> -> memref<128xi32, #tpu.memory_space<vmem>>
    %dma_start3A_117 = arith.constant 0 : i32
    %dma_start3A_118 = arith.constant 0 : i32
    %dma_start3A_119 = tpu.memref_slice %arg15[%dma_start3A_117, %dma_start3A_118] : memref<10240x16xf32, #tpu.memory_space<vmem_shared>> -> memref<10240x16xf32, #tpu.memory_space<vmem_shared>>
    tpu.enqueue_indirect_dma source(%arg11 : memref<128x16xf32, #tpu.memory_space<vmem>>) target(%dma_start3A_119 : memref<10240x16xf32, #tpu.memory_space<vmem_shared>>) offsets(%dma_start3A_116 : memref<128xi32, #tpu.memory_space<vmem>>) semaphore(%arg25 : memref<!tpu.dma_semaphore, #tpu.memory_space<semaphore_mem>>) {add = true}
    %add3A_120 = arith.constant 1 : i32
    %add3A_121 = arith.constant 2 : i32
    %add3A_122 = arith.addi %add3A_120, %add3A_121 : i32
    %min3A_123 = arith.constant 77 : i32
    %min3A_124 = arith.minsi %add3A_122, %min3A_123 : i32
    %mul3A_125 = arith.constant 10000 : i32
    %mul3A_126 = arith.muli %add3A, %mul3A_125 : i32
    %mul3A_127 = arith.constant 128 : i32
    %mul3A_128 = arith.muli %min3A_124, %mul3A_127 : i32
    %add3A_129 = arith.addi %mul3A_126, %mul3A_128 : i32
    %multiple_of3A_130 = tpu.assume_multiple %add3A_129, 8 : i32
    %dma_start3A_131 = arith.constant 0 : i32
    %dma_start3A_132 = tpu.memref_slice %arg3[%dma_start3A_131, %multiple_of3A_130] : memref<2x320000xi32, #tpu.memory_space<hbm>> -> memref<2x128xi32, #tpu.memory_space<hbm>>
    %dma_start3A_133 = arith.constant 0 : i32
    %dma_start3A_134 = tpu.memref_slice %arg3[%dma_start3A_133, %multiple_of3A_130] : memref<2x320000xi32, #tpu.memory_space<hbm>> -> memref<2x128xi32, #tpu.memory_space<hbm>>
    tpu.enqueue_dma source(%dma_start3A_134 : memref<2x128xi32, #tpu.memory_space<hbm>>) target(%arg8 : memref<2x128xi32, #tpu.memory_space<vmem>>) target_semaphore(%arg19 : memref<!tpu.dma_semaphore, #tpu.memory_space<semaphore_mem>>)
    %scan3A_135 = arith.constant 0 : i32
    %scan3A_136 = arith.constant 19 : i32
    %scan3A_137 = arith.addi %scan3A_135, %scan3A_136 : i32
    %scan3A_138 = arith.constant 1 : i32
    scf.for %scan3A_191 = %scan3A_135 to %scan3A_137 step %scan3A_138  : i32 {
      %mul3A_192 = arith.constant 1 : i32
      %mul3A_193 = arith.muli %scan3A_191, %mul3A_192 : i32
      %add3A_194 = arith.constant 0 : i32
      %add3A_195 = arith.addi %add3A_194, %mul3A_193 : i32
      %mul3A_196 = arith.constant 4 : i32
      %mul3A_197 = arith.muli %add3A_195, %mul3A_196 : i32
      %add3A_198 = arith.constant 2 : i32
      %add3A_199 = arith.addi %add3A_198, %mul3A_197 : i32
      %add3A_200 = arith.constant 0 : i32
      %add3A_201 = arith.addi %add3A_199, %add3A_200 : i32
      %dma_wait3A_202 = arith.constant 0 : i32
      %dma_wait3A_203 = arith.constant 0 : i32
      %dma_wait3A_204 = tpu.memref_slice %arg3[%dma_wait3A_202, %dma_wait3A_203] : memref<2x320000xi32, #tpu.memory_space<hbm>> -> memref<2x128xi32, #tpu.memory_space<hbm>>
      %dma_wait3A_205 = arith.constant 0 : i32
      %dma_wait3A_206 = arith.constant 0 : i32
      %dma_wait3A_207 = tpu.memref_slice %arg3[%dma_wait3A_205, %dma_wait3A_206] : memref<2x320000xi32, #tpu.memory_space<hbm>> -> memref<2x128xi32, #tpu.memory_space<hbm>>
      tpu.wait_dma2 semaphore(%arg19 : memref<!tpu.dma_semaphore, #tpu.memory_space<semaphore_mem>>) src(%dma_wait3A_207 : memref<2x128xi32, #tpu.memory_space<hbm>>) dst(%arg8 : memref<2x128xi32, #tpu.memory_space<vmem>>)
      %dma_start3A_208 = arith.constant 0 : i32
      %dma_start3A_209 = arith.constant 0 : i32
      %dma_start3A_210 = tpu.memref_slice %arg8[%dma_start3A_208, %dma_start3A_209] : memref<2x128xi32, #tpu.memory_space<vmem>> -> memref<1x128xi32, #tpu.memory_space<vmem>>
      %dma_start3A_211 = tpu.memref_squeeze %dma_start3A_210 : memref<1x128xi32, #tpu.memory_space<vmem>> -> memref<128xi32, #tpu.memory_space<vmem>>
      %dma_start3A_212 = arith.constant 0 : i32
      %dma_start3A_213 = arith.constant 0 : i32
      %dma_start3A_214 = tpu.memref_slice %arg2[%dma_start3A_212, %dma_start3A_213] : memref<10240x16xf32, #tpu.memory_space<hbm>> -> memref<10240x16xf32, #tpu.memory_space<hbm>>
      tpu.enqueue_indirect_dma source(%dma_start3A_214 : memref<10240x16xf32, #tpu.memory_space<hbm>>) target(%arg13 : memref<128x16xf32, #tpu.memory_space<vmem>>) offsets(%dma_start3A_211 : memref<128xi32, #tpu.memory_space<vmem>>) semaphore(%arg23 : memref<!tpu.dma_semaphore, #tpu.memory_space<semaphore_mem>>)
      %dma_wait3A_215 = arith.constant 0 : i32
      %dma_wait3A_216 = arith.constant 0 : i32
      %dma_wait3A_217 = tpu.memref_slice %arg7[%dma_wait3A_215, %dma_wait3A_216] : memref<2x128xi32, #tpu.memory_space<vmem>> -> memref<1x128xi32, #tpu.memory_space<vmem>>
      %dma_wait3A_218 = tpu.memref_squeeze %dma_wait3A_217 : memref<1x128xi32, #tpu.memory_space<vmem>> -> memref<128xi32, #tpu.memory_space<vmem>>
      %dma_wait3A_219 = arith.constant 0 : i32
      %dma_wait3A_220 = arith.constant 0 : i32
      %dma_wait3A_221 = tpu.memref_slice %arg2[%dma_wait3A_219, %dma_wait3A_220] : memref<10240x16xf32, #tpu.memory_space<hbm>> -> memref<10240x16xf32, #tpu.memory_space<hbm>>
      tpu.wait_indirect_dma semaphore(%arg22 : memref<!tpu.dma_semaphore, #tpu.memory_space<semaphore_mem>>) src(%dma_wait3A_221 : memref<10240x16xf32, #tpu.memory_space<hbm>>) dst(%arg12 : memref<128x16xf32, #tpu.memory_space<vmem>>)
      %dma_start3A_222 = arith.constant 1 : i32
      %dma_start3A_223 = arith.constant 0 : i32
      %dma_start3A_224 = tpu.memref_slice %arg7[%dma_start3A_222, %dma_start3A_223] : memref<2x128xi32, #tpu.memory_space<vmem>> -> memref<1x128xi32, #tpu.memory_space<vmem>>
      %dma_start3A_225 = tpu.memref_squeeze %dma_start3A_224 : memref<1x128xi32, #tpu.memory_space<vmem>> -> memref<128xi32, #tpu.memory_space<vmem>>
      %dma_start3A_226 = arith.constant 0 : i32
      %dma_start3A_227 = arith.constant 0 : i32
      %dma_start3A_228 = tpu.memref_slice %arg15[%dma_start3A_226, %dma_start3A_227] : memref<10240x16xf32, #tpu.memory_space<vmem_shared>> -> memref<10240x16xf32, #tpu.memory_space<vmem_shared>>
      tpu.enqueue_indirect_dma source(%arg12 : memref<128x16xf32, #tpu.memory_space<vmem>>) target(%dma_start3A_228 : memref<10240x16xf32, #tpu.memory_space<vmem_shared>>) offsets(%dma_start3A_225 : memref<128xi32, #tpu.memory_space<vmem>>) semaphore(%arg26 : memref<!tpu.dma_semaphore, #tpu.memory_space<semaphore_mem>>) {add = true}
      %dma_wait3A_229 = arith.constant 1 : i32
      %dma_wait3A_230 = arith.constant 0 : i32
      %dma_wait3A_231 = tpu.memref_slice %arg5[%dma_wait3A_229, %dma_wait3A_230] : memref<2x128xi32, #tpu.memory_space<vmem>> -> memref<1x128xi32, #tpu.memory_space<vmem>>
      %dma_wait3A_232 = tpu.memref_squeeze %dma_wait3A_231 : memref<1x128xi32, #tpu.memory_space<vmem>> -> memref<128xi32, #tpu.memory_space<vmem>>
      %dma_wait3A_233 = arith.constant 0 : i32
      %dma_wait3A_234 = arith.constant 0 : i32
      %dma_wait3A_235 = tpu.memref_slice %arg15[%dma_wait3A_233, %dma_wait3A_234] : memref<10240x16xf32, #tpu.memory_space<vmem_shared>> -> memref<10240x16xf32, #tpu.memory_space<vmem_shared>>
      tpu.wait_indirect_dma semaphore(%arg24 : memref<!tpu.dma_semaphore, #tpu.memory_space<semaphore_mem>>) src(%arg10 : memref<128x16xf32, #tpu.memory_space<vmem>>) dst(%dma_wait3A_235 : memref<10240x16xf32, #tpu.memory_space<vmem_shared>>)
      %add3A_236 = arith.constant 2 : i32
      %add3A_237 = arith.addi %add3A_201, %add3A_236 : i32
      %min3A_238 = arith.constant 77 : i32
      %min3A_239 = arith.minsi %add3A_237, %min3A_238 : i32
      %mul3A_240 = arith.constant 10000 : i32
      %mul3A_241 = arith.muli %add3A, %mul3A_240 : i32
      %mul3A_242 = arith.constant 128 : i32
      %mul3A_243 = arith.muli %min3A_239, %mul3A_242 : i32
      %add3A_244 = arith.addi %mul3A_241, %mul3A_243 : i32
      %multiple_of3A_245 = tpu.assume_multiple %add3A_244, 8 : i32
      %dma_start3A_246 = arith.constant 0 : i32
      %dma_start3A_247 = tpu.memref_slice %arg3[%dma_start3A_246, %multiple_of3A_245] : memref<2x320000xi32, #tpu.memory_space<hbm>> -> memref<2x128xi32, #tpu.memory_space<hbm>>
      %dma_start3A_248 = arith.constant 0 : i32
      %dma_start3A_249 = tpu.memref_slice %arg3[%dma_start3A_248, %multiple_of3A_245] : memref<2x320000xi32, #tpu.memory_space<hbm>> -> memref<2x128xi32, #tpu.memory_space<hbm>>
      tpu.enqueue_dma source(%dma_start3A_249 : memref<2x128xi32, #tpu.memory_space<hbm>>) target(%arg5 : memref<2x128xi32, #tpu.memory_space<vmem>>) target_semaphore(%arg16 : memref<!tpu.dma_semaphore, #tpu.memory_space<semaphore_mem>>)
      %mul3A_250 = arith.constant 4 : i32
      %mul3A_251 = arith.muli %add3A_195, %mul3A_250 : i32
      %add3A_252 = arith.constant 2 : i32
      %add3A_253 = arith.addi %add3A_252, %mul3A_251 : i32
      %add3A_254 = arith.constant 1 : i32
      %add3A_255 = arith.addi %add3A_253, %add3A_254 : i32
      %dma_wait3A_256 = arith.constant 0 : i32
      %dma_wait3A_257 = arith.constant 0 : i32
      %dma_wait3A_258 = tpu.memref_slice %arg3[%dma_wait3A_256, %dma_wait3A_257] : memref<2x320000xi32, #tpu.memory_space<hbm>> -> memref<2x128xi32, #tpu.memory_space<hbm>>
      %dma_wait3A_259 = arith.constant 0 : i32
      %dma_wait3A_260 = arith.constant 0 : i32
      %dma_wait3A_261 = tpu.memref_slice %arg3[%dma_wait3A_259, %dma_wait3A_260] : memref<2x320000xi32, #tpu.memory_space<hbm>> -> memref<2x128xi32, #tpu.memory_space<hbm>>
      tpu.wait_dma2 semaphore(%arg16 : memref<!tpu.dma_semaphore, #tpu.memory_space<semaphore_mem>>) src(%dma_wait3A_261 : memref<2x128xi32, #tpu.memory_space<hbm>>) dst(%arg5 : memref<2x128xi32, #tpu.memory_space<vmem>>)
      %dma_start3A_262 = arith.constant 0 : i32
      %dma_start3A_263 = arith.constant 0 : i32
      %dma_start3A_264 = tpu.memref_slice %arg5[%dma_start3A_262, %dma_start3A_263] : memref<2x128xi32, #tpu.memory_space<vmem>> -> memref<1x128xi32, #tpu.memory_space<vmem>>
      %dma_start3A_265 = tpu.memref_squeeze %dma_start3A_264 : memref<1x128xi32, #tpu.memory_space<vmem>> -> memref<128xi32, #tpu.memory_space<vmem>>
      %dma_start3A_266 = arith.constant 0 : i32
      %dma_start3A_267 = arith.constant 0 : i32
      %dma_start3A_268 = tpu.memref_slice %arg2[%dma_start3A_266, %dma_start3A_267] : memref<10240x16xf32, #tpu.memory_space<hbm>> -> memref<10240x16xf32, #tpu.memory_space<hbm>>
      tpu.enqueue_indirect_dma source(%dma_start3A_268 : memref<10240x16xf32, #tpu.memory_space<hbm>>) target(%arg10 : memref<128x16xf32, #tpu.memory_space<vmem>>) offsets(%dma_start3A_265 : memref<128xi32, #tpu.memory_space<vmem>>) semaphore(%arg20 : memref<!tpu.dma_semaphore, #tpu.memory_space<semaphore_mem>>)
      %dma_wait3A_269 = arith.constant 0 : i32
      %dma_wait3A_270 = arith.constant 0 : i32
      %dma_wait3A_271 = tpu.memref_slice %arg8[%dma_wait3A_269, %dma_wait3A_270] : memref<2x128xi32, #tpu.memory_space<vmem>> -> memref<1x128xi32, #tpu.memory_space<vmem>>
      %dma_wait3A_272 = tpu.memref_squeeze %dma_wait3A_271 : memref<1x128xi32, #tpu.memory_space<vmem>> -> memref<128xi32, #tpu.memory_space<vmem>>
      %dma_wait3A_273 = arith.constant 0 : i32
      %dma_wait3A_274 = arith.constant 0 : i32
      %dma_wait3A_275 = tpu.memref_slice %arg2[%dma_wait3A_273, %dma_wait3A_274] : memref<10240x16xf32, #tpu.memory_space<hbm>> -> memref<10240x16xf32, #tpu.memory_space<hbm>>
      tpu.wait_indirect_dma semaphore(%arg23 : memref<!tpu.dma_semaphore, #tpu.memory_space<semaphore_mem>>) src(%dma_wait3A_275 : memref<10240x16xf32, #tpu.memory_space<hbm>>) dst(%arg13 : memref<128x16xf32, #tpu.memory_space<vmem>>)
      %dma_start3A_276 = arith.constant 1 : i32
      %dma_start3A_277 = arith.constant 0 : i32
      %dma_start3A_278 = tpu.memref_slice %arg8[%dma_start3A_276, %dma_start3A_277] : memref<2x128xi32, #tpu.memory_space<vmem>> -> memref<1x128xi32, #tpu.memory_space<vmem>>
      %dma_start3A_279 = tpu.memref_squeeze %dma_start3A_278 : memref<1x128xi32, #tpu.memory_space<vmem>> -> memref<128xi32, #tpu.memory_space<vmem>>
      %dma_start3A_280 = arith.constant 0 : i32
      %dma_start3A_281 = arith.constant 0 : i32
      %dma_start3A_282 = tpu.memref_slice %arg15[%dma_start3A_280, %dma_start3A_281] : memref<10240x16xf32, #tpu.memory_space<vmem_shared>> -> memref<10240x16xf32, #tpu.memory_space<vmem_shared>>
      tpu.enqueue_indirect_dma source(%arg13 : memref<128x16xf32, #tpu.memory_space<vmem>>) target(%dma_start3A_282 : memref<10240x16xf32, #tpu.memory_space<vmem_shared>>) offsets(%dma_start3A_279 : memref<128xi32, #tpu.memory_space<vmem>>) semaphore(%arg27 : memref<!tpu.dma_semaphore, #tpu.memory_space<semaphore_mem>>) {add = true}
      %dma_wait3A_283 = arith.constant 1 : i32
      %dma_wait3A_284 = arith.constant 0 : i32
      %dma_wait3A_285 = tpu.memref_slice %arg6[%dma_wait3A_283, %dma_wait3A_284] : memref<2x128xi32, #tpu.memory_space<vmem>> -> memref<1x128xi32, #tpu.memory_space<vmem>>
      %dma_wait3A_286 = tpu.memref_squeeze %dma_wait3A_285 : memref<1x128xi32, #tpu.memory_space<vmem>> -> memref<128xi32, #tpu.memory_space<vmem>>
      %dma_wait3A_287 = arith.constant 0 : i32
      %dma_wait3A_288 = arith.constant 0 : i32
      %dma_wait3A_289 = tpu.memref_slice %arg15[%dma_wait3A_287, %dma_wait3A_288] : memref<10240x16xf32, #tpu.memory_space<vmem_shared>> -> memref<10240x16xf32, #tpu.memory_space<vmem_shared>>
      tpu.wait_indirect_dma semaphore(%arg25 : memref<!tpu.dma_semaphore, #tpu.memory_space<semaphore_mem>>) src(%arg11 : memref<128x16xf32, #tpu.memory_space<vmem>>) dst(%dma_wait3A_289 : memref<10240x16xf32, #tpu.memory_space<vmem_shared>>)
      %add3A_290 = arith.constant 2 : i32
      %add3A_291 = arith.addi %add3A_255, %add3A_290 : i32
      %min3A_292 = arith.constant 77 : i32
      %min3A_293 = arith.minsi %add3A_291, %min3A_292 : i32
      %mul3A_294 = arith.constant 10000 : i32
      %mul3A_295 = arith.muli %add3A, %mul3A_294 : i32
      %mul3A_296 = arith.constant 128 : i32
      %mul3A_297 = arith.muli %min3A_293, %mul3A_296 : i32
      %add3A_298 = arith.addi %mul3A_295, %mul3A_297 : i32
      %multiple_of3A_299 = tpu.assume_multiple %add3A_298, 8 : i32
      %dma_start3A_300 = arith.constant 0 : i32
      %dma_start3A_301 = tpu.memref_slice %arg3[%dma_start3A_300, %multiple_of3A_299] : memref<2x320000xi32, #tpu.memory_space<hbm>> -> memref<2x128xi32, #tpu.memory_space<hbm>>
      %dma_start3A_302 = arith.constant 0 : i32
      %dma_start3A_303 = tpu.memref_slice %arg3[%dma_start3A_302, %multiple_of3A_299] : memref<2x320000xi32, #tpu.memory_space<hbm>> -> memref<2x128xi32, #tpu.memory_space<hbm>>
      tpu.enqueue_dma source(%dma_start3A_303 : memref<2x128xi32, #tpu.memory_space<hbm>>) target(%arg6 : memref<2x128xi32, #tpu.memory_space<vmem>>) target_semaphore(%arg17 : memref<!tpu.dma_semaphore, #tpu.memory_space<semaphore_mem>>)
      %mul3A_304 = arith.constant 4 : i32
      %mul3A_305 = arith.muli %add3A_195, %mul3A_304 : i32
      %add3A_306 = arith.constant 2 : i32
      %add3A_307 = arith.addi %add3A_306, %mul3A_305 : i32
      %add3A_308 = arith.constant 2 : i32
      %add3A_309 = arith.addi %add3A_307, %add3A_308 : i32
      %dma_wait3A_310 = arith.constant 0 : i32
      %dma_wait3A_311 = arith.constant 0 : i32
      %dma_wait3A_312 = tpu.memref_slice %arg3[%dma_wait3A_310, %dma_wait3A_311] : memref<2x320000xi32, #tpu.memory_space<hbm>> -> memref<2x128xi32, #tpu.memory_space<hbm>>
      %dma_wait3A_313 = arith.constant 0 : i32
      %dma_wait3A_314 = arith.constant 0 : i32
      %dma_wait3A_315 = tpu.memref_slice %arg3[%dma_wait3A_313, %dma_wait3A_314] : memref<2x320000xi32, #tpu.memory_space<hbm>> -> memref<2x128xi32, #tpu.memory_space<hbm>>
      tpu.wait_dma2 semaphore(%arg17 : memref<!tpu.dma_semaphore, #tpu.memory_space<semaphore_mem>>) src(%dma_wait3A_315 : memref<2x128xi32, #tpu.memory_space<hbm>>) dst(%arg6 : memref<2x128xi32, #tpu.memory_space<vmem>>)
      %dma_start3A_316 = arith.constant 0 : i32
      %dma_start3A_317 = arith.constant 0 : i32
      %dma_start3A_318 = tpu.memref_slice %arg6[%dma_start3A_316, %dma_start3A_317] : memref<2x128xi32, #tpu.memory_space<vmem>> -> memref<1x128xi32, #tpu.memory_space<vmem>>
      %dma_start3A_319 = tpu.memref_squeeze %dma_start3A_318 : memref<1x128xi32, #tpu.memory_space<vmem>> -> memref<128xi32, #tpu.memory_space<vmem>>
      %dma_start3A_320 = arith.constant 0 : i32
      %dma_start3A_321 = arith.constant 0 : i32
      %dma_start3A_322 = tpu.memref_slice %arg2[%dma_start3A_320, %dma_start3A_321] : memref<10240x16xf32, #tpu.memory_space<hbm>> -> memref<10240x16xf32, #tpu.memory_space<hbm>>
      tpu.enqueue_indirect_dma source(%dma_start3A_322 : memref<10240x16xf32, #tpu.memory_space<hbm>>) target(%arg11 : memref<128x16xf32, #tpu.memory_space<vmem>>) offsets(%dma_start3A_319 : memref<128xi32, #tpu.memory_space<vmem>>) semaphore(%arg21 : memref<!tpu.dma_semaphore, #tpu.memory_space<semaphore_mem>>)
      %dma_wait3A_323 = arith.constant 0 : i32
      %dma_wait3A_324 = arith.constant 0 : i32
      %dma_wait3A_325 = tpu.memref_slice %arg5[%dma_wait3A_323, %dma_wait3A_324] : memref<2x128xi32, #tpu.memory_space<vmem>> -> memref<1x128xi32, #tpu.memory_space<vmem>>
      %dma_wait3A_326 = tpu.memref_squeeze %dma_wait3A_325 : memref<1x128xi32, #tpu.memory_space<vmem>> -> memref<128xi32, #tpu.memory_space<vmem>>
      %dma_wait3A_327 = arith.constant 0 : i32
      %dma_wait3A_328 = arith.constant 0 : i32
      %dma_wait3A_329 = tpu.memref_slice %arg2[%dma_wait3A_327, %dma_wait3A_328] : memref<10240x16xf32, #tpu.memory_space<hbm>> -> memref<10240x16xf32, #tpu.memory_space<hbm>>
      tpu.wait_indirect_dma semaphore(%arg20 : memref<!tpu.dma_semaphore, #tpu.memory_space<semaphore_mem>>) src(%dma_wait3A_329 : memref<10240x16xf32, #tpu.memory_space<hbm>>) dst(%arg10 : memref<128x16xf32, #tpu.memory_space<vmem>>)
      %dma_start3A_330 = arith.constant 1 : i32
      %dma_start3A_331 = arith.constant 0 : i32
      %dma_start3A_332 = tpu.memref_slice %arg5[%dma_start3A_330, %dma_start3A_331] : memref<2x128xi32, #tpu.memory_space<vmem>> -> memref<1x128xi32, #tpu.memory_space<vmem>>
      %dma_start3A_333 = tpu.memref_squeeze %dma_start3A_332 : memref<1x128xi32, #tpu.memory_space<vmem>> -> memref<128xi32, #tpu.memory_space<vmem>>
      %dma_start3A_334 = arith.constant 0 : i32
      %dma_start3A_335 = arith.constant 0 : i32
      %dma_start3A_336 = tpu.memref_slice %arg15[%dma_start3A_334, %dma_start3A_335] : memref<10240x16xf32, #tpu.memory_space<vmem_shared>> -> memref<10240x16xf32, #tpu.memory_space<vmem_shared>>
      tpu.enqueue_indirect_dma source(%arg10 : memref<128x16xf32, #tpu.memory_space<vmem>>) target(%dma_start3A_336 : memref<10240x16xf32, #tpu.memory_space<vmem_shared>>) offsets(%dma_start3A_333 : memref<128xi32, #tpu.memory_space<vmem>>) semaphore(%arg24 : memref<!tpu.dma_semaphore, #tpu.memory_space<semaphore_mem>>) {add = true}
      %dma_wait3A_337 = arith.constant 1 : i32
      %dma_wait3A_338 = arith.constant 0 : i32
      %dma_wait3A_339 = tpu.memref_slice %arg7[%dma_wait3A_337, %dma_wait3A_338] : memref<2x128xi32, #tpu.memory_space<vmem>> -> memref<1x128xi32, #tpu.memory_space<vmem>>
      %dma_wait3A_340 = tpu.memref_squeeze %dma_wait3A_339 : memref<1x128xi32, #tpu.memory_space<vmem>> -> memref<128xi32, #tpu.memory_space<vmem>>
      %dma_wait3A_341 = arith.constant 0 : i32
      %dma_wait3A_342 = arith.constant 0 : i32
      %dma_wait3A_343 = tpu.memref_slice %arg15[%dma_wait3A_341, %dma_wait3A_342] : memref<10240x16xf32, #tpu.memory_space<vmem_shared>> -> memref<10240x16xf32, #tpu.memory_space<vmem_shared>>
      tpu.wait_indirect_dma semaphore(%arg26 : memref<!tpu.dma_semaphore, #tpu.memory_space<semaphore_mem>>) src(%arg12 : memref<128x16xf32, #tpu.memory_space<vmem>>) dst(%dma_wait3A_343 : memref<10240x16xf32, #tpu.memory_space<vmem_shared>>)
      %add3A_344 = arith.constant 2 : i32
      %add3A_345 = arith.addi %add3A_309, %add3A_344 : i32
      %min3A_346 = arith.constant 77 : i32
      %min3A_347 = arith.minsi %add3A_345, %min3A_346 : i32
      %mul3A_348 = arith.constant 10000 : i32
      %mul3A_349 = arith.muli %add3A, %mul3A_348 : i32
      %mul3A_350 = arith.constant 128 : i32
      %mul3A_351 = arith.muli %min3A_347, %mul3A_350 : i32
      %add3A_352 = arith.addi %mul3A_349, %mul3A_351 : i32
      %multiple_of3A_353 = tpu.assume_multiple %add3A_352, 8 : i32
      %dma_start3A_354 = arith.constant 0 : i32
      %dma_start3A_355 = tpu.memref_slice %arg3[%dma_start3A_354, %multiple_of3A_353] : memref<2x320000xi32, #tpu.memory_space<hbm>> -> memref<2x128xi32, #tpu.memory_space<hbm>>
      %dma_start3A_356 = arith.constant 0 : i32
      %dma_start3A_357 = tpu.memref_slice %arg3[%dma_start3A_356, %multiple_of3A_353] : memref<2x320000xi32, #tpu.memory_space<hbm>> -> memref<2x128xi32, #tpu.memory_space<hbm>>
      tpu.enqueue_dma source(%dma_start3A_357 : memref<2x128xi32, #tpu.memory_space<hbm>>) target(%arg7 : memref<2x128xi32, #tpu.memory_space<vmem>>) target_semaphore(%arg18 : memref<!tpu.dma_semaphore, #tpu.memory_space<semaphore_mem>>)
      %mul3A_358 = arith.constant 4 : i32
      %mul3A_359 = arith.muli %add3A_195, %mul3A_358 : i32
      %add3A_360 = arith.constant 2 : i32
      %add3A_361 = arith.addi %add3A_360, %mul3A_359 : i32
      %add3A_362 = arith.constant 3 : i32
      %add3A_363 = arith.addi %add3A_361, %add3A_362 : i32
      %dma_wait3A_364 = arith.constant 0 : i32
      %dma_wait3A_365 = arith.constant 0 : i32
      %dma_wait3A_366 = tpu.memref_slice %arg3[%dma_wait3A_364, %dma_wait3A_365] : memref<2x320000xi32, #tpu.memory_space<hbm>> -> memref<2x128xi32, #tpu.memory_space<hbm>>
      %dma_wait3A_367 = arith.constant 0 : i32
      %dma_wait3A_368 = arith.constant 0 : i32
      %dma_wait3A_369 = tpu.memref_slice %arg3[%dma_wait3A_367, %dma_wait3A_368] : memref<2x320000xi32, #tpu.memory_space<hbm>> -> memref<2x128xi32, #tpu.memory_space<hbm>>
      tpu.wait_dma2 semaphore(%arg18 : memref<!tpu.dma_semaphore, #tpu.memory_space<semaphore_mem>>) src(%dma_wait3A_369 : memref<2x128xi32, #tpu.memory_space<hbm>>) dst(%arg7 : memref<2x128xi32, #tpu.memory_space<vmem>>)
      %dma_start3A_370 = arith.constant 0 : i32
      %dma_start3A_371 = arith.constant 0 : i32
      %dma_start3A_372 = tpu.memref_slice %arg7[%dma_start3A_370, %dma_start3A_371] : memref<2x128xi32, #tpu.memory_space<vmem>> -> memref<1x128xi32, #tpu.memory_space<vmem>>
      %dma_start3A_373 = tpu.memref_squeeze %dma_start3A_372 : memref<1x128xi32, #tpu.memory_space<vmem>> -> memref<128xi32, #tpu.memory_space<vmem>>
      %dma_start3A_374 = arith.constant 0 : i32
      %dma_start3A_375 = arith.constant 0 : i32
      %dma_start3A_376 = tpu.memref_slice %arg2[%dma_start3A_374, %dma_start3A_375] : memref<10240x16xf32, #tpu.memory_space<hbm>> -> memref<10240x16xf32, #tpu.memory_space<hbm>>
      tpu.enqueue_indirect_dma source(%dma_start3A_376 : memref<10240x16xf32, #tpu.memory_space<hbm>>) target(%arg12 : memref<128x16xf32, #tpu.memory_space<vmem>>) offsets(%dma_start3A_373 : memref<128xi32, #tpu.memory_space<vmem>>) semaphore(%arg22 : memref<!tpu.dma_semaphore, #tpu.memory_space<semaphore_mem>>)
      %dma_wait3A_377 = arith.constant 0 : i32
      %dma_wait3A_378 = arith.constant 0 : i32
      %dma_wait3A_379 = tpu.memref_slice %arg6[%dma_wait3A_377, %dma_wait3A_378] : memref<2x128xi32, #tpu.memory_space<vmem>> -> memref<1x128xi32, #tpu.memory_space<vmem>>
      %dma_wait3A_380 = tpu.memref_squeeze %dma_wait3A_379 : memref<1x128xi32, #tpu.memory_space<vmem>> -> memref<128xi32, #tpu.memory_space<vmem>>
      %dma_wait3A_381 = arith.constant 0 : i32
      %dma_wait3A_382 = arith.constant 0 : i32
      %dma_wait3A_383 = tpu.memref_slice %arg2[%dma_wait3A_381, %dma_wait3A_382] : memref<10240x16xf32, #tpu.memory_space<hbm>> -> memref<10240x16xf32, #tpu.memory_space<hbm>>
      tpu.wait_indirect_dma semaphore(%arg21 : memref<!tpu.dma_semaphore, #tpu.memory_space<semaphore_mem>>) src(%dma_wait3A_383 : memref<10240x16xf32, #tpu.memory_space<hbm>>) dst(%arg11 : memref<128x16xf32, #tpu.memory_space<vmem>>)
      %dma_start3A_384 = arith.constant 1 : i32
      %dma_start3A_385 = arith.constant 0 : i32
      %dma_start3A_386 = tpu.memref_slice %arg6[%dma_start3A_384, %dma_start3A_385] : memref<2x128xi32, #tpu.memory_space<vmem>> -> memref<1x128xi32, #tpu.memory_space<vmem>>
      %dma_start3A_387 = tpu.memref_squeeze %dma_start3A_386 : memref<1x128xi32, #tpu.memory_space<vmem>> -> memref<128xi32, #tpu.memory_space<vmem>>
      %dma_start3A_388 = arith.constant 0 : i32
      %dma_start3A_389 = arith.constant 0 : i32
      %dma_start3A_390 = tpu.memref_slice %arg15[%dma_start3A_388, %dma_start3A_389] : memref<10240x16xf32, #tpu.memory_space<vmem_shared>> -> memref<10240x16xf32, #tpu.memory_space<vmem_shared>>
      tpu.enqueue_indirect_dma source(%arg11 : memref<128x16xf32, #tpu.memory_space<vmem>>) target(%dma_start3A_390 : memref<10240x16xf32, #tpu.memory_space<vmem_shared>>) offsets(%dma_start3A_387 : memref<128xi32, #tpu.memory_space<vmem>>) semaphore(%arg25 : memref<!tpu.dma_semaphore, #tpu.memory_space<semaphore_mem>>) {add = true}
      %dma_wait3A_391 = arith.constant 1 : i32
      %dma_wait3A_392 = arith.constant 0 : i32
      %dma_wait3A_393 = tpu.memref_slice %arg8[%dma_wait3A_391, %dma_wait3A_392] : memref<2x128xi32, #tpu.memory_space<vmem>> -> memref<1x128xi32, #tpu.memory_space<vmem>>
      %dma_wait3A_394 = tpu.memref_squeeze %dma_wait3A_393 : memref<1x128xi32, #tpu.memory_space<vmem>> -> memref<128xi32, #tpu.memory_space<vmem>>
      %dma_wait3A_395 = arith.constant 0 : i32
      %dma_wait3A_396 = arith.constant 0 : i32
      %dma_wait3A_397 = tpu.memref_slice %arg15[%dma_wait3A_395, %dma_wait3A_396] : memref<10240x16xf32, #tpu.memory_space<vmem_shared>> -> memref<10240x16xf32, #tpu.memory_space<vmem_shared>>
      tpu.wait_indirect_dma semaphore(%arg27 : memref<!tpu.dma_semaphore, #tpu.memory_space<semaphore_mem>>) src(%arg13 : memref<128x16xf32, #tpu.memory_space<vmem>>) dst(%dma_wait3A_397 : memref<10240x16xf32, #tpu.memory_space<vmem_shared>>)
      %add3A_398 = arith.constant 2 : i32
      %add3A_399 = arith.addi %add3A_363, %add3A_398 : i32
      %min3A_400 = arith.constant 77 : i32
      %min3A_401 = arith.minsi %add3A_399, %min3A_400 : i32
      %mul3A_402 = arith.constant 10000 : i32
      %mul3A_403 = arith.muli %add3A, %mul3A_402 : i32
      %mul3A_404 = arith.constant 128 : i32
      %mul3A_405 = arith.muli %min3A_401, %mul3A_404 : i32
      %add3A_406 = arith.addi %mul3A_403, %mul3A_405 : i32
      %multiple_of3A_407 = tpu.assume_multiple %add3A_406, 8 : i32
      %dma_start3A_408 = arith.constant 0 : i32
      %dma_start3A_409 = tpu.memref_slice %arg3[%dma_start3A_408, %multiple_of3A_407] : memref<2x320000xi32, #tpu.memory_space<hbm>> -> memref<2x128xi32, #tpu.memory_space<hbm>>
      %dma_start3A_410 = arith.constant 0 : i32
      %dma_start3A_411 = tpu.memref_slice %arg3[%dma_start3A_410, %multiple_of3A_407] : memref<2x320000xi32, #tpu.memory_space<hbm>> -> memref<2x128xi32, #tpu.memory_space<hbm>>
      tpu.enqueue_dma source(%dma_start3A_411 : memref<2x128xi32, #tpu.memory_space<hbm>>) target(%arg8 : memref<2x128xi32, #tpu.memory_space<vmem>>) target_semaphore(%arg19 : memref<!tpu.dma_semaphore, #tpu.memory_space<semaphore_mem>>)
    }
    %scan3A_139 = arith.constant 19 : i32
    %dma_wait3A_140 = arith.constant 0 : i32
    %dma_wait3A_141 = arith.constant 0 : i32
    %dma_wait3A_142 = tpu.memref_slice %arg3[%dma_wait3A_140, %dma_wait3A_141] : memref<2x320000xi32, #tpu.memory_space<hbm>> -> memref<2x128xi32, #tpu.memory_space<hbm>>
    %dma_wait3A_143 = arith.constant 0 : i32
    %dma_wait3A_144 = arith.constant 0 : i32
    %dma_wait3A_145 = tpu.memref_slice %arg3[%dma_wait3A_143, %dma_wait3A_144] : memref<2x320000xi32, #tpu.memory_space<hbm>> -> memref<2x128xi32, #tpu.memory_space<hbm>>
    tpu.wait_dma2 semaphore(%arg19 : memref<!tpu.dma_semaphore, #tpu.memory_space<semaphore_mem>>) src(%dma_wait3A_145 : memref<2x128xi32, #tpu.memory_space<hbm>>) dst(%arg8 : memref<2x128xi32, #tpu.memory_space<vmem>>)
    %dma_wait3A_146 = arith.constant 0 : i32
    %dma_wait3A_147 = arith.constant 0 : i32
    %dma_wait3A_148 = tpu.memref_slice %arg7[%dma_wait3A_146, %dma_wait3A_147] : memref<2x128xi32, #tpu.memory_space<vmem>> -> memref<1x128xi32, #tpu.memory_space<vmem>>
    %dma_wait3A_149 = tpu.memref_squeeze %dma_wait3A_148 : memref<1x128xi32, #tpu.memory_space<vmem>> -> memref<128xi32, #tpu.memory_space<vmem>>
    %dma_wait3A_150 = arith.constant 0 : i32
    %dma_wait3A_151 = arith.constant 0 : i32
    %dma_wait3A_152 = tpu.memref_slice %arg2[%dma_wait3A_150, %dma_wait3A_151] : memref<10240x16xf32, #tpu.memory_space<hbm>> -> memref<10240x16xf32, #tpu.memory_space<hbm>>
    tpu.wait_indirect_dma semaphore(%arg22 : memref<!tpu.dma_semaphore, #tpu.memory_space<semaphore_mem>>) src(%dma_wait3A_152 : memref<10240x16xf32, #tpu.memory_space<hbm>>) dst(%arg12 : memref<128x16xf32, #tpu.memory_space<vmem>>)
    %dma_wait3A_153 = arith.constant 1 : i32
    %dma_wait3A_154 = arith.constant 0 : i32
    %dma_wait3A_155 = tpu.memref_slice %arg5[%dma_wait3A_153, %dma_wait3A_154] : memref<2x128xi32, #tpu.memory_space<vmem>> -> memref<1x128xi32, #tpu.memory_space<vmem>>
    %dma_wait3A_156 = tpu.memref_squeeze %dma_wait3A_155 : memref<1x128xi32, #tpu.memory_space<vmem>> -> memref<128xi32, #tpu.memory_space<vmem>>
    %dma_wait3A_157 = arith.constant 0 : i32
    %dma_wait3A_158 = arith.constant 0 : i32
    %dma_wait3A_159 = tpu.memref_slice %arg15[%dma_wait3A_157, %dma_wait3A_158] : memref<10240x16xf32, #tpu.memory_space<vmem_shared>> -> memref<10240x16xf32, #tpu.memory_space<vmem_shared>>
    tpu.wait_indirect_dma semaphore(%arg24 : memref<!tpu.dma_semaphore, #tpu.memory_space<semaphore_mem>>) src(%arg10 : memref<128x16xf32, #tpu.memory_space<vmem>>) dst(%dma_wait3A_159 : memref<10240x16xf32, #tpu.memory_space<vmem_shared>>)
    %dma_wait3A_160 = arith.constant 1 : i32
    %dma_wait3A_161 = arith.constant 0 : i32
    %dma_wait3A_162 = tpu.memref_slice %arg6[%dma_wait3A_160, %dma_wait3A_161] : memref<2x128xi32, #tpu.memory_space<vmem>> -> memref<1x128xi32, #tpu.memory_space<vmem>>
    %dma_wait3A_163 = tpu.memref_squeeze %dma_wait3A_162 : memref<1x128xi32, #tpu.memory_space<vmem>> -> memref<128xi32, #tpu.memory_space<vmem>>
    %dma_wait3A_164 = arith.constant 0 : i32
    %dma_wait3A_165 = arith.constant 0 : i32
    %dma_wait3A_166 = tpu.memref_slice %arg15[%dma_wait3A_164, %dma_wait3A_165] : memref<10240x16xf32, #tpu.memory_space<vmem_shared>> -> memref<10240x16xf32, #tpu.memory_space<vmem_shared>>
    tpu.wait_indirect_dma semaphore(%arg25 : memref<!tpu.dma_semaphore, #tpu.memory_space<semaphore_mem>>) src(%arg11 : memref<128x16xf32, #tpu.memory_space<vmem>>) dst(%dma_wait3A_166 : memref<10240x16xf32, #tpu.memory_space<vmem_shared>>)
    %mul3A_167 = arith.constant 10000 : i32
    %mul3A_168 = arith.muli %add3A, %mul3A_167 : i32
    %add3A_169 = arith.constant 9984 : i32
    %add3A_170 = arith.addi %mul3A_168, %add3A_169 : i32
    %multiple_of3A_171 = tpu.assume_multiple %add3A_170, 8 : i32
    "tpu.region"() ({
      %run_scoped3A_191 = tpu.sem_alloc : memref<!tpu.dma_semaphore, #tpu.memory_space<semaphore_mem>>
      %dma_start3A_192 = arith.constant 0 : i32
      %dma_start3A_193 = tpu.memref_slice %arg3[%dma_start3A_192, %multiple_of3A_171] : memref<2x320000xi32, #tpu.memory_space<hbm>> -> memref<2x16xi32, #tpu.memory_space<hbm>>
      %dma_start3A_194 = arith.constant 0 : i32
      %dma_start3A_195 = tpu.memref_slice %arg3[%dma_start3A_194, %multiple_of3A_171] : memref<2x320000xi32, #tpu.memory_space<hbm>> -> memref<2x16xi32, #tpu.memory_space<hbm>>
      tpu.enqueue_dma source(%dma_start3A_195 : memref<2x16xi32, #tpu.memory_space<hbm>>) target(%arg9 : memref<2x16xi32, #tpu.memory_space<vmem>>) target_semaphore(%run_scoped3A_191 : memref<!tpu.dma_semaphore, #tpu.memory_space<semaphore_mem>>)
      %dma_wait3A_196 = arith.constant 0 : i32
      %dma_wait3A_197 = tpu.memref_slice %arg3[%dma_wait3A_196, %multiple_of3A_171] : memref<2x320000xi32, #tpu.memory_space<hbm>> -> memref<2x16xi32, #tpu.memory_space<hbm>>
      %dma_wait3A_198 = arith.constant 0 : i32
      %dma_wait3A_199 = tpu.memref_slice %arg3[%dma_wait3A_198, %multiple_of3A_171] : memref<2x320000xi32, #tpu.memory_space<hbm>> -> memref<2x16xi32, #tpu.memory_space<hbm>>
      tpu.wait_dma2 semaphore(%run_scoped3A_191 : memref<!tpu.dma_semaphore, #tpu.memory_space<semaphore_mem>>) src(%dma_wait3A_199 : memref<2x16xi32, #tpu.memory_space<hbm>>) dst(%arg9 : memref<2x16xi32, #tpu.memory_space<vmem>>)
      tpu.yield
    }) : () -> ()
    %dma_start3A_172 = arith.constant 0 : i32
    %dma_start3A_173 = arith.constant 0 : i32
    %dma_start3A_174 = tpu.memref_slice %arg9[%dma_start3A_172, %dma_start3A_173] : memref<2x16xi32, #tpu.memory_space<vmem>> -> memref<1x16xi32, #tpu.memory_space<vmem>>
    %dma_start3A_175 = tpu.memref_squeeze %dma_start3A_174 : memref<1x16xi32, #tpu.memory_space<vmem>> -> memref<16xi32, #tpu.memory_space<vmem>>
    %dma_start3A_176 = arith.constant 0 : i32
    %dma_start3A_177 = arith.constant 0 : i32
    %dma_start3A_178 = tpu.memref_slice %arg2[%dma_start3A_176, %dma_start3A_177] : memref<10240x16xf32, #tpu.memory_space<hbm>> -> memref<10240x16xf32, #tpu.memory_space<hbm>>
    tpu.enqueue_indirect_dma source(%dma_start3A_178 : memref<10240x16xf32, #tpu.memory_space<hbm>>) target(%arg14 : memref<16x16xf32, #tpu.memory_space<vmem>>) offsets(%dma_start3A_175 : memref<16xi32, #tpu.memory_space<vmem>>) semaphore(%arg20 : memref<!tpu.dma_semaphore, #tpu.memory_space<semaphore_mem>>)
    %dma_wait3A_179 = arith.constant 0 : i32
    %dma_wait3A_180 = arith.constant 0 : i32
    %dma_wait3A_181 = tpu.memref_slice %arg9[%dma_wait3A_179, %dma_wait3A_180] : memref<2x16xi32, #tpu.memory_space<vmem>> -> memref<1x16xi32, #tpu.memory_space<vmem>>
    %dma_wait3A_182 = tpu.memref_squeeze %dma_wait3A_181 : memref<1x16xi32, #tpu.memory_space<vmem>> -> memref<16xi32, #tpu.memory_space<vmem>>
    %dma_wait3A_183 = arith.constant 0 : i32
    %dma_wait3A_184 = arith.constant 0 : i32
    %dma_wait3A_185 = tpu.memref_slice %arg2[%dma_wait3A_183, %dma_wait3A_184] : memref<10240x16xf32, #tpu.memory_space<hbm>> -> memref<10240x16xf32, #tpu.memory_space<hbm>>
    tpu.wait_indirect_dma semaphore(%arg20 : memref<!tpu.dma_semaphore, #tpu.memory_space<semaphore_mem>>) src(%dma_wait3A_185 : memref<10240x16xf32, #tpu.memory_space<hbm>>) dst(%arg14 : memref<16x16xf32, #tpu.memory_space<vmem>>)
    %run_scoped3A = arith.constant 1 : i32
    "tpu.region"() ({
      %run_scoped3A_191 = tpu.sem_alloc : memref<!tpu.dma_semaphore, #tpu.memory_space<semaphore_mem>>
      %dma_start3A_192 = arith.constant 0 : i32
      %dma_start3A_193 = tpu.memref_slice %arg9[%run_scoped3A, %dma_start3A_192] : memref<2x16xi32, #tpu.memory_space<vmem>> -> memref<1x16xi32, #tpu.memory_space<vmem>>
      %dma_start3A_194 = tpu.memref_squeeze %dma_start3A_193 : memref<1x16xi32, #tpu.memory_space<vmem>> -> memref<16xi32, #tpu.memory_space<vmem>>
      %dma_start3A_195 = arith.constant 0 : i32
      %dma_start3A_196 = arith.constant 0 : i32
      %dma_start3A_197 = tpu.memref_slice %arg15[%dma_start3A_195, %dma_start3A_196] : memref<10240x16xf32, #tpu.memory_space<vmem_shared>> -> memref<10240x16xf32, #tpu.memory_space<vmem_shared>>
      tpu.enqueue_indirect_dma source(%arg14 : memref<16x16xf32, #tpu.memory_space<vmem>>) target(%dma_start3A_197 : memref<10240x16xf32, #tpu.memory_space<vmem_shared>>) offsets(%dma_start3A_194 : memref<16xi32, #tpu.memory_space<vmem>>) semaphore(%run_scoped3A_191 : memref<!tpu.dma_semaphore, #tpu.memory_space<semaphore_mem>>) {add = true}
      %dma_wait3A_198 = arith.constant 0 : i32
      %dma_wait3A_199 = tpu.memref_slice %arg9[%run_scoped3A, %dma_wait3A_198] : memref<2x16xi32, #tpu.memory_space<vmem>> -> memref<1x16xi32, #tpu.memory_space<vmem>>
      %dma_wait3A_200 = tpu.memref_squeeze %dma_wait3A_199 : memref<1x16xi32, #tpu.memory_space<vmem>> -> memref<16xi32, #tpu.memory_space<vmem>>
      %dma_wait3A_201 = arith.constant 0 : i32
      %dma_wait3A_202 = arith.constant 0 : i32
      %dma_wait3A_203 = tpu.memref_slice %arg15[%dma_wait3A_201, %dma_wait3A_202] : memref<10240x16xf32, #tpu.memory_space<vmem_shared>> -> memref<10240x16xf32, #tpu.memory_space<vmem_shared>>
      tpu.wait_indirect_dma semaphore(%run_scoped3A_191 : memref<!tpu.dma_semaphore, #tpu.memory_space<semaphore_mem>>) src(%arg14 : memref<16x16xf32, #tpu.memory_space<vmem>>) dst(%dma_wait3A_203 : memref<10240x16xf32, #tpu.memory_space<vmem_shared>>)
      tpu.yield
    }) : () -> ()
    %barrier3A_186 = arith.constant 0 : index
    tpu.barrier barrier_id(%barrier3A_186)
    %mul3A_187 = arith.constant 640 : i32
    %mul3A_188 = arith.muli %arg1, %mul3A_187 : i32
    %mul3A_189 = arith.constant 640 : i32
    %mul3A_190 = arith.muli %arg1, %mul3A_189 : i32
    "tpu.region"() ({
      %run_scoped3A_191 = tpu.sem_alloc : memref<!tpu.dma_semaphore, #tpu.memory_space<semaphore_mem>>
      %dma_start3A_192 = arith.constant 0 : i32
      %dma_start3A_193 = tpu.memref_slice %arg4[%arg0, %mul3A_190, %dma_start3A_192] : memref<2x10240x16xf32, #tpu.memory_space<hbm>> -> memref<1x640x16xf32, #tpu.memory_space<hbm>>
      %dma_start3A_194 = tpu.memref_squeeze %dma_start3A_193 : memref<1x640x16xf32, #tpu.memory_space<hbm>> -> memref<640x16xf32, #tpu.memory_space<hbm>>
      %dma_start3A_195 = arith.constant 0 : i32
      %dma_start3A_196 = tpu.memref_slice %arg15[%mul3A_188, %dma_start3A_195] : memref<10240x16xf32, #tpu.memory_space<vmem_shared>> -> memref<640x16xf32, #tpu.memory_space<vmem_shared>>
      tpu.enqueue_dma source(%dma_start3A_196 : memref<640x16xf32, #tpu.memory_space<vmem_shared>>) target(%dma_start3A_194 : memref<640x16xf32, #tpu.memory_space<hbm>>) target_semaphore(%run_scoped3A_191 : memref<!tpu.dma_semaphore, #tpu.memory_space<semaphore_mem>>)
      %dma_wait3A_197 = arith.constant 0 : i32
      %dma_wait3A_198 = tpu.memref_slice %arg4[%arg0, %mul3A_190, %dma_wait3A_197] : memref<2x10240x16xf32, #tpu.memory_space<hbm>> -> memref<1x640x16xf32, #tpu.memory_space<hbm>>
      %dma_wait3A_199 = tpu.memref_squeeze %dma_wait3A_198 : memref<1x640x16xf32, #tpu.memory_space<hbm>> -> memref<640x16xf32, #tpu.memory_space<hbm>>
      %dma_wait3A_200 = arith.constant 0 : i32
      %dma_wait3A_201 = tpu.memref_slice %arg15[%mul3A_188, %dma_wait3A_200] : memref<10240x16xf32, #tpu.memory_space<vmem_shared>> -> memref<640x16xf32, #tpu.memory_space<vmem_shared>>
      tpu.wait_dma2 semaphore(%run_scoped3A_191 : memref<!tpu.dma_semaphore, #tpu.memory_space<semaphore_mem>>) src(%dma_wait3A_201 : memref<640x16xf32, #tpu.memory_space<vmem_shared>>) dst(%dma_wait3A_199 : memref<640x16xf32, #tpu.memory_space<hbm>>)
      tpu.yield
    }) : () -> ()
    return
  }
}

#map = affine_map<(d0, d1) -> (0, 0)>
#map1 = affine_map<(d0, d1) -> (0, 0, 0)>
module attributes {stable_mosaic.version = 14 : i64} {
  func.func @agg(%arg0: i32, %arg1: i32, %arg2: memref<10240x64xf32, #tpu.memory_space<hbm>>, %arg3: memref<2x320000xi32, #tpu.memory_space<hbm>>, %arg4: memref<2x10240x64xf32, #tpu.memory_space<hbm>>, %arg5: memref<2x128xi32, #tpu.memory_space<vmem>>, %arg6: memref<2x128xi32, #tpu.memory_space<vmem>>, %arg7: memref<2x128xi32, #tpu.memory_space<vmem>>, %arg8: memref<2x128xi32, #tpu.memory_space<vmem>>, %arg9: memref<2x16xi32, #tpu.memory_space<vmem>>, %arg10: memref<128x64xf32, #tpu.memory_space<vmem>>, %arg11: memref<128x64xf32, #tpu.memory_space<vmem>>, %arg12: memref<128x64xf32, #tpu.memory_space<vmem>>, %arg13: memref<128x64xf32, #tpu.memory_space<vmem>>, %arg14: memref<16x64xf32, #tpu.memory_space<vmem>>, %arg15: memref<10240x64xf32, #tpu.memory_space<vmem_shared>>, %arg16: memref<!tpu.dma_semaphore, #tpu.memory_space<semaphore_mem>>, %arg17: memref<!tpu.dma_semaphore, #tpu.memory_space<semaphore_mem>>, %arg18: memref<!tpu.dma_semaphore, #tpu.memory_space<semaphore_mem>>, %arg19: memref<!tpu.dma_semaphore, #tpu.memory_space<semaphore_mem>>, %arg20: memref<!tpu.dma_semaphore, #tpu.memory_space<semaphore_mem>>, %arg21: memref<!tpu.dma_semaphore, #tpu.memory_space<semaphore_mem>>, %arg22: memref<!tpu.dma_semaphore, #tpu.memory_space<semaphore_mem>>, %arg23: memref<!tpu.dma_semaphore, #tpu.memory_space<semaphore_mem>>, %arg24: memref<!tpu.dma_semaphore, #tpu.memory_space<semaphore_mem>>, %arg25: memref<!tpu.dma_semaphore, #tpu.memory_space<semaphore_mem>>, %arg26: memref<!tpu.dma_semaphore, #tpu.memory_space<semaphore_mem>>, %arg27: memref<!tpu.dma_semaphore, #tpu.memory_space<semaphore_mem>>) attributes {dimension_semantics = [#tpu.dimension_semantics<core_parallel>, #tpu.dimension_semantics<subcore_parallel>], iteration_bounds = array<i64: 2, 16>, scalar_prefetch = 0 : i64, scratch_operands = 23 : i64, tpu.core_type = #tpu.core_type<sc_vector_subcore>, window_params = [{transform_indices = #map}, {transform_indices = #map}, {transform_indices = #map1}]} {
    %mul3A = arith.constant 16 : i32
    %mul3A_0 = arith.muli %arg0, %mul3A : i32
    %add3A = arith.addi %mul3A_0, %arg1 : i32
    %broadcast_in_dim3A = arith.constant 0.000000e+00 : f32
    %broadcast_in_dim3A_1 = vector.broadcast %broadcast_in_dim3A : f32 to vector<16xf32>
    %scan3A = arith.constant 0 : i32
    %scan3A_2 = arith.constant 128 : i32
    %scan3A_3 = arith.addi %scan3A, %scan3A_2 : i32
    %scan3A_4 = arith.constant 1 : i32
    scf.for %scan3A_191 = %scan3A to %scan3A_3 step %scan3A_4  : i32 {
      %mul3A_192 = arith.constant 1 : i32
      %mul3A_193 = arith.muli %scan3A_191, %mul3A_192 : i32
      %add3A_194 = arith.constant 0 : i32
      %add3A_195 = arith.addi %add3A_194, %mul3A_193 : i32
      %swap3A = arith.index_cast %add3A_195 : i32 to index
      %swap3A_196 = arith.constant 0 : index
      %swap3A_197 = tpu.vector_load %arg10[%swap3A, %swap3A_196] {strides = array<i32>} : memref<128x64xf32, #tpu.memory_space<vmem>>, vector<1x16xf32>,
      %swap3A_198 = vector.shape_cast %swap3A_197 : vector<1x16xf32> to vector<16xf32>
      %swap3A_199 = vector.shape_cast %broadcast_in_dim3A_1 : vector<16xf32> to vector<1x16xf32>
      tpu.vector_store %arg10[%swap3A, %swap3A_196], %swap3A_199 {strides = array<i32>} : memref<128x64xf32, #tpu.memory_space<vmem>>, vector<1x16xf32>,
      %swap3A_200 = arith.index_cast %add3A_195 : i32 to index
      %swap3A_201 = arith.constant 16 : index
      %swap3A_202 = tpu.vector_load %arg10[%swap3A_200, %swap3A_201] {strides = array<i32>} : memref<128x64xf32, #tpu.memory_space<vmem>>, vector<1x16xf32>,
      %swap3A_203 = vector.shape_cast %swap3A_202 : vector<1x16xf32> to vector<16xf32>
      %swap3A_204 = vector.shape_cast %broadcast_in_dim3A_1 : vector<16xf32> to vector<1x16xf32>
      tpu.vector_store %arg10[%swap3A_200, %swap3A_201], %swap3A_204 {strides = array<i32>} : memref<128x64xf32, #tpu.memory_space<vmem>>, vector<1x16xf32>,
      %swap3A_205 = arith.index_cast %add3A_195 : i32 to index
      %swap3A_206 = arith.constant 32 : index
      %swap3A_207 = tpu.vector_load %arg10[%swap3A_205, %swap3A_206] {strides = array<i32>} : memref<128x64xf32, #tpu.memory_space<vmem>>, vector<1x16xf32>,
      %swap3A_208 = vector.shape_cast %swap3A_207 : vector<1x16xf32> to vector<16xf32>
      %swap3A_209 = vector.shape_cast %broadcast_in_dim3A_1 : vector<16xf32> to vector<1x16xf32>
      tpu.vector_store %arg10[%swap3A_205, %swap3A_206], %swap3A_209 {strides = array<i32>} : memref<128x64xf32, #tpu.memory_space<vmem>>, vector<1x16xf32>,
      %swap3A_210 = arith.index_cast %add3A_195 : i32 to index
      %swap3A_211 = arith.constant 48 : index
      %swap3A_212 = tpu.vector_load %arg10[%swap3A_210, %swap3A_211] {strides = array<i32>} : memref<128x64xf32, #tpu.memory_space<vmem>>, vector<1x16xf32>,
      %swap3A_213 = vector.shape_cast %swap3A_212 : vector<1x16xf32> to vector<16xf32>
      %swap3A_214 = vector.shape_cast %broadcast_in_dim3A_1 : vector<16xf32> to vector<1x16xf32>
      tpu.vector_store %arg10[%swap3A_210, %swap3A_211], %swap3A_214 {strides = array<i32>} : memref<128x64xf32, #tpu.memory_space<vmem>>, vector<1x16xf32>,
    }
    %scan3A_5 = arith.constant 128 : i32
    %mul3A_6 = arith.constant 640 : i32
    %mul3A_7 = arith.muli %arg1, %mul3A_6 : i32
    %add3A_8 = arith.constant 0 : i32
    %add3A_9 = arith.addi %mul3A_7, %add3A_8 : i32
    "tpu.region"() ({
      %run_scoped3A_191 = tpu.sem_alloc : memref<!tpu.dma_semaphore, #tpu.memory_space<semaphore_mem>>
      %dma_start3A_192 = arith.constant 0 : i32
      %dma_start3A_193 = tpu.memref_slice %arg15[%add3A_9, %dma_start3A_192] : memref<10240x64xf32, #tpu.memory_space<vmem_shared>> -> memref<128x64xf32, #tpu.memory_space<vmem_shared>>
      %dma_start3A_194 = arith.constant 0 : i32
      %dma_start3A_195 = tpu.memref_slice %arg15[%add3A_9, %dma_start3A_194] : memref<10240x64xf32, #tpu.memory_space<vmem_shared>> -> memref<128x64xf32, #tpu.memory_space<vmem_shared>>
      tpu.enqueue_dma source(%arg10 : memref<128x64xf32, #tpu.memory_space<vmem>>) target(%dma_start3A_195 : memref<128x64xf32, #tpu.memory_space<vmem_shared>>) target_semaphore(%run_scoped3A_191 : memref<!tpu.dma_semaphore, #tpu.memory_space<semaphore_mem>>)
      %dma_wait3A_196 = arith.constant 0 : i32
      %dma_wait3A_197 = tpu.memref_slice %arg15[%add3A_9, %dma_wait3A_196] : memref<10240x64xf32, #tpu.memory_space<vmem_shared>> -> memref<128x64xf32, #tpu.memory_space<vmem_shared>>
      %dma_wait3A_198 = arith.constant 0 : i32
      %dma_wait3A_199 = tpu.memref_slice %arg15[%add3A_9, %dma_wait3A_198] : memref<10240x64xf32, #tpu.memory_space<vmem_shared>> -> memref<128x64xf32, #tpu.memory_space<vmem_shared>>
      tpu.wait_dma2 semaphore(%run_scoped3A_191 : memref<!tpu.dma_semaphore, #tpu.memory_space<semaphore_mem>>) src(%arg10 : memref<128x64xf32, #tpu.memory_space<vmem>>) dst(%dma_wait3A_199 : memref<128x64xf32, #tpu.memory_space<vmem_shared>>)
      tpu.yield
    }) : () -> ()
    %mul3A_10 = arith.constant 640 : i32
    %mul3A_11 = arith.muli %arg1, %mul3A_10 : i32
    %add3A_12 = arith.constant 128 : i32
    %add3A_13 = arith.addi %mul3A_11, %add3A_12 : i32
    "tpu.region"() ({
      %run_scoped3A_191 = tpu.sem_alloc : memref<!tpu.dma_semaphore, #tpu.memory_space<semaphore_mem>>
      %dma_start3A_192 = arith.constant 0 : i32
      %dma_start3A_193 = tpu.memref_slice %arg15[%add3A_13, %dma_start3A_192] : memref<10240x64xf32, #tpu.memory_space<vmem_shared>> -> memref<128x64xf32, #tpu.memory_space<vmem_shared>>
      %dma_start3A_194 = arith.constant 0 : i32
      %dma_start3A_195 = tpu.memref_slice %arg15[%add3A_13, %dma_start3A_194] : memref<10240x64xf32, #tpu.memory_space<vmem_shared>> -> memref<128x64xf32, #tpu.memory_space<vmem_shared>>
      tpu.enqueue_dma source(%arg10 : memref<128x64xf32, #tpu.memory_space<vmem>>) target(%dma_start3A_195 : memref<128x64xf32, #tpu.memory_space<vmem_shared>>) target_semaphore(%run_scoped3A_191 : memref<!tpu.dma_semaphore, #tpu.memory_space<semaphore_mem>>)
      %dma_wait3A_196 = arith.constant 0 : i32
      %dma_wait3A_197 = tpu.memref_slice %arg15[%add3A_13, %dma_wait3A_196] : memref<10240x64xf32, #tpu.memory_space<vmem_shared>> -> memref<128x64xf32, #tpu.memory_space<vmem_shared>>
      %dma_wait3A_198 = arith.constant 0 : i32
      %dma_wait3A_199 = tpu.memref_slice %arg15[%add3A_13, %dma_wait3A_198] : memref<10240x64xf32, #tpu.memory_space<vmem_shared>> -> memref<128x64xf32, #tpu.memory_space<vmem_shared>>
      tpu.wait_dma2 semaphore(%run_scoped3A_191 : memref<!tpu.dma_semaphore, #tpu.memory_space<semaphore_mem>>) src(%arg10 : memref<128x64xf32, #tpu.memory_space<vmem>>) dst(%dma_wait3A_199 : memref<128x64xf32, #tpu.memory_space<vmem_shared>>)
      tpu.yield
    }) : () -> ()
    %mul3A_14 = arith.constant 640 : i32
    %mul3A_15 = arith.muli %arg1, %mul3A_14 : i32
    %add3A_16 = arith.constant 256 : i32
    %add3A_17 = arith.addi %mul3A_15, %add3A_16 : i32
    "tpu.region"() ({
      %run_scoped3A_191 = tpu.sem_alloc : memref<!tpu.dma_semaphore, #tpu.memory_space<semaphore_mem>>
      %dma_start3A_192 = arith.constant 0 : i32
      %dma_start3A_193 = tpu.memref_slice %arg15[%add3A_17, %dma_start3A_192] : memref<10240x64xf32, #tpu.memory_space<vmem_shared>> -> memref<128x64xf32, #tpu.memory_space<vmem_shared>>
      %dma_start3A_194 = arith.constant 0 : i32
      %dma_start3A_195 = tpu.memref_slice %arg15[%add3A_17, %dma_start3A_194] : memref<10240x64xf32, #tpu.memory_space<vmem_shared>> -> memref<128x64xf32, #tpu.memory_space<vmem_shared>>
      tpu.enqueue_dma source(%arg10 : memref<128x64xf32, #tpu.memory_space<vmem>>) target(%dma_start3A_195 : memref<128x64xf32, #tpu.memory_space<vmem_shared>>) target_semaphore(%run_scoped3A_191 : memref<!tpu.dma_semaphore, #tpu.memory_space<semaphore_mem>>)
      %dma_wait3A_196 = arith.constant 0 : i32
      %dma_wait3A_197 = tpu.memref_slice %arg15[%add3A_17, %dma_wait3A_196] : memref<10240x64xf32, #tpu.memory_space<vmem_shared>> -> memref<128x64xf32, #tpu.memory_space<vmem_shared>>
      %dma_wait3A_198 = arith.constant 0 : i32
      %dma_wait3A_199 = tpu.memref_slice %arg15[%add3A_17, %dma_wait3A_198] : memref<10240x64xf32, #tpu.memory_space<vmem_shared>> -> memref<128x64xf32, #tpu.memory_space<vmem_shared>>
      tpu.wait_dma2 semaphore(%run_scoped3A_191 : memref<!tpu.dma_semaphore, #tpu.memory_space<semaphore_mem>>) src(%arg10 : memref<128x64xf32, #tpu.memory_space<vmem>>) dst(%dma_wait3A_199 : memref<128x64xf32, #tpu.memory_space<vmem_shared>>)
      tpu.yield
    }) : () -> ()
    %mul3A_18 = arith.constant 640 : i32
    %mul3A_19 = arith.muli %arg1, %mul3A_18 : i32
    %add3A_20 = arith.constant 384 : i32
    %add3A_21 = arith.addi %mul3A_19, %add3A_20 : i32
    "tpu.region"() ({
      %run_scoped3A_191 = tpu.sem_alloc : memref<!tpu.dma_semaphore, #tpu.memory_space<semaphore_mem>>
      %dma_start3A_192 = arith.constant 0 : i32
      %dma_start3A_193 = tpu.memref_slice %arg15[%add3A_21, %dma_start3A_192] : memref<10240x64xf32, #tpu.memory_space<vmem_shared>> -> memref<128x64xf32, #tpu.memory_space<vmem_shared>>
      %dma_start3A_194 = arith.constant 0 : i32
      %dma_start3A_195 = tpu.memref_slice %arg15[%add3A_21, %dma_start3A_194] : memref<10240x64xf32, #tpu.memory_space<vmem_shared>> -> memref<128x64xf32, #tpu.memory_space<vmem_shared>>
      tpu.enqueue_dma source(%arg10 : memref<128x64xf32, #tpu.memory_space<vmem>>) target(%dma_start3A_195 : memref<128x64xf32, #tpu.memory_space<vmem_shared>>) target_semaphore(%run_scoped3A_191 : memref<!tpu.dma_semaphore, #tpu.memory_space<semaphore_mem>>)
      %dma_wait3A_196 = arith.constant 0 : i32
      %dma_wait3A_197 = tpu.memref_slice %arg15[%add3A_21, %dma_wait3A_196] : memref<10240x64xf32, #tpu.memory_space<vmem_shared>> -> memref<128x64xf32, #tpu.memory_space<vmem_shared>>
      %dma_wait3A_198 = arith.constant 0 : i32
      %dma_wait3A_199 = tpu.memref_slice %arg15[%add3A_21, %dma_wait3A_198] : memref<10240x64xf32, #tpu.memory_space<vmem_shared>> -> memref<128x64xf32, #tpu.memory_space<vmem_shared>>
      tpu.wait_dma2 semaphore(%run_scoped3A_191 : memref<!tpu.dma_semaphore, #tpu.memory_space<semaphore_mem>>) src(%arg10 : memref<128x64xf32, #tpu.memory_space<vmem>>) dst(%dma_wait3A_199 : memref<128x64xf32, #tpu.memory_space<vmem_shared>>)
      tpu.yield
    }) : () -> ()
    %mul3A_22 = arith.constant 640 : i32
    %mul3A_23 = arith.muli %arg1, %mul3A_22 : i32
    %add3A_24 = arith.constant 512 : i32
    %add3A_25 = arith.addi %mul3A_23, %add3A_24 : i32
    "tpu.region"() ({
      %run_scoped3A_191 = tpu.sem_alloc : memref<!tpu.dma_semaphore, #tpu.memory_space<semaphore_mem>>
      %dma_start3A_192 = arith.constant 0 : i32
      %dma_start3A_193 = tpu.memref_slice %arg15[%add3A_25, %dma_start3A_192] : memref<10240x64xf32, #tpu.memory_space<vmem_shared>> -> memref<128x64xf32, #tpu.memory_space<vmem_shared>>
      %dma_start3A_194 = arith.constant 0 : i32
      %dma_start3A_195 = tpu.memref_slice %arg15[%add3A_25, %dma_start3A_194] : memref<10240x64xf32, #tpu.memory_space<vmem_shared>> -> memref<128x64xf32, #tpu.memory_space<vmem_shared>>
      tpu.enqueue_dma source(%arg10 : memref<128x64xf32, #tpu.memory_space<vmem>>) target(%dma_start3A_195 : memref<128x64xf32, #tpu.memory_space<vmem_shared>>) target_semaphore(%run_scoped3A_191 : memref<!tpu.dma_semaphore, #tpu.memory_space<semaphore_mem>>)
      %dma_wait3A_196 = arith.constant 0 : i32
      %dma_wait3A_197 = tpu.memref_slice %arg15[%add3A_25, %dma_wait3A_196] : memref<10240x64xf32, #tpu.memory_space<vmem_shared>> -> memref<128x64xf32, #tpu.memory_space<vmem_shared>>
      %dma_wait3A_198 = arith.constant 0 : i32
      %dma_wait3A_199 = tpu.memref_slice %arg15[%add3A_25, %dma_wait3A_198] : memref<10240x64xf32, #tpu.memory_space<vmem_shared>> -> memref<128x64xf32, #tpu.memory_space<vmem_shared>>
      tpu.wait_dma2 semaphore(%run_scoped3A_191 : memref<!tpu.dma_semaphore, #tpu.memory_space<semaphore_mem>>) src(%arg10 : memref<128x64xf32, #tpu.memory_space<vmem>>) dst(%dma_wait3A_199 : memref<128x64xf32, #tpu.memory_space<vmem_shared>>)
      tpu.yield
    }) : () -> ()
    %barrier3A = arith.constant 0 : index
    tpu.barrier barrier_id(%barrier3A)
    %min3A = arith.constant 0 : i32
    %min3A_26 = arith.constant 77 : i32
    %min3A_27 = arith.minsi %min3A, %min3A_26 : i32
    %mul3A_28 = arith.constant 10000 : i32
    %mul3A_29 = arith.muli %add3A, %mul3A_28 : i32
    %mul3A_30 = arith.constant 128 : i32
    %mul3A_31 = arith.muli %min3A_27, %mul3A_30 : i32
    %add3A_32 = arith.addi %mul3A_29, %mul3A_31 : i32
    %multiple_of3A = tpu.assume_multiple %add3A_32, 8 : i32
    "tpu.region"() ({
      %run_scoped3A_191 = tpu.sem_alloc : memref<!tpu.dma_semaphore, #tpu.memory_space<semaphore_mem>>
      %dma_start3A_192 = arith.constant 0 : i32
      %dma_start3A_193 = tpu.memref_slice %arg3[%dma_start3A_192, %multiple_of3A] : memref<2x320000xi32, #tpu.memory_space<hbm>> -> memref<2x128xi32, #tpu.memory_space<hbm>>
      %dma_start3A_194 = arith.constant 0 : i32
      %dma_start3A_195 = tpu.memref_slice %arg3[%dma_start3A_194, %multiple_of3A] : memref<2x320000xi32, #tpu.memory_space<hbm>> -> memref<2x128xi32, #tpu.memory_space<hbm>>
      tpu.enqueue_dma source(%dma_start3A_195 : memref<2x128xi32, #tpu.memory_space<hbm>>) target(%arg5 : memref<2x128xi32, #tpu.memory_space<vmem>>) target_semaphore(%run_scoped3A_191 : memref<!tpu.dma_semaphore, #tpu.memory_space<semaphore_mem>>)
      %dma_wait3A_196 = arith.constant 0 : i32
      %dma_wait3A_197 = tpu.memref_slice %arg3[%dma_wait3A_196, %multiple_of3A] : memref<2x320000xi32, #tpu.memory_space<hbm>> -> memref<2x128xi32, #tpu.memory_space<hbm>>
      %dma_wait3A_198 = arith.constant 0 : i32
      %dma_wait3A_199 = tpu.memref_slice %arg3[%dma_wait3A_198, %multiple_of3A] : memref<2x320000xi32, #tpu.memory_space<hbm>> -> memref<2x128xi32, #tpu.memory_space<hbm>>
      tpu.wait_dma2 semaphore(%run_scoped3A_191 : memref<!tpu.dma_semaphore, #tpu.memory_space<semaphore_mem>>) src(%dma_wait3A_199 : memref<2x128xi32, #tpu.memory_space<hbm>>) dst(%arg5 : memref<2x128xi32, #tpu.memory_space<vmem>>)
      tpu.yield
    }) : () -> ()
    %dma_start3A = arith.constant 0 : i32
    %dma_start3A_33 = arith.constant 0 : i32
    %dma_start3A_34 = tpu.memref_slice %arg5[%dma_start3A, %dma_start3A_33] : memref<2x128xi32, #tpu.memory_space<vmem>> -> memref<1x128xi32, #tpu.memory_space<vmem>>
    %dma_start3A_35 = tpu.memref_squeeze %dma_start3A_34 : memref<1x128xi32, #tpu.memory_space<vmem>> -> memref<128xi32, #tpu.memory_space<vmem>>
    %dma_start3A_36 = arith.constant 0 : i32
    %dma_start3A_37 = arith.constant 0 : i32
    %dma_start3A_38 = tpu.memref_slice %arg2[%dma_start3A_36, %dma_start3A_37] : memref<10240x64xf32, #tpu.memory_space<hbm>> -> memref<10240x64xf32, #tpu.memory_space<hbm>>
    tpu.enqueue_indirect_dma source(%dma_start3A_38 : memref<10240x64xf32, #tpu.memory_space<hbm>>) target(%arg10 : memref<128x64xf32, #tpu.memory_space<vmem>>) offsets(%dma_start3A_35 : memref<128xi32, #tpu.memory_space<vmem>>) semaphore(%arg20 : memref<!tpu.dma_semaphore, #tpu.memory_space<semaphore_mem>>)
    %min3A_39 = arith.constant 1 : i32
    %min3A_40 = arith.constant 77 : i32
    %min3A_41 = arith.minsi %min3A_39, %min3A_40 : i32
    %mul3A_42 = arith.constant 10000 : i32
    %mul3A_43 = arith.muli %add3A, %mul3A_42 : i32
    %mul3A_44 = arith.constant 128 : i32
    %mul3A_45 = arith.muli %min3A_41, %mul3A_44 : i32
    %add3A_46 = arith.addi %mul3A_43, %mul3A_45 : i32
    %multiple_of3A_47 = tpu.assume_multiple %add3A_46, 8 : i32
    %dma_start3A_48 = arith.constant 0 : i32
    %dma_start3A_49 = tpu.memref_slice %arg3[%dma_start3A_48, %multiple_of3A_47] : memref<2x320000xi32, #tpu.memory_space<hbm>> -> memref<2x128xi32, #tpu.memory_space<hbm>>
    %dma_start3A_50 = arith.constant 0 : i32
    %dma_start3A_51 = tpu.memref_slice %arg3[%dma_start3A_50, %multiple_of3A_47] : memref<2x320000xi32, #tpu.memory_space<hbm>> -> memref<2x128xi32, #tpu.memory_space<hbm>>
    tpu.enqueue_dma source(%dma_start3A_51 : memref<2x128xi32, #tpu.memory_space<hbm>>) target(%arg6 : memref<2x128xi32, #tpu.memory_space<vmem>>) target_semaphore(%arg17 : memref<!tpu.dma_semaphore, #tpu.memory_space<semaphore_mem>>)
    %dma_wait3A = arith.constant 0 : i32
    %dma_wait3A_52 = arith.constant 0 : i32
    %dma_wait3A_53 = tpu.memref_slice %arg3[%dma_wait3A, %dma_wait3A_52] : memref<2x320000xi32, #tpu.memory_space<hbm>> -> memref<2x128xi32, #tpu.memory_space<hbm>>
    %dma_wait3A_54 = arith.constant 0 : i32
    %dma_wait3A_55 = arith.constant 0 : i32
    %dma_wait3A_56 = tpu.memref_slice %arg3[%dma_wait3A_54, %dma_wait3A_55] : memref<2x320000xi32, #tpu.memory_space<hbm>> -> memref<2x128xi32, #tpu.memory_space<hbm>>
    tpu.wait_dma2 semaphore(%arg17 : memref<!tpu.dma_semaphore, #tpu.memory_space<semaphore_mem>>) src(%dma_wait3A_56 : memref<2x128xi32, #tpu.memory_space<hbm>>) dst(%arg6 : memref<2x128xi32, #tpu.memory_space<vmem>>)
    %dma_start3A_57 = arith.constant 0 : i32
    %dma_start3A_58 = arith.constant 0 : i32
    %dma_start3A_59 = tpu.memref_slice %arg6[%dma_start3A_57, %dma_start3A_58] : memref<2x128xi32, #tpu.memory_space<vmem>> -> memref<1x128xi32, #tpu.memory_space<vmem>>
    %dma_start3A_60 = tpu.memref_squeeze %dma_start3A_59 : memref<1x128xi32, #tpu.memory_space<vmem>> -> memref<128xi32, #tpu.memory_space<vmem>>
    %dma_start3A_61 = arith.constant 0 : i32
    %dma_start3A_62 = arith.constant 0 : i32
    %dma_start3A_63 = tpu.memref_slice %arg2[%dma_start3A_61, %dma_start3A_62] : memref<10240x64xf32, #tpu.memory_space<hbm>> -> memref<10240x64xf32, #tpu.memory_space<hbm>>
    tpu.enqueue_indirect_dma source(%dma_start3A_63 : memref<10240x64xf32, #tpu.memory_space<hbm>>) target(%arg11 : memref<128x64xf32, #tpu.memory_space<vmem>>) offsets(%dma_start3A_60 : memref<128xi32, #tpu.memory_space<vmem>>) semaphore(%arg21 : memref<!tpu.dma_semaphore, #tpu.memory_space<semaphore_mem>>)
    %dma_wait3A_64 = arith.constant 0 : i32
    %dma_wait3A_65 = arith.constant 0 : i32
    %dma_wait3A_66 = tpu.memref_slice %arg5[%dma_wait3A_64, %dma_wait3A_65] : memref<2x128xi32, #tpu.memory_space<vmem>> -> memref<1x128xi32, #tpu.memory_space<vmem>>
    %dma_wait3A_67 = tpu.memref_squeeze %dma_wait3A_66 : memref<1x128xi32, #tpu.memory_space<vmem>> -> memref<128xi32, #tpu.memory_space<vmem>>
    %dma_wait3A_68 = arith.constant 0 : i32
    %dma_wait3A_69 = arith.constant 0 : i32
    %dma_wait3A_70 = tpu.memref_slice %arg2[%dma_wait3A_68, %dma_wait3A_69] : memref<10240x64xf32, #tpu.memory_space<hbm>> -> memref<10240x64xf32, #tpu.memory_space<hbm>>
    tpu.wait_indirect_dma semaphore(%arg20 : memref<!tpu.dma_semaphore, #tpu.memory_space<semaphore_mem>>) src(%dma_wait3A_70 : memref<10240x64xf32, #tpu.memory_space<hbm>>) dst(%arg10 : memref<128x64xf32, #tpu.memory_space<vmem>>)
    %dma_start3A_71 = arith.constant 1 : i32
    %dma_start3A_72 = arith.constant 0 : i32
    %dma_start3A_73 = tpu.memref_slice %arg5[%dma_start3A_71, %dma_start3A_72] : memref<2x128xi32, #tpu.memory_space<vmem>> -> memref<1x128xi32, #tpu.memory_space<vmem>>
    %dma_start3A_74 = tpu.memref_squeeze %dma_start3A_73 : memref<1x128xi32, #tpu.memory_space<vmem>> -> memref<128xi32, #tpu.memory_space<vmem>>
    %dma_start3A_75 = arith.constant 0 : i32
    %dma_start3A_76 = arith.constant 0 : i32
    %dma_start3A_77 = tpu.memref_slice %arg15[%dma_start3A_75, %dma_start3A_76] : memref<10240x64xf32, #tpu.memory_space<vmem_shared>> -> memref<10240x64xf32, #tpu.memory_space<vmem_shared>>
    tpu.enqueue_indirect_dma source(%arg10 : memref<128x64xf32, #tpu.memory_space<vmem>>) target(%dma_start3A_77 : memref<10240x64xf32, #tpu.memory_space<vmem_shared>>) offsets(%dma_start3A_74 : memref<128xi32, #tpu.memory_space<vmem>>) semaphore(%arg24 : memref<!tpu.dma_semaphore, #tpu.memory_space<semaphore_mem>>) {add = true}
    %add3A_78 = arith.constant 0 : i32
    %add3A_79 = arith.constant 2 : i32
    %add3A_80 = arith.addi %add3A_78, %add3A_79 : i32
    %min3A_81 = arith.constant 77 : i32
    %min3A_82 = arith.minsi %add3A_80, %min3A_81 : i32
    %mul3A_83 = arith.constant 10000 : i32
    %mul3A_84 = arith.muli %add3A, %mul3A_83 : i32
    %mul3A_85 = arith.constant 128 : i32
    %mul3A_86 = arith.muli %min3A_82, %mul3A_85 : i32
    %add3A_87 = arith.addi %mul3A_84, %mul3A_86 : i32
    %multiple_of3A_88 = tpu.assume_multiple %add3A_87, 8 : i32
    %dma_start3A_89 = arith.constant 0 : i32
    %dma_start3A_90 = tpu.memref_slice %arg3[%dma_start3A_89, %multiple_of3A_88] : memref<2x320000xi32, #tpu.memory_space<hbm>> -> memref<2x128xi32, #tpu.memory_space<hbm>>
    %dma_start3A_91 = arith.constant 0 : i32
    %dma_start3A_92 = tpu.memref_slice %arg3[%dma_start3A_91, %multiple_of3A_88] : memref<2x320000xi32, #tpu.memory_space<hbm>> -> memref<2x128xi32, #tpu.memory_space<hbm>>
    tpu.enqueue_dma source(%dma_start3A_92 : memref<2x128xi32, #tpu.memory_space<hbm>>) target(%arg7 : memref<2x128xi32, #tpu.memory_space<vmem>>) target_semaphore(%arg18 : memref<!tpu.dma_semaphore, #tpu.memory_space<semaphore_mem>>)
    %dma_wait3A_93 = arith.constant 0 : i32
    %dma_wait3A_94 = arith.constant 0 : i32
    %dma_wait3A_95 = tpu.memref_slice %arg3[%dma_wait3A_93, %dma_wait3A_94] : memref<2x320000xi32, #tpu.memory_space<hbm>> -> memref<2x128xi32, #tpu.memory_space<hbm>>
    %dma_wait3A_96 = arith.constant 0 : i32
    %dma_wait3A_97 = arith.constant 0 : i32
    %dma_wait3A_98 = tpu.memref_slice %arg3[%dma_wait3A_96, %dma_wait3A_97] : memref<2x320000xi32, #tpu.memory_space<hbm>> -> memref<2x128xi32, #tpu.memory_space<hbm>>
    tpu.wait_dma2 semaphore(%arg18 : memref<!tpu.dma_semaphore, #tpu.memory_space<semaphore_mem>>) src(%dma_wait3A_98 : memref<2x128xi32, #tpu.memory_space<hbm>>) dst(%arg7 : memref<2x128xi32, #tpu.memory_space<vmem>>)
    %dma_start3A_99 = arith.constant 0 : i32
    %dma_start3A_100 = arith.constant 0 : i32
    %dma_start3A_101 = tpu.memref_slice %arg7[%dma_start3A_99, %dma_start3A_100] : memref<2x128xi32, #tpu.memory_space<vmem>> -> memref<1x128xi32, #tpu.memory_space<vmem>>
    %dma_start3A_102 = tpu.memref_squeeze %dma_start3A_101 : memref<1x128xi32, #tpu.memory_space<vmem>> -> memref<128xi32, #tpu.memory_space<vmem>>
    %dma_start3A_103 = arith.constant 0 : i32
    %dma_start3A_104 = arith.constant 0 : i32
    %dma_start3A_105 = tpu.memref_slice %arg2[%dma_start3A_103, %dma_start3A_104] : memref<10240x64xf32, #tpu.memory_space<hbm>> -> memref<10240x64xf32, #tpu.memory_space<hbm>>
    tpu.enqueue_indirect_dma source(%dma_start3A_105 : memref<10240x64xf32, #tpu.memory_space<hbm>>) target(%arg12 : memref<128x64xf32, #tpu.memory_space<vmem>>) offsets(%dma_start3A_102 : memref<128xi32, #tpu.memory_space<vmem>>) semaphore(%arg22 : memref<!tpu.dma_semaphore, #tpu.memory_space<semaphore_mem>>)
    %dma_wait3A_106 = arith.constant 0 : i32
    %dma_wait3A_107 = arith.constant 0 : i32
    %dma_wait3A_108 = tpu.memref_slice %arg6[%dma_wait3A_106, %dma_wait3A_107] : memref<2x128xi32, #tpu.memory_space<vmem>> -> memref<1x128xi32, #tpu.memory_space<vmem>>
    %dma_wait3A_109 = tpu.memref_squeeze %dma_wait3A_108 : memref<1x128xi32, #tpu.memory_space<vmem>> -> memref<128xi32, #tpu.memory_space<vmem>>
    %dma_wait3A_110 = arith.constant 0 : i32
    %dma_wait3A_111 = arith.constant 0 : i32
    %dma_wait3A_112 = tpu.memref_slice %arg2[%dma_wait3A_110, %dma_wait3A_111] : memref<10240x64xf32, #tpu.memory_space<hbm>> -> memref<10240x64xf32, #tpu.memory_space<hbm>>
    tpu.wait_indirect_dma semaphore(%arg21 : memref<!tpu.dma_semaphore, #tpu.memory_space<semaphore_mem>>) src(%dma_wait3A_112 : memref<10240x64xf32, #tpu.memory_space<hbm>>) dst(%arg11 : memref<128x64xf32, #tpu.memory_space<vmem>>)
    %dma_start3A_113 = arith.constant 1 : i32
    %dma_start3A_114 = arith.constant 0 : i32
    %dma_start3A_115 = tpu.memref_slice %arg6[%dma_start3A_113, %dma_start3A_114] : memref<2x128xi32, #tpu.memory_space<vmem>> -> memref<1x128xi32, #tpu.memory_space<vmem>>
    %dma_start3A_116 = tpu.memref_squeeze %dma_start3A_115 : memref<1x128xi32, #tpu.memory_space<vmem>> -> memref<128xi32, #tpu.memory_space<vmem>>
    %dma_start3A_117 = arith.constant 0 : i32
    %dma_start3A_118 = arith.constant 0 : i32
    %dma_start3A_119 = tpu.memref_slice %arg15[%dma_start3A_117, %dma_start3A_118] : memref<10240x64xf32, #tpu.memory_space<vmem_shared>> -> memref<10240x64xf32, #tpu.memory_space<vmem_shared>>
    tpu.enqueue_indirect_dma source(%arg11 : memref<128x64xf32, #tpu.memory_space<vmem>>) target(%dma_start3A_119 : memref<10240x64xf32, #tpu.memory_space<vmem_shared>>) offsets(%dma_start3A_116 : memref<128xi32, #tpu.memory_space<vmem>>) semaphore(%arg25 : memref<!tpu.dma_semaphore, #tpu.memory_space<semaphore_mem>>) {add = true}
    %add3A_120 = arith.constant 1 : i32
    %add3A_121 = arith.constant 2 : i32
    %add3A_122 = arith.addi %add3A_120, %add3A_121 : i32
    %min3A_123 = arith.constant 77 : i32
    %min3A_124 = arith.minsi %add3A_122, %min3A_123 : i32
    %mul3A_125 = arith.constant 10000 : i32
    %mul3A_126 = arith.muli %add3A, %mul3A_125 : i32
    %mul3A_127 = arith.constant 128 : i32
    %mul3A_128 = arith.muli %min3A_124, %mul3A_127 : i32
    %add3A_129 = arith.addi %mul3A_126, %mul3A_128 : i32
    %multiple_of3A_130 = tpu.assume_multiple %add3A_129, 8 : i32
    %dma_start3A_131 = arith.constant 0 : i32
    %dma_start3A_132 = tpu.memref_slice %arg3[%dma_start3A_131, %multiple_of3A_130] : memref<2x320000xi32, #tpu.memory_space<hbm>> -> memref<2x128xi32, #tpu.memory_space<hbm>>
    %dma_start3A_133 = arith.constant 0 : i32
    %dma_start3A_134 = tpu.memref_slice %arg3[%dma_start3A_133, %multiple_of3A_130] : memref<2x320000xi32, #tpu.memory_space<hbm>> -> memref<2x128xi32, #tpu.memory_space<hbm>>
    tpu.enqueue_dma source(%dma_start3A_134 : memref<2x128xi32, #tpu.memory_space<hbm>>) target(%arg8 : memref<2x128xi32, #tpu.memory_space<vmem>>) target_semaphore(%arg19 : memref<!tpu.dma_semaphore, #tpu.memory_space<semaphore_mem>>)
    %scan3A_135 = arith.constant 0 : i32
    %scan3A_136 = arith.constant 19 : i32
    %scan3A_137 = arith.addi %scan3A_135, %scan3A_136 : i32
    %scan3A_138 = arith.constant 1 : i32
    scf.for %scan3A_191 = %scan3A_135 to %scan3A_137 step %scan3A_138  : i32 {
      %mul3A_192 = arith.constant 1 : i32
      %mul3A_193 = arith.muli %scan3A_191, %mul3A_192 : i32
      %add3A_194 = arith.constant 0 : i32
      %add3A_195 = arith.addi %add3A_194, %mul3A_193 : i32
      %mul3A_196 = arith.constant 4 : i32
      %mul3A_197 = arith.muli %add3A_195, %mul3A_196 : i32
      %add3A_198 = arith.constant 2 : i32
      %add3A_199 = arith.addi %add3A_198, %mul3A_197 : i32
      %add3A_200 = arith.constant 0 : i32
      %add3A_201 = arith.addi %add3A_199, %add3A_200 : i32
      %dma_wait3A_202 = arith.constant 0 : i32
      %dma_wait3A_203 = arith.constant 0 : i32
      %dma_wait3A_204 = tpu.memref_slice %arg3[%dma_wait3A_202, %dma_wait3A_203] : memref<2x320000xi32, #tpu.memory_space<hbm>> -> memref<2x128xi32, #tpu.memory_space<hbm>>
      %dma_wait3A_205 = arith.constant 0 : i32
      %dma_wait3A_206 = arith.constant 0 : i32
      %dma_wait3A_207 = tpu.memref_slice %arg3[%dma_wait3A_205, %dma_wait3A_206] : memref<2x320000xi32, #tpu.memory_space<hbm>> -> memref<2x128xi32, #tpu.memory_space<hbm>>
      tpu.wait_dma2 semaphore(%arg19 : memref<!tpu.dma_semaphore, #tpu.memory_space<semaphore_mem>>) src(%dma_wait3A_207 : memref<2x128xi32, #tpu.memory_space<hbm>>) dst(%arg8 : memref<2x128xi32, #tpu.memory_space<vmem>>)
      %dma_start3A_208 = arith.constant 0 : i32
      %dma_start3A_209 = arith.constant 0 : i32
      %dma_start3A_210 = tpu.memref_slice %arg8[%dma_start3A_208, %dma_start3A_209] : memref<2x128xi32, #tpu.memory_space<vmem>> -> memref<1x128xi32, #tpu.memory_space<vmem>>
      %dma_start3A_211 = tpu.memref_squeeze %dma_start3A_210 : memref<1x128xi32, #tpu.memory_space<vmem>> -> memref<128xi32, #tpu.memory_space<vmem>>
      %dma_start3A_212 = arith.constant 0 : i32
      %dma_start3A_213 = arith.constant 0 : i32
      %dma_start3A_214 = tpu.memref_slice %arg2[%dma_start3A_212, %dma_start3A_213] : memref<10240x64xf32, #tpu.memory_space<hbm>> -> memref<10240x64xf32, #tpu.memory_space<hbm>>
      tpu.enqueue_indirect_dma source(%dma_start3A_214 : memref<10240x64xf32, #tpu.memory_space<hbm>>) target(%arg13 : memref<128x64xf32, #tpu.memory_space<vmem>>) offsets(%dma_start3A_211 : memref<128xi32, #tpu.memory_space<vmem>>) semaphore(%arg23 : memref<!tpu.dma_semaphore, #tpu.memory_space<semaphore_mem>>)
      %dma_wait3A_215 = arith.constant 0 : i32
      %dma_wait3A_216 = arith.constant 0 : i32
      %dma_wait3A_217 = tpu.memref_slice %arg7[%dma_wait3A_215, %dma_wait3A_216] : memref<2x128xi32, #tpu.memory_space<vmem>> -> memref<1x128xi32, #tpu.memory_space<vmem>>
      %dma_wait3A_218 = tpu.memref_squeeze %dma_wait3A_217 : memref<1x128xi32, #tpu.memory_space<vmem>> -> memref<128xi32, #tpu.memory_space<vmem>>
      %dma_wait3A_219 = arith.constant 0 : i32
      %dma_wait3A_220 = arith.constant 0 : i32
      %dma_wait3A_221 = tpu.memref_slice %arg2[%dma_wait3A_219, %dma_wait3A_220] : memref<10240x64xf32, #tpu.memory_space<hbm>> -> memref<10240x64xf32, #tpu.memory_space<hbm>>
      tpu.wait_indirect_dma semaphore(%arg22 : memref<!tpu.dma_semaphore, #tpu.memory_space<semaphore_mem>>) src(%dma_wait3A_221 : memref<10240x64xf32, #tpu.memory_space<hbm>>) dst(%arg12 : memref<128x64xf32, #tpu.memory_space<vmem>>)
      %dma_start3A_222 = arith.constant 1 : i32
      %dma_start3A_223 = arith.constant 0 : i32
      %dma_start3A_224 = tpu.memref_slice %arg7[%dma_start3A_222, %dma_start3A_223] : memref<2x128xi32, #tpu.memory_space<vmem>> -> memref<1x128xi32, #tpu.memory_space<vmem>>
      %dma_start3A_225 = tpu.memref_squeeze %dma_start3A_224 : memref<1x128xi32, #tpu.memory_space<vmem>> -> memref<128xi32, #tpu.memory_space<vmem>>
      %dma_start3A_226 = arith.constant 0 : i32
      %dma_start3A_227 = arith.constant 0 : i32
      %dma_start3A_228 = tpu.memref_slice %arg15[%dma_start3A_226, %dma_start3A_227] : memref<10240x64xf32, #tpu.memory_space<vmem_shared>> -> memref<10240x64xf32, #tpu.memory_space<vmem_shared>>
      tpu.enqueue_indirect_dma source(%arg12 : memref<128x64xf32, #tpu.memory_space<vmem>>) target(%dma_start3A_228 : memref<10240x64xf32, #tpu.memory_space<vmem_shared>>) offsets(%dma_start3A_225 : memref<128xi32, #tpu.memory_space<vmem>>) semaphore(%arg26 : memref<!tpu.dma_semaphore, #tpu.memory_space<semaphore_mem>>) {add = true}
      %dma_wait3A_229 = arith.constant 1 : i32
      %dma_wait3A_230 = arith.constant 0 : i32
      %dma_wait3A_231 = tpu.memref_slice %arg5[%dma_wait3A_229, %dma_wait3A_230] : memref<2x128xi32, #tpu.memory_space<vmem>> -> memref<1x128xi32, #tpu.memory_space<vmem>>
      %dma_wait3A_232 = tpu.memref_squeeze %dma_wait3A_231 : memref<1x128xi32, #tpu.memory_space<vmem>> -> memref<128xi32, #tpu.memory_space<vmem>>
      %dma_wait3A_233 = arith.constant 0 : i32
      %dma_wait3A_234 = arith.constant 0 : i32
      %dma_wait3A_235 = tpu.memref_slice %arg15[%dma_wait3A_233, %dma_wait3A_234] : memref<10240x64xf32, #tpu.memory_space<vmem_shared>> -> memref<10240x64xf32, #tpu.memory_space<vmem_shared>>
      tpu.wait_indirect_dma semaphore(%arg24 : memref<!tpu.dma_semaphore, #tpu.memory_space<semaphore_mem>>) src(%arg10 : memref<128x64xf32, #tpu.memory_space<vmem>>) dst(%dma_wait3A_235 : memref<10240x64xf32, #tpu.memory_space<vmem_shared>>)
      %add3A_236 = arith.constant 2 : i32
      %add3A_237 = arith.addi %add3A_201, %add3A_236 : i32
      %min3A_238 = arith.constant 77 : i32
      %min3A_239 = arith.minsi %add3A_237, %min3A_238 : i32
      %mul3A_240 = arith.constant 10000 : i32
      %mul3A_241 = arith.muli %add3A, %mul3A_240 : i32
      %mul3A_242 = arith.constant 128 : i32
      %mul3A_243 = arith.muli %min3A_239, %mul3A_242 : i32
      %add3A_244 = arith.addi %mul3A_241, %mul3A_243 : i32
      %multiple_of3A_245 = tpu.assume_multiple %add3A_244, 8 : i32
      %dma_start3A_246 = arith.constant 0 : i32
      %dma_start3A_247 = tpu.memref_slice %arg3[%dma_start3A_246, %multiple_of3A_245] : memref<2x320000xi32, #tpu.memory_space<hbm>> -> memref<2x128xi32, #tpu.memory_space<hbm>>
      %dma_start3A_248 = arith.constant 0 : i32
      %dma_start3A_249 = tpu.memref_slice %arg3[%dma_start3A_248, %multiple_of3A_245] : memref<2x320000xi32, #tpu.memory_space<hbm>> -> memref<2x128xi32, #tpu.memory_space<hbm>>
      tpu.enqueue_dma source(%dma_start3A_249 : memref<2x128xi32, #tpu.memory_space<hbm>>) target(%arg5 : memref<2x128xi32, #tpu.memory_space<vmem>>) target_semaphore(%arg16 : memref<!tpu.dma_semaphore, #tpu.memory_space<semaphore_mem>>)
      %mul3A_250 = arith.constant 4 : i32
      %mul3A_251 = arith.muli %add3A_195, %mul3A_250 : i32
      %add3A_252 = arith.constant 2 : i32
      %add3A_253 = arith.addi %add3A_252, %mul3A_251 : i32
      %add3A_254 = arith.constant 1 : i32
      %add3A_255 = arith.addi %add3A_253, %add3A_254 : i32
      %dma_wait3A_256 = arith.constant 0 : i32
      %dma_wait3A_257 = arith.constant 0 : i32
      %dma_wait3A_258 = tpu.memref_slice %arg3[%dma_wait3A_256, %dma_wait3A_257] : memref<2x320000xi32, #tpu.memory_space<hbm>> -> memref<2x128xi32, #tpu.memory_space<hbm>>
      %dma_wait3A_259 = arith.constant 0 : i32
      %dma_wait3A_260 = arith.constant 0 : i32
      %dma_wait3A_261 = tpu.memref_slice %arg3[%dma_wait3A_259, %dma_wait3A_260] : memref<2x320000xi32, #tpu.memory_space<hbm>> -> memref<2x128xi32, #tpu.memory_space<hbm>>
      tpu.wait_dma2 semaphore(%arg16 : memref<!tpu.dma_semaphore, #tpu.memory_space<semaphore_mem>>) src(%dma_wait3A_261 : memref<2x128xi32, #tpu.memory_space<hbm>>) dst(%arg5 : memref<2x128xi32, #tpu.memory_space<vmem>>)
      %dma_start3A_262 = arith.constant 0 : i32
      %dma_start3A_263 = arith.constant 0 : i32
      %dma_start3A_264 = tpu.memref_slice %arg5[%dma_start3A_262, %dma_start3A_263] : memref<2x128xi32, #tpu.memory_space<vmem>> -> memref<1x128xi32, #tpu.memory_space<vmem>>
      %dma_start3A_265 = tpu.memref_squeeze %dma_start3A_264 : memref<1x128xi32, #tpu.memory_space<vmem>> -> memref<128xi32, #tpu.memory_space<vmem>>
      %dma_start3A_266 = arith.constant 0 : i32
      %dma_start3A_267 = arith.constant 0 : i32
      %dma_start3A_268 = tpu.memref_slice %arg2[%dma_start3A_266, %dma_start3A_267] : memref<10240x64xf32, #tpu.memory_space<hbm>> -> memref<10240x64xf32, #tpu.memory_space<hbm>>
      tpu.enqueue_indirect_dma source(%dma_start3A_268 : memref<10240x64xf32, #tpu.memory_space<hbm>>) target(%arg10 : memref<128x64xf32, #tpu.memory_space<vmem>>) offsets(%dma_start3A_265 : memref<128xi32, #tpu.memory_space<vmem>>) semaphore(%arg20 : memref<!tpu.dma_semaphore, #tpu.memory_space<semaphore_mem>>)
      %dma_wait3A_269 = arith.constant 0 : i32
      %dma_wait3A_270 = arith.constant 0 : i32
      %dma_wait3A_271 = tpu.memref_slice %arg8[%dma_wait3A_269, %dma_wait3A_270] : memref<2x128xi32, #tpu.memory_space<vmem>> -> memref<1x128xi32, #tpu.memory_space<vmem>>
      %dma_wait3A_272 = tpu.memref_squeeze %dma_wait3A_271 : memref<1x128xi32, #tpu.memory_space<vmem>> -> memref<128xi32, #tpu.memory_space<vmem>>
      %dma_wait3A_273 = arith.constant 0 : i32
      %dma_wait3A_274 = arith.constant 0 : i32
      %dma_wait3A_275 = tpu.memref_slice %arg2[%dma_wait3A_273, %dma_wait3A_274] : memref<10240x64xf32, #tpu.memory_space<hbm>> -> memref<10240x64xf32, #tpu.memory_space<hbm>>
      tpu.wait_indirect_dma semaphore(%arg23 : memref<!tpu.dma_semaphore, #tpu.memory_space<semaphore_mem>>) src(%dma_wait3A_275 : memref<10240x64xf32, #tpu.memory_space<hbm>>) dst(%arg13 : memref<128x64xf32, #tpu.memory_space<vmem>>)
      %dma_start3A_276 = arith.constant 1 : i32
      %dma_start3A_277 = arith.constant 0 : i32
      %dma_start3A_278 = tpu.memref_slice %arg8[%dma_start3A_276, %dma_start3A_277] : memref<2x128xi32, #tpu.memory_space<vmem>> -> memref<1x128xi32, #tpu.memory_space<vmem>>
      %dma_start3A_279 = tpu.memref_squeeze %dma_start3A_278 : memref<1x128xi32, #tpu.memory_space<vmem>> -> memref<128xi32, #tpu.memory_space<vmem>>
      %dma_start3A_280 = arith.constant 0 : i32
      %dma_start3A_281 = arith.constant 0 : i32
      %dma_start3A_282 = tpu.memref_slice %arg15[%dma_start3A_280, %dma_start3A_281] : memref<10240x64xf32, #tpu.memory_space<vmem_shared>> -> memref<10240x64xf32, #tpu.memory_space<vmem_shared>>
      tpu.enqueue_indirect_dma source(%arg13 : memref<128x64xf32, #tpu.memory_space<vmem>>) target(%dma_start3A_282 : memref<10240x64xf32, #tpu.memory_space<vmem_shared>>) offsets(%dma_start3A_279 : memref<128xi32, #tpu.memory_space<vmem>>) semaphore(%arg27 : memref<!tpu.dma_semaphore, #tpu.memory_space<semaphore_mem>>) {add = true}
      %dma_wait3A_283 = arith.constant 1 : i32
      %dma_wait3A_284 = arith.constant 0 : i32
      %dma_wait3A_285 = tpu.memref_slice %arg6[%dma_wait3A_283, %dma_wait3A_284] : memref<2x128xi32, #tpu.memory_space<vmem>> -> memref<1x128xi32, #tpu.memory_space<vmem>>
      %dma_wait3A_286 = tpu.memref_squeeze %dma_wait3A_285 : memref<1x128xi32, #tpu.memory_space<vmem>> -> memref<128xi32, #tpu.memory_space<vmem>>
      %dma_wait3A_287 = arith.constant 0 : i32
      %dma_wait3A_288 = arith.constant 0 : i32
      %dma_wait3A_289 = tpu.memref_slice %arg15[%dma_wait3A_287, %dma_wait3A_288] : memref<10240x64xf32, #tpu.memory_space<vmem_shared>> -> memref<10240x64xf32, #tpu.memory_space<vmem_shared>>
      tpu.wait_indirect_dma semaphore(%arg25 : memref<!tpu.dma_semaphore, #tpu.memory_space<semaphore_mem>>) src(%arg11 : memref<128x64xf32, #tpu.memory_space<vmem>>) dst(%dma_wait3A_289 : memref<10240x64xf32, #tpu.memory_space<vmem_shared>>)
      %add3A_290 = arith.constant 2 : i32
      %add3A_291 = arith.addi %add3A_255, %add3A_290 : i32
      %min3A_292 = arith.constant 77 : i32
      %min3A_293 = arith.minsi %add3A_291, %min3A_292 : i32
      %mul3A_294 = arith.constant 10000 : i32
      %mul3A_295 = arith.muli %add3A, %mul3A_294 : i32
      %mul3A_296 = arith.constant 128 : i32
      %mul3A_297 = arith.muli %min3A_293, %mul3A_296 : i32
      %add3A_298 = arith.addi %mul3A_295, %mul3A_297 : i32
      %multiple_of3A_299 = tpu.assume_multiple %add3A_298, 8 : i32
      %dma_start3A_300 = arith.constant 0 : i32
      %dma_start3A_301 = tpu.memref_slice %arg3[%dma_start3A_300, %multiple_of3A_299] : memref<2x320000xi32, #tpu.memory_space<hbm>> -> memref<2x128xi32, #tpu.memory_space<hbm>>
      %dma_start3A_302 = arith.constant 0 : i32
      %dma_start3A_303 = tpu.memref_slice %arg3[%dma_start3A_302, %multiple_of3A_299] : memref<2x320000xi32, #tpu.memory_space<hbm>> -> memref<2x128xi32, #tpu.memory_space<hbm>>
      tpu.enqueue_dma source(%dma_start3A_303 : memref<2x128xi32, #tpu.memory_space<hbm>>) target(%arg6 : memref<2x128xi32, #tpu.memory_space<vmem>>) target_semaphore(%arg17 : memref<!tpu.dma_semaphore, #tpu.memory_space<semaphore_mem>>)
      %mul3A_304 = arith.constant 4 : i32
      %mul3A_305 = arith.muli %add3A_195, %mul3A_304 : i32
      %add3A_306 = arith.constant 2 : i32
      %add3A_307 = arith.addi %add3A_306, %mul3A_305 : i32
      %add3A_308 = arith.constant 2 : i32
      %add3A_309 = arith.addi %add3A_307, %add3A_308 : i32
      %dma_wait3A_310 = arith.constant 0 : i32
      %dma_wait3A_311 = arith.constant 0 : i32
      %dma_wait3A_312 = tpu.memref_slice %arg3[%dma_wait3A_310, %dma_wait3A_311] : memref<2x320000xi32, #tpu.memory_space<hbm>> -> memref<2x128xi32, #tpu.memory_space<hbm>>
      %dma_wait3A_313 = arith.constant 0 : i32
      %dma_wait3A_314 = arith.constant 0 : i32
      %dma_wait3A_315 = tpu.memref_slice %arg3[%dma_wait3A_313, %dma_wait3A_314] : memref<2x320000xi32, #tpu.memory_space<hbm>> -> memref<2x128xi32, #tpu.memory_space<hbm>>
      tpu.wait_dma2 semaphore(%arg17 : memref<!tpu.dma_semaphore, #tpu.memory_space<semaphore_mem>>) src(%dma_wait3A_315 : memref<2x128xi32, #tpu.memory_space<hbm>>) dst(%arg6 : memref<2x128xi32, #tpu.memory_space<vmem>>)
      %dma_start3A_316 = arith.constant 0 : i32
      %dma_start3A_317 = arith.constant 0 : i32
      %dma_start3A_318 = tpu.memref_slice %arg6[%dma_start3A_316, %dma_start3A_317] : memref<2x128xi32, #tpu.memory_space<vmem>> -> memref<1x128xi32, #tpu.memory_space<vmem>>
      %dma_start3A_319 = tpu.memref_squeeze %dma_start3A_318 : memref<1x128xi32, #tpu.memory_space<vmem>> -> memref<128xi32, #tpu.memory_space<vmem>>
      %dma_start3A_320 = arith.constant 0 : i32
      %dma_start3A_321 = arith.constant 0 : i32
      %dma_start3A_322 = tpu.memref_slice %arg2[%dma_start3A_320, %dma_start3A_321] : memref<10240x64xf32, #tpu.memory_space<hbm>> -> memref<10240x64xf32, #tpu.memory_space<hbm>>
      tpu.enqueue_indirect_dma source(%dma_start3A_322 : memref<10240x64xf32, #tpu.memory_space<hbm>>) target(%arg11 : memref<128x64xf32, #tpu.memory_space<vmem>>) offsets(%dma_start3A_319 : memref<128xi32, #tpu.memory_space<vmem>>) semaphore(%arg21 : memref<!tpu.dma_semaphore, #tpu.memory_space<semaphore_mem>>)
      %dma_wait3A_323 = arith.constant 0 : i32
      %dma_wait3A_324 = arith.constant 0 : i32
      %dma_wait3A_325 = tpu.memref_slice %arg5[%dma_wait3A_323, %dma_wait3A_324] : memref<2x128xi32, #tpu.memory_space<vmem>> -> memref<1x128xi32, #tpu.memory_space<vmem>>
      %dma_wait3A_326 = tpu.memref_squeeze %dma_wait3A_325 : memref<1x128xi32, #tpu.memory_space<vmem>> -> memref<128xi32, #tpu.memory_space<vmem>>
      %dma_wait3A_327 = arith.constant 0 : i32
      %dma_wait3A_328 = arith.constant 0 : i32
      %dma_wait3A_329 = tpu.memref_slice %arg2[%dma_wait3A_327, %dma_wait3A_328] : memref<10240x64xf32, #tpu.memory_space<hbm>> -> memref<10240x64xf32, #tpu.memory_space<hbm>>
      tpu.wait_indirect_dma semaphore(%arg20 : memref<!tpu.dma_semaphore, #tpu.memory_space<semaphore_mem>>) src(%dma_wait3A_329 : memref<10240x64xf32, #tpu.memory_space<hbm>>) dst(%arg10 : memref<128x64xf32, #tpu.memory_space<vmem>>)
      %dma_start3A_330 = arith.constant 1 : i32
      %dma_start3A_331 = arith.constant 0 : i32
      %dma_start3A_332 = tpu.memref_slice %arg5[%dma_start3A_330, %dma_start3A_331] : memref<2x128xi32, #tpu.memory_space<vmem>> -> memref<1x128xi32, #tpu.memory_space<vmem>>
      %dma_start3A_333 = tpu.memref_squeeze %dma_start3A_332 : memref<1x128xi32, #tpu.memory_space<vmem>> -> memref<128xi32, #tpu.memory_space<vmem>>
      %dma_start3A_334 = arith.constant 0 : i32
      %dma_start3A_335 = arith.constant 0 : i32
      %dma_start3A_336 = tpu.memref_slice %arg15[%dma_start3A_334, %dma_start3A_335] : memref<10240x64xf32, #tpu.memory_space<vmem_shared>> -> memref<10240x64xf32, #tpu.memory_space<vmem_shared>>
      tpu.enqueue_indirect_dma source(%arg10 : memref<128x64xf32, #tpu.memory_space<vmem>>) target(%dma_start3A_336 : memref<10240x64xf32, #tpu.memory_space<vmem_shared>>) offsets(%dma_start3A_333 : memref<128xi32, #tpu.memory_space<vmem>>) semaphore(%arg24 : memref<!tpu.dma_semaphore, #tpu.memory_space<semaphore_mem>>) {add = true}
      %dma_wait3A_337 = arith.constant 1 : i32
      %dma_wait3A_338 = arith.constant 0 : i32
      %dma_wait3A_339 = tpu.memref_slice %arg7[%dma_wait3A_337, %dma_wait3A_338] : memref<2x128xi32, #tpu.memory_space<vmem>> -> memref<1x128xi32, #tpu.memory_space<vmem>>
      %dma_wait3A_340 = tpu.memref_squeeze %dma_wait3A_339 : memref<1x128xi32, #tpu.memory_space<vmem>> -> memref<128xi32, #tpu.memory_space<vmem>>
      %dma_wait3A_341 = arith.constant 0 : i32
      %dma_wait3A_342 = arith.constant 0 : i32
      %dma_wait3A_343 = tpu.memref_slice %arg15[%dma_wait3A_341, %dma_wait3A_342] : memref<10240x64xf32, #tpu.memory_space<vmem_shared>> -> memref<10240x64xf32, #tpu.memory_space<vmem_shared>>
      tpu.wait_indirect_dma semaphore(%arg26 : memref<!tpu.dma_semaphore, #tpu.memory_space<semaphore_mem>>) src(%arg12 : memref<128x64xf32, #tpu.memory_space<vmem>>) dst(%dma_wait3A_343 : memref<10240x64xf32, #tpu.memory_space<vmem_shared>>)
      %add3A_344 = arith.constant 2 : i32
      %add3A_345 = arith.addi %add3A_309, %add3A_344 : i32
      %min3A_346 = arith.constant 77 : i32
      %min3A_347 = arith.minsi %add3A_345, %min3A_346 : i32
      %mul3A_348 = arith.constant 10000 : i32
      %mul3A_349 = arith.muli %add3A, %mul3A_348 : i32
      %mul3A_350 = arith.constant 128 : i32
      %mul3A_351 = arith.muli %min3A_347, %mul3A_350 : i32
      %add3A_352 = arith.addi %mul3A_349, %mul3A_351 : i32
      %multiple_of3A_353 = tpu.assume_multiple %add3A_352, 8 : i32
      %dma_start3A_354 = arith.constant 0 : i32
      %dma_start3A_355 = tpu.memref_slice %arg3[%dma_start3A_354, %multiple_of3A_353] : memref<2x320000xi32, #tpu.memory_space<hbm>> -> memref<2x128xi32, #tpu.memory_space<hbm>>
      %dma_start3A_356 = arith.constant 0 : i32
      %dma_start3A_357 = tpu.memref_slice %arg3[%dma_start3A_356, %multiple_of3A_353] : memref<2x320000xi32, #tpu.memory_space<hbm>> -> memref<2x128xi32, #tpu.memory_space<hbm>>
      tpu.enqueue_dma source(%dma_start3A_357 : memref<2x128xi32, #tpu.memory_space<hbm>>) target(%arg7 : memref<2x128xi32, #tpu.memory_space<vmem>>) target_semaphore(%arg18 : memref<!tpu.dma_semaphore, #tpu.memory_space<semaphore_mem>>)
      %mul3A_358 = arith.constant 4 : i32
      %mul3A_359 = arith.muli %add3A_195, %mul3A_358 : i32
      %add3A_360 = arith.constant 2 : i32
      %add3A_361 = arith.addi %add3A_360, %mul3A_359 : i32
      %add3A_362 = arith.constant 3 : i32
      %add3A_363 = arith.addi %add3A_361, %add3A_362 : i32
      %dma_wait3A_364 = arith.constant 0 : i32
      %dma_wait3A_365 = arith.constant 0 : i32
      %dma_wait3A_366 = tpu.memref_slice %arg3[%dma_wait3A_364, %dma_wait3A_365] : memref<2x320000xi32, #tpu.memory_space<hbm>> -> memref<2x128xi32, #tpu.memory_space<hbm>>
      %dma_wait3A_367 = arith.constant 0 : i32
      %dma_wait3A_368 = arith.constant 0 : i32
      %dma_wait3A_369 = tpu.memref_slice %arg3[%dma_wait3A_367, %dma_wait3A_368] : memref<2x320000xi32, #tpu.memory_space<hbm>> -> memref<2x128xi32, #tpu.memory_space<hbm>>
      tpu.wait_dma2 semaphore(%arg18 : memref<!tpu.dma_semaphore, #tpu.memory_space<semaphore_mem>>) src(%dma_wait3A_369 : memref<2x128xi32, #tpu.memory_space<hbm>>) dst(%arg7 : memref<2x128xi32, #tpu.memory_space<vmem>>)
      %dma_start3A_370 = arith.constant 0 : i32
      %dma_start3A_371 = arith.constant 0 : i32
      %dma_start3A_372 = tpu.memref_slice %arg7[%dma_start3A_370, %dma_start3A_371] : memref<2x128xi32, #tpu.memory_space<vmem>> -> memref<1x128xi32, #tpu.memory_space<vmem>>
      %dma_start3A_373 = tpu.memref_squeeze %dma_start3A_372 : memref<1x128xi32, #tpu.memory_space<vmem>> -> memref<128xi32, #tpu.memory_space<vmem>>
      %dma_start3A_374 = arith.constant 0 : i32
      %dma_start3A_375 = arith.constant 0 : i32
      %dma_start3A_376 = tpu.memref_slice %arg2[%dma_start3A_374, %dma_start3A_375] : memref<10240x64xf32, #tpu.memory_space<hbm>> -> memref<10240x64xf32, #tpu.memory_space<hbm>>
      tpu.enqueue_indirect_dma source(%dma_start3A_376 : memref<10240x64xf32, #tpu.memory_space<hbm>>) target(%arg12 : memref<128x64xf32, #tpu.memory_space<vmem>>) offsets(%dma_start3A_373 : memref<128xi32, #tpu.memory_space<vmem>>) semaphore(%arg22 : memref<!tpu.dma_semaphore, #tpu.memory_space<semaphore_mem>>)
      %dma_wait3A_377 = arith.constant 0 : i32
      %dma_wait3A_378 = arith.constant 0 : i32
      %dma_wait3A_379 = tpu.memref_slice %arg6[%dma_wait3A_377, %dma_wait3A_378] : memref<2x128xi32, #tpu.memory_space<vmem>> -> memref<1x128xi32, #tpu.memory_space<vmem>>
      %dma_wait3A_380 = tpu.memref_squeeze %dma_wait3A_379 : memref<1x128xi32, #tpu.memory_space<vmem>> -> memref<128xi32, #tpu.memory_space<vmem>>
      %dma_wait3A_381 = arith.constant 0 : i32
      %dma_wait3A_382 = arith.constant 0 : i32
      %dma_wait3A_383 = tpu.memref_slice %arg2[%dma_wait3A_381, %dma_wait3A_382] : memref<10240x64xf32, #tpu.memory_space<hbm>> -> memref<10240x64xf32, #tpu.memory_space<hbm>>
      tpu.wait_indirect_dma semaphore(%arg21 : memref<!tpu.dma_semaphore, #tpu.memory_space<semaphore_mem>>) src(%dma_wait3A_383 : memref<10240x64xf32, #tpu.memory_space<hbm>>) dst(%arg11 : memref<128x64xf32, #tpu.memory_space<vmem>>)
      %dma_start3A_384 = arith.constant 1 : i32
      %dma_start3A_385 = arith.constant 0 : i32
      %dma_start3A_386 = tpu.memref_slice %arg6[%dma_start3A_384, %dma_start3A_385] : memref<2x128xi32, #tpu.memory_space<vmem>> -> memref<1x128xi32, #tpu.memory_space<vmem>>
      %dma_start3A_387 = tpu.memref_squeeze %dma_start3A_386 : memref<1x128xi32, #tpu.memory_space<vmem>> -> memref<128xi32, #tpu.memory_space<vmem>>
      %dma_start3A_388 = arith.constant 0 : i32
      %dma_start3A_389 = arith.constant 0 : i32
      %dma_start3A_390 = tpu.memref_slice %arg15[%dma_start3A_388, %dma_start3A_389] : memref<10240x64xf32, #tpu.memory_space<vmem_shared>> -> memref<10240x64xf32, #tpu.memory_space<vmem_shared>>
      tpu.enqueue_indirect_dma source(%arg11 : memref<128x64xf32, #tpu.memory_space<vmem>>) target(%dma_start3A_390 : memref<10240x64xf32, #tpu.memory_space<vmem_shared>>) offsets(%dma_start3A_387 : memref<128xi32, #tpu.memory_space<vmem>>) semaphore(%arg25 : memref<!tpu.dma_semaphore, #tpu.memory_space<semaphore_mem>>) {add = true}
      %dma_wait3A_391 = arith.constant 1 : i32
      %dma_wait3A_392 = arith.constant 0 : i32
      %dma_wait3A_393 = tpu.memref_slice %arg8[%dma_wait3A_391, %dma_wait3A_392] : memref<2x128xi32, #tpu.memory_space<vmem>> -> memref<1x128xi32, #tpu.memory_space<vmem>>
      %dma_wait3A_394 = tpu.memref_squeeze %dma_wait3A_393 : memref<1x128xi32, #tpu.memory_space<vmem>> -> memref<128xi32, #tpu.memory_space<vmem>>
      %dma_wait3A_395 = arith.constant 0 : i32
      %dma_wait3A_396 = arith.constant 0 : i32
      %dma_wait3A_397 = tpu.memref_slice %arg15[%dma_wait3A_395, %dma_wait3A_396] : memref<10240x64xf32, #tpu.memory_space<vmem_shared>> -> memref<10240x64xf32, #tpu.memory_space<vmem_shared>>
      tpu.wait_indirect_dma semaphore(%arg27 : memref<!tpu.dma_semaphore, #tpu.memory_space<semaphore_mem>>) src(%arg13 : memref<128x64xf32, #tpu.memory_space<vmem>>) dst(%dma_wait3A_397 : memref<10240x64xf32, #tpu.memory_space<vmem_shared>>)
      %add3A_398 = arith.constant 2 : i32
      %add3A_399 = arith.addi %add3A_363, %add3A_398 : i32
      %min3A_400 = arith.constant 77 : i32
      %min3A_401 = arith.minsi %add3A_399, %min3A_400 : i32
      %mul3A_402 = arith.constant 10000 : i32
      %mul3A_403 = arith.muli %add3A, %mul3A_402 : i32
      %mul3A_404 = arith.constant 128 : i32
      %mul3A_405 = arith.muli %min3A_401, %mul3A_404 : i32
      %add3A_406 = arith.addi %mul3A_403, %mul3A_405 : i32
      %multiple_of3A_407 = tpu.assume_multiple %add3A_406, 8 : i32
      %dma_start3A_408 = arith.constant 0 : i32
      %dma_start3A_409 = tpu.memref_slice %arg3[%dma_start3A_408, %multiple_of3A_407] : memref<2x320000xi32, #tpu.memory_space<hbm>> -> memref<2x128xi32, #tpu.memory_space<hbm>>
      %dma_start3A_410 = arith.constant 0 : i32
      %dma_start3A_411 = tpu.memref_slice %arg3[%dma_start3A_410, %multiple_of3A_407] : memref<2x320000xi32, #tpu.memory_space<hbm>> -> memref<2x128xi32, #tpu.memory_space<hbm>>
      tpu.enqueue_dma source(%dma_start3A_411 : memref<2x128xi32, #tpu.memory_space<hbm>>) target(%arg8 : memref<2x128xi32, #tpu.memory_space<vmem>>) target_semaphore(%arg19 : memref<!tpu.dma_semaphore, #tpu.memory_space<semaphore_mem>>)
    }
    %scan3A_139 = arith.constant 19 : i32
    %dma_wait3A_140 = arith.constant 0 : i32
    %dma_wait3A_141 = arith.constant 0 : i32
    %dma_wait3A_142 = tpu.memref_slice %arg3[%dma_wait3A_140, %dma_wait3A_141] : memref<2x320000xi32, #tpu.memory_space<hbm>> -> memref<2x128xi32, #tpu.memory_space<hbm>>
    %dma_wait3A_143 = arith.constant 0 : i32
    %dma_wait3A_144 = arith.constant 0 : i32
    %dma_wait3A_145 = tpu.memref_slice %arg3[%dma_wait3A_143, %dma_wait3A_144] : memref<2x320000xi32, #tpu.memory_space<hbm>> -> memref<2x128xi32, #tpu.memory_space<hbm>>
    tpu.wait_dma2 semaphore(%arg19 : memref<!tpu.dma_semaphore, #tpu.memory_space<semaphore_mem>>) src(%dma_wait3A_145 : memref<2x128xi32, #tpu.memory_space<hbm>>) dst(%arg8 : memref<2x128xi32, #tpu.memory_space<vmem>>)
    %dma_wait3A_146 = arith.constant 0 : i32
    %dma_wait3A_147 = arith.constant 0 : i32
    %dma_wait3A_148 = tpu.memref_slice %arg7[%dma_wait3A_146, %dma_wait3A_147] : memref<2x128xi32, #tpu.memory_space<vmem>> -> memref<1x128xi32, #tpu.memory_space<vmem>>
    %dma_wait3A_149 = tpu.memref_squeeze %dma_wait3A_148 : memref<1x128xi32, #tpu.memory_space<vmem>> -> memref<128xi32, #tpu.memory_space<vmem>>
    %dma_wait3A_150 = arith.constant 0 : i32
    %dma_wait3A_151 = arith.constant 0 : i32
    %dma_wait3A_152 = tpu.memref_slice %arg2[%dma_wait3A_150, %dma_wait3A_151] : memref<10240x64xf32, #tpu.memory_space<hbm>> -> memref<10240x64xf32, #tpu.memory_space<hbm>>
    tpu.wait_indirect_dma semaphore(%arg22 : memref<!tpu.dma_semaphore, #tpu.memory_space<semaphore_mem>>) src(%dma_wait3A_152 : memref<10240x64xf32, #tpu.memory_space<hbm>>) dst(%arg12 : memref<128x64xf32, #tpu.memory_space<vmem>>)
    %dma_wait3A_153 = arith.constant 1 : i32
    %dma_wait3A_154 = arith.constant 0 : i32
    %dma_wait3A_155 = tpu.memref_slice %arg5[%dma_wait3A_153, %dma_wait3A_154] : memref<2x128xi32, #tpu.memory_space<vmem>> -> memref<1x128xi32, #tpu.memory_space<vmem>>
    %dma_wait3A_156 = tpu.memref_squeeze %dma_wait3A_155 : memref<1x128xi32, #tpu.memory_space<vmem>> -> memref<128xi32, #tpu.memory_space<vmem>>
    %dma_wait3A_157 = arith.constant 0 : i32
    %dma_wait3A_158 = arith.constant 0 : i32
    %dma_wait3A_159 = tpu.memref_slice %arg15[%dma_wait3A_157, %dma_wait3A_158] : memref<10240x64xf32, #tpu.memory_space<vmem_shared>> -> memref<10240x64xf32, #tpu.memory_space<vmem_shared>>
    tpu.wait_indirect_dma semaphore(%arg24 : memref<!tpu.dma_semaphore, #tpu.memory_space<semaphore_mem>>) src(%arg10 : memref<128x64xf32, #tpu.memory_space<vmem>>) dst(%dma_wait3A_159 : memref<10240x64xf32, #tpu.memory_space<vmem_shared>>)
    %dma_wait3A_160 = arith.constant 1 : i32
    %dma_wait3A_161 = arith.constant 0 : i32
    %dma_wait3A_162 = tpu.memref_slice %arg6[%dma_wait3A_160, %dma_wait3A_161] : memref<2x128xi32, #tpu.memory_space<vmem>> -> memref<1x128xi32, #tpu.memory_space<vmem>>
    %dma_wait3A_163 = tpu.memref_squeeze %dma_wait3A_162 : memref<1x128xi32, #tpu.memory_space<vmem>> -> memref<128xi32, #tpu.memory_space<vmem>>
    %dma_wait3A_164 = arith.constant 0 : i32
    %dma_wait3A_165 = arith.constant 0 : i32
    %dma_wait3A_166 = tpu.memref_slice %arg15[%dma_wait3A_164, %dma_wait3A_165] : memref<10240x64xf32, #tpu.memory_space<vmem_shared>> -> memref<10240x64xf32, #tpu.memory_space<vmem_shared>>
    tpu.wait_indirect_dma semaphore(%arg25 : memref<!tpu.dma_semaphore, #tpu.memory_space<semaphore_mem>>) src(%arg11 : memref<128x64xf32, #tpu.memory_space<vmem>>) dst(%dma_wait3A_166 : memref<10240x64xf32, #tpu.memory_space<vmem_shared>>)
    %mul3A_167 = arith.constant 10000 : i32
    %mul3A_168 = arith.muli %add3A, %mul3A_167 : i32
    %add3A_169 = arith.constant 9984 : i32
    %add3A_170 = arith.addi %mul3A_168, %add3A_169 : i32
    %multiple_of3A_171 = tpu.assume_multiple %add3A_170, 8 : i32
    "tpu.region"() ({
      %run_scoped3A_191 = tpu.sem_alloc : memref<!tpu.dma_semaphore, #tpu.memory_space<semaphore_mem>>
      %dma_start3A_192 = arith.constant 0 : i32
      %dma_start3A_193 = tpu.memref_slice %arg3[%dma_start3A_192, %multiple_of3A_171] : memref<2x320000xi32, #tpu.memory_space<hbm>> -> memref<2x16xi32, #tpu.memory_space<hbm>>
      %dma_start3A_194 = arith.constant 0 : i32
      %dma_start3A_195 = tpu.memref_slice %arg3[%dma_start3A_194, %multiple_of3A_171] : memref<2x320000xi32, #tpu.memory_space<hbm>> -> memref<2x16xi32, #tpu.memory_space<hbm>>
      tpu.enqueue_dma source(%dma_start3A_195 : memref<2x16xi32, #tpu.memory_space<hbm>>) target(%arg9 : memref<2x16xi32, #tpu.memory_space<vmem>>) target_semaphore(%run_scoped3A_191 : memref<!tpu.dma_semaphore, #tpu.memory_space<semaphore_mem>>)
      %dma_wait3A_196 = arith.constant 0 : i32
      %dma_wait3A_197 = tpu.memref_slice %arg3[%dma_wait3A_196, %multiple_of3A_171] : memref<2x320000xi32, #tpu.memory_space<hbm>> -> memref<2x16xi32, #tpu.memory_space<hbm>>
      %dma_wait3A_198 = arith.constant 0 : i32
      %dma_wait3A_199 = tpu.memref_slice %arg3[%dma_wait3A_198, %multiple_of3A_171] : memref<2x320000xi32, #tpu.memory_space<hbm>> -> memref<2x16xi32, #tpu.memory_space<hbm>>
      tpu.wait_dma2 semaphore(%run_scoped3A_191 : memref<!tpu.dma_semaphore, #tpu.memory_space<semaphore_mem>>) src(%dma_wait3A_199 : memref<2x16xi32, #tpu.memory_space<hbm>>) dst(%arg9 : memref<2x16xi32, #tpu.memory_space<vmem>>)
      tpu.yield
    }) : () -> ()
    %dma_start3A_172 = arith.constant 0 : i32
    %dma_start3A_173 = arith.constant 0 : i32
    %dma_start3A_174 = tpu.memref_slice %arg9[%dma_start3A_172, %dma_start3A_173] : memref<2x16xi32, #tpu.memory_space<vmem>> -> memref<1x16xi32, #tpu.memory_space<vmem>>
    %dma_start3A_175 = tpu.memref_squeeze %dma_start3A_174 : memref<1x16xi32, #tpu.memory_space<vmem>> -> memref<16xi32, #tpu.memory_space<vmem>>
    %dma_start3A_176 = arith.constant 0 : i32
    %dma_start3A_177 = arith.constant 0 : i32
    %dma_start3A_178 = tpu.memref_slice %arg2[%dma_start3A_176, %dma_start3A_177] : memref<10240x64xf32, #tpu.memory_space<hbm>> -> memref<10240x64xf32, #tpu.memory_space<hbm>>
    tpu.enqueue_indirect_dma source(%dma_start3A_178 : memref<10240x64xf32, #tpu.memory_space<hbm>>) target(%arg14 : memref<16x64xf32, #tpu.memory_space<vmem>>) offsets(%dma_start3A_175 : memref<16xi32, #tpu.memory_space<vmem>>) semaphore(%arg20 : memref<!tpu.dma_semaphore, #tpu.memory_space<semaphore_mem>>)
    %dma_wait3A_179 = arith.constant 0 : i32
    %dma_wait3A_180 = arith.constant 0 : i32
    %dma_wait3A_181 = tpu.memref_slice %arg9[%dma_wait3A_179, %dma_wait3A_180] : memref<2x16xi32, #tpu.memory_space<vmem>> -> memref<1x16xi32, #tpu.memory_space<vmem>>
    %dma_wait3A_182 = tpu.memref_squeeze %dma_wait3A_181 : memref<1x16xi32, #tpu.memory_space<vmem>> -> memref<16xi32, #tpu.memory_space<vmem>>
    %dma_wait3A_183 = arith.constant 0 : i32
    %dma_wait3A_184 = arith.constant 0 : i32
    %dma_wait3A_185 = tpu.memref_slice %arg2[%dma_wait3A_183, %dma_wait3A_184] : memref<10240x64xf32, #tpu.memory_space<hbm>> -> memref<10240x64xf32, #tpu.memory_space<hbm>>
    tpu.wait_indirect_dma semaphore(%arg20 : memref<!tpu.dma_semaphore, #tpu.memory_space<semaphore_mem>>) src(%dma_wait3A_185 : memref<10240x64xf32, #tpu.memory_space<hbm>>) dst(%arg14 : memref<16x64xf32, #tpu.memory_space<vmem>>)
    %run_scoped3A = arith.constant 1 : i32
    "tpu.region"() ({
      %run_scoped3A_191 = tpu.sem_alloc : memref<!tpu.dma_semaphore, #tpu.memory_space<semaphore_mem>>
      %dma_start3A_192 = arith.constant 0 : i32
      %dma_start3A_193 = tpu.memref_slice %arg9[%run_scoped3A, %dma_start3A_192] : memref<2x16xi32, #tpu.memory_space<vmem>> -> memref<1x16xi32, #tpu.memory_space<vmem>>
      %dma_start3A_194 = tpu.memref_squeeze %dma_start3A_193 : memref<1x16xi32, #tpu.memory_space<vmem>> -> memref<16xi32, #tpu.memory_space<vmem>>
      %dma_start3A_195 = arith.constant 0 : i32
      %dma_start3A_196 = arith.constant 0 : i32
      %dma_start3A_197 = tpu.memref_slice %arg15[%dma_start3A_195, %dma_start3A_196] : memref<10240x64xf32, #tpu.memory_space<vmem_shared>> -> memref<10240x64xf32, #tpu.memory_space<vmem_shared>>
      tpu.enqueue_indirect_dma source(%arg14 : memref<16x64xf32, #tpu.memory_space<vmem>>) target(%dma_start3A_197 : memref<10240x64xf32, #tpu.memory_space<vmem_shared>>) offsets(%dma_start3A_194 : memref<16xi32, #tpu.memory_space<vmem>>) semaphore(%run_scoped3A_191 : memref<!tpu.dma_semaphore, #tpu.memory_space<semaphore_mem>>) {add = true}
      %dma_wait3A_198 = arith.constant 0 : i32
      %dma_wait3A_199 = tpu.memref_slice %arg9[%run_scoped3A, %dma_wait3A_198] : memref<2x16xi32, #tpu.memory_space<vmem>> -> memref<1x16xi32, #tpu.memory_space<vmem>>
      %dma_wait3A_200 = tpu.memref_squeeze %dma_wait3A_199 : memref<1x16xi32, #tpu.memory_space<vmem>> -> memref<16xi32, #tpu.memory_space<vmem>>
      %dma_wait3A_201 = arith.constant 0 : i32
      %dma_wait3A_202 = arith.constant 0 : i32
      %dma_wait3A_203 = tpu.memref_slice %arg15[%dma_wait3A_201, %dma_wait3A_202] : memref<10240x64xf32, #tpu.memory_space<vmem_shared>> -> memref<10240x64xf32, #tpu.memory_space<vmem_shared>>
      tpu.wait_indirect_dma semaphore(%run_scoped3A_191 : memref<!tpu.dma_semaphore, #tpu.memory_space<semaphore_mem>>) src(%arg14 : memref<16x64xf32, #tpu.memory_space<vmem>>) dst(%dma_wait3A_203 : memref<10240x64xf32, #tpu.memory_space<vmem_shared>>)
      tpu.yield
    }) : () -> ()
    %barrier3A_186 = arith.constant 0 : index
    tpu.barrier barrier_id(%barrier3A_186)
    %mul3A_187 = arith.constant 640 : i32
    %mul3A_188 = arith.muli %arg1, %mul3A_187 : i32
    %mul3A_189 = arith.constant 640 : i32
    %mul3A_190 = arith.muli %arg1, %mul3A_189 : i32
    "tpu.region"() ({
      %run_scoped3A_191 = tpu.sem_alloc : memref<!tpu.dma_semaphore, #tpu.memory_space<semaphore_mem>>
      %dma_start3A_192 = arith.constant 0 : i32
      %dma_start3A_193 = tpu.memref_slice %arg4[%arg0, %mul3A_190, %dma_start3A_192] : memref<2x10240x64xf32, #tpu.memory_space<hbm>> -> memref<1x640x64xf32, #tpu.memory_space<hbm>>
      %dma_start3A_194 = tpu.memref_squeeze %dma_start3A_193 : memref<1x640x64xf32, #tpu.memory_space<hbm>> -> memref<640x64xf32, #tpu.memory_space<hbm>>
      %dma_start3A_195 = arith.constant 0 : i32
      %dma_start3A_196 = tpu.memref_slice %arg15[%mul3A_188, %dma_start3A_195] : memref<10240x64xf32, #tpu.memory_space<vmem_shared>> -> memref<640x64xf32, #tpu.memory_space<vmem_shared>>
      tpu.enqueue_dma source(%dma_start3A_196 : memref<640x64xf32, #tpu.memory_space<vmem_shared>>) target(%dma_start3A_194 : memref<640x64xf32, #tpu.memory_space<hbm>>) target_semaphore(%run_scoped3A_191 : memref<!tpu.dma_semaphore, #tpu.memory_space<semaphore_mem>>)
      %dma_wait3A_197 = arith.constant 0 : i32
      %dma_wait3A_198 = tpu.memref_slice %arg4[%arg0, %mul3A_190, %dma_wait3A_197] : memref<2x10240x64xf32, #tpu.memory_space<hbm>> -> memref<1x640x64xf32, #tpu.memory_space<hbm>>
      %dma_wait3A_199 = tpu.memref_squeeze %dma_wait3A_198 : memref<1x640x64xf32, #tpu.memory_space<hbm>> -> memref<640x64xf32, #tpu.memory_space<hbm>>
      %dma_wait3A_200 = arith.constant 0 : i32
      %dma_wait3A_201 = tpu.memref_slice %arg15[%mul3A_188, %dma_wait3A_200] : memref<10240x64xf32, #tpu.memory_space<vmem_shared>> -> memref<640x64xf32, #tpu.memory_space<vmem_shared>>
      tpu.wait_dma2 semaphore(%run_scoped3A_191 : memref<!tpu.dma_semaphore, #tpu.memory_space<semaphore_mem>>) src(%dma_wait3A_201 : memref<640x64xf32, #tpu.memory_space<vmem_shared>>) dst(%dma_wait3A_199 : memref<640x64xf32, #tpu.memory_space<hbm>>)
      tpu.yield
    }) : () -> ()
    return
  }
}

module attributes {stable_mosaic.version = 14 : i64} {
  func.func @body(%arg0: i32, %arg1: memref<2000x128xf32, #tpu.memory_space<vmem>>, %arg2: memref<128x64xf32, #tpu.memory_space<vmem>>, %arg3: memref<2000x2xf32, #tpu.memory_space<vmem>>, %arg4: memref<2000x64xf32, #tpu.memory_space<vmem>>) attributes {dimension_semantics = [#tpu.dimension_semantics<arbitrary>], iteration_bounds = array<i64: 5>, scalar_prefetch = 0 : i64, scratch_operands = 0 : i64, tpu.core_type = #tpu.core_type<tc>, window_params = [{transform_indices = @transform_0, window_bounds = array<i64: 2000, 128>}, {pipeline_mode = #tpu.pipeline_mode<synchronous>, transform_indices = @transform_1, window_bounds = array<i64: 128, 64>}, {transform_indices = @transform_2, window_bounds = array<i64: 2000, 2>}, {transform_indices = @transform_3, window_bounds = array<i64: 2000, 64>}]} {
    %get3A = arith.constant 0 : index
    %get3A_0 = arith.constant 0 : index
    %get3A_1 = vector.load %arg1[%get3A, %get3A_0] : memref<2000x128xf32, #tpu.memory_space<vmem>>, vector<2000x128xf32>
    %get3A_2 = arith.constant 0 : index
    %get3A_3 = arith.constant 0 : index
    %get3A_4 = vector.load %arg2[%get3A_2, %get3A_3] : memref<128x64xf32, #tpu.memory_space<vmem>>, vector<128x64xf32>
    %dot_general3A = arith.constant dense<0.000000e+00> : vector<2000x64xf32>
    %dot_general3A_5 = tpu.matmul %get3A_1, %get3A_4, %dot_general3A {dimension_numbers = #tpu.dot_dimension_numbers<[1], [0], [0], [1], [0, 0, 1, 1], [], []>, transpose_lhs_hint = false} : vector<2000x128xf32>, vector<128x64xf32>, vector<2000x64xf32> -> vector<2000x64xf32>
    %get3A_6 = arith.constant 0 : index
    %get3A_7 = arith.constant 0 : index
    %get3A_8 = vector.load %arg3[%get3A_6, %get3A_7] : memref<2000x2xf32, #tpu.memory_space<vmem>>, vector<2000x1xf32>
    %get3A_9 = arith.constant 0 : index
    %get3A_10 = arith.constant 1 : index
    %get3A_11 = vector.load %arg3[%get3A_9, %get3A_10] : memref<2000x2xf32, #tpu.memory_space<vmem>>, vector<2000x1xf32>
    %add3A = arith.addf %get3A_8, %get3A_11 : vector<2000x1xf32>
    %add3A_12 = arith.constant 1.000000e+00 : f32
    %add3A_13 = vector.broadcast %add3A_12 : f32 to vector<2000x1xf32>
    %add3A_14 = arith.addf %add3A, %add3A_13 : vector<2000x1xf32>
    %rsqrt3A = math.rsqrt %add3A_14 : vector<2000x1xf32>
    %mul3A = vector.broadcast %rsqrt3A : vector<2000x1xf32> to vector<2000x64xf32>
    %mul3A_15 = arith.mulf %dot_general3A_5, %mul3A : vector<2000x64xf32>
    %swap3A = arith.constant 0 : index
    %swap3A_16 = arith.constant 0 : index
    %swap3A_17 = vector.load %arg4[%swap3A, %swap3A_16] : memref<2000x64xf32, #tpu.memory_space<vmem>>, vector<2000x64xf32>
    tpu.vector_store %arg4[%swap3A, %swap3A_16], %mul3A_15 {strides = array<i32>} : memref<2000x64xf32, #tpu.memory_space<vmem>>, vector<2000x64xf32>,
    return
  }
  func.func @transform_0(%arg0: i32) -> (i32, i32) {
    %c0_i32 = arith.constant 0 : i32
    %c0_i32_0 = arith.constant 0 : i32
    return %arg0, %c0_i32 : i32, i32
  }
  func.func @transform_1(%arg0: i32) -> (i32, i32) {
    %c0_i32 = arith.constant 0 : i32
    %c0_i32_0 = arith.constant 0 : i32
    %c0_i32_1 = arith.constant 0 : i32
    return %c0_i32, %c0_i32_0 : i32, i32
  }
  func.func @transform_2(%arg0: i32) -> (i32, i32) {
    %c0_i32 = arith.constant 0 : i32
    %c0_i32_0 = arith.constant 0 : i32
    return %arg0, %c0_i32 : i32, i32
  }
  func.func @transform_3(%arg0: i32) -> (i32, i32) {
    %c0_i32 = arith.constant 0 : i32
    %c0_i32_0 = arith.constant 0 : i32
    return %arg0, %c0_i32 : i32, i32
  }
}

module attributes {stable_mosaic.version = 14 : i64} {
  func.func @body(%arg0: i32, %arg1: memref<2x2000x64xf32, #tpu.memory_space<vmem>>, %arg2: memref<2000x64xf32, #tpu.memory_space<vmem>>, %arg3: memref<2000x2xf32, #tpu.memory_space<vmem>>, %arg4: memref<1x64xf32, #tpu.memory_space<vmem>>, %arg5: memref<64x16xf32, #tpu.memory_space<vmem>>, %arg6: memref<2000x16xf32, #tpu.memory_space<vmem>>) attributes {dimension_semantics = [#tpu.dimension_semantics<arbitrary>], iteration_bounds = array<i64: 5>, scalar_prefetch = 0 : i64, scratch_operands = 0 : i64, tpu.core_type = #tpu.core_type<tc>, window_params = [{transform_indices = @transform_0, window_bounds = array<i64: 2, 2000, 64>}, {transform_indices = @transform_1, window_bounds = array<i64: 2000, 64>}, {transform_indices = @transform_2, window_bounds = array<i64: 2000, 2>}, {pipeline_mode = #tpu.pipeline_mode<synchronous>, transform_indices = @transform_3, window_bounds = array<i64: 1, 64>}, {pipeline_mode = #tpu.pipeline_mode<synchronous>, transform_indices = @transform_4, window_bounds = array<i64: 64, 16>}, {transform_indices = @transform_5, window_bounds = array<i64: 2000, 16>}]} {
    %get3A = arith.constant 0 : index
    %get3A_0 = arith.constant 0 : index
    %get3A_1 = vector.load %arg3[%get3A, %get3A_0] : memref<2000x2xf32, #tpu.memory_space<vmem>>, vector<2000x1xf32>
    %get3A_2 = arith.constant 0 : index
    %get3A_3 = arith.constant 1 : index
    %get3A_4 = vector.load %arg3[%get3A_2, %get3A_3] : memref<2000x2xf32, #tpu.memory_space<vmem>>, vector<2000x1xf32>
    %add3A = arith.addf %get3A_1, %get3A_4 : vector<2000x1xf32>
    %add3A_5 = arith.constant 1.000000e+00 : f32
    %add3A_6 = vector.broadcast %add3A_5 : f32 to vector<2000x1xf32>
    %add3A_7 = arith.addf %add3A, %add3A_6 : vector<2000x1xf32>
    %rsqrt3A = math.rsqrt %add3A_7 : vector<2000x1xf32>
    %get3A_8 = arith.constant 0 : index
    %get3A_9 = arith.constant 0 : index
    %get3A_10 = arith.constant 0 : index
    %get3A_11 = vector.load %arg1[%get3A_8, %get3A_9, %get3A_10] : memref<2x2000x64xf32, #tpu.memory_space<vmem>>, vector<1x2000x64xf32>
    %get3A_12 = vector.shape_cast %get3A_11 : vector<1x2000x64xf32> to vector<2000x64xf32>
    %get3A_13 = arith.constant 1 : index
    %get3A_14 = arith.constant 0 : index
    %get3A_15 = arith.constant 0 : index
    %get3A_16 = vector.load %arg1[%get3A_13, %get3A_14, %get3A_15] : memref<2x2000x64xf32, #tpu.memory_space<vmem>>, vector<1x2000x64xf32>
    %get3A_17 = vector.shape_cast %get3A_16 : vector<1x2000x64xf32> to vector<2000x64xf32>
    %add3A_18 = arith.addf %get3A_12, %get3A_17 : vector<2000x64xf32>
    %get3A_19 = arith.constant 0 : index
    %get3A_20 = arith.constant 0 : index
    %get3A_21 = vector.load %arg2[%get3A_19, %get3A_20] : memref<2000x64xf32, #tpu.memory_space<vmem>>, vector<2000x64xf32>
    %add3A_22 = arith.addf %add3A_18, %get3A_21 : vector<2000x64xf32>
    %mul3A = vector.broadcast %rsqrt3A : vector<2000x1xf32> to vector<2000x64xf32>
    %mul3A_23 = arith.mulf %add3A_22, %mul3A : vector<2000x64xf32>
    %get3A_24 = arith.constant 0 : index
    %get3A_25 = arith.constant 0 : index
    %get3A_26 = vector.load %arg4[%get3A_24, %get3A_25] : memref<1x64xf32, #tpu.memory_space<vmem>>, vector<1x64xf32>
    %add3A_27 = vector.broadcast %get3A_26 : vector<1x64xf32> to vector<2000x64xf32>
    %add3A_28 = arith.addf %mul3A_23, %add3A_27 : vector<2000x64xf32>
    %max3A = arith.constant 0.000000e+00 : f32
    %max3A_29 = vector.broadcast %max3A : f32 to vector<2000x64xf32>
    %max3A_30 = arith.maximumf %add3A_28, %max3A_29 : vector<2000x64xf32>
    %get3A_31 = arith.constant 0 : index
    %get3A_32 = arith.constant 0 : index
    %get3A_33 = vector.load %arg5[%get3A_31, %get3A_32] : memref<64x16xf32, #tpu.memory_space<vmem>>, vector<64x16xf32>
    %dot_general3A = arith.constant dense<0.000000e+00> : vector<2000x16xf32>
    %dot_general3A_34 = tpu.matmul %max3A_30, %get3A_33, %dot_general3A {dimension_numbers = #tpu.dot_dimension_numbers<[1], [0], [0], [1], [0, 0, 1, 1], [], []>, transpose_lhs_hint = false} : vector<2000x64xf32>, vector<64x16xf32>, vector<2000x16xf32> -> vector<2000x16xf32>
    %mul3A_35 = vector.broadcast %rsqrt3A : vector<2000x1xf32> to vector<2000x16xf32>
    %mul3A_36 = arith.mulf %dot_general3A_34, %mul3A_35 : vector<2000x16xf32>
    %swap3A = arith.constant 0 : index
    %swap3A_37 = arith.constant 0 : index
    %swap3A_38 = vector.load %arg6[%swap3A, %swap3A_37] : memref<2000x16xf32, #tpu.memory_space<vmem>>, vector<2000x16xf32>
    tpu.vector_store %arg6[%swap3A, %swap3A_37], %mul3A_36 {strides = array<i32>} : memref<2000x16xf32, #tpu.memory_space<vmem>>, vector<2000x16xf32>,
    return
  }
  func.func @transform_0(%arg0: i32) -> (i32, i32, i32) {
    %c0_i32 = arith.constant 0 : i32
    %c0_i32_0 = arith.constant 0 : i32
    %c0_i32_1 = arith.constant 0 : i32
    return %c0_i32, %arg0, %c0_i32_0 : i32, i32, i32
  }
  func.func @transform_1(%arg0: i32) -> (i32, i32) {
    %c0_i32 = arith.constant 0 : i32
    %c0_i32_0 = arith.constant 0 : i32
    return %arg0, %c0_i32 : i32, i32
  }
  func.func @transform_2(%arg0: i32) -> (i32, i32) {
    %c0_i32 = arith.constant 0 : i32
    %c0_i32_0 = arith.constant 0 : i32
    return %arg0, %c0_i32 : i32, i32
  }
  func.func @transform_3(%arg0: i32) -> (i32, i32) {
    %c0_i32 = arith.constant 0 : i32
    %c0_i32_0 = arith.constant 0 : i32
    %c0_i32_1 = arith.constant 0 : i32
    return %c0_i32, %c0_i32_0 : i32, i32
  }
  func.func @transform_4(%arg0: i32) -> (i32, i32) {
    %c0_i32 = arith.constant 0 : i32
    %c0_i32_0 = arith.constant 0 : i32
    %c0_i32_1 = arith.constant 0 : i32
    return %c0_i32, %c0_i32_0 : i32, i32
  }
  func.func @transform_5(%arg0: i32) -> (i32, i32) {
    %c0_i32 = arith.constant 0 : i32
    %c0_i32_0 = arith.constant 0 : i32
    return %arg0, %c0_i32 : i32, i32
  }
}

module attributes {stable_mosaic.version = 14 : i64} {
  func.func @body(%arg0: i32, %arg1: memref<2x2000x16xf32, #tpu.memory_space<vmem>>, %arg2: memref<2000x16xf32, #tpu.memory_space<vmem>>, %arg3: memref<2000x2xf32, #tpu.memory_space<vmem>>, %arg4: memref<1x16xf32, #tpu.memory_space<vmem>>, %arg5: memref<2000x16xf32, #tpu.memory_space<vmem>>) attributes {dimension_semantics = [#tpu.dimension_semantics<arbitrary>], iteration_bounds = array<i64: 5>, scalar_prefetch = 0 : i64, scratch_operands = 0 : i64, tpu.core_type = #tpu.core_type<tc>, window_params = [{transform_indices = @transform_0, window_bounds = array<i64: 2, 2000, 16>}, {transform_indices = @transform_1, window_bounds = array<i64: 2000, 16>}, {transform_indices = @transform_2, window_bounds = array<i64: 2000, 2>}, {pipeline_mode = #tpu.pipeline_mode<synchronous>, transform_indices = @transform_3, window_bounds = array<i64: 1, 16>}, {transform_indices = @transform_4, window_bounds = array<i64: 2000, 16>}]} {
    %get3A = arith.constant 0 : index
    %get3A_0 = arith.constant 0 : index
    %get3A_1 = arith.constant 0 : index
    %get3A_2 = vector.load %arg1[%get3A, %get3A_0, %get3A_1] : memref<2x2000x16xf32, #tpu.memory_space<vmem>>, vector<1x2000x16xf32>
    %get3A_3 = vector.shape_cast %get3A_2 : vector<1x2000x16xf32> to vector<2000x16xf32>
    %get3A_4 = arith.constant 1 : index
    %get3A_5 = arith.constant 0 : index
    %get3A_6 = arith.constant 0 : index
    %get3A_7 = vector.load %arg1[%get3A_4, %get3A_5, %get3A_6] : memref<2x2000x16xf32, #tpu.memory_space<vmem>>, vector<1x2000x16xf32>
    %get3A_8 = vector.shape_cast %get3A_7 : vector<1x2000x16xf32> to vector<2000x16xf32>
    %add3A = arith.addf %get3A_3, %get3A_8 : vector<2000x16xf32>
    %get3A_9 = arith.constant 0 : index
    %get3A_10 = arith.constant 0 : index
    %get3A_11 = vector.load %arg2[%get3A_9, %get3A_10] : memref<2000x16xf32, #tpu.memory_space<vmem>>, vector<2000x16xf32>
    %add3A_12 = arith.addf %add3A, %get3A_11 : vector<2000x16xf32>
    %get3A_13 = arith.constant 0 : index
    %get3A_14 = arith.constant 0 : index
    %get3A_15 = vector.load %arg3[%get3A_13, %get3A_14] : memref<2000x2xf32, #tpu.memory_space<vmem>>, vector<2000x1xf32>
    %get3A_16 = arith.constant 0 : index
    %get3A_17 = arith.constant 1 : index
    %get3A_18 = vector.load %arg3[%get3A_16, %get3A_17] : memref<2000x2xf32, #tpu.memory_space<vmem>>, vector<2000x1xf32>
    %add3A_19 = arith.addf %get3A_15, %get3A_18 : vector<2000x1xf32>
    %add3A_20 = arith.constant 1.000000e+00 : f32
    %add3A_21 = vector.broadcast %add3A_20 : f32 to vector<2000x1xf32>
    %add3A_22 = arith.addf %add3A_19, %add3A_21 : vector<2000x1xf32>
    %rsqrt3A = math.rsqrt %add3A_22 : vector<2000x1xf32>
    %mul3A = vector.broadcast %rsqrt3A : vector<2000x1xf32> to vector<2000x16xf32>
    %mul3A_23 = arith.mulf %add3A_12, %mul3A : vector<2000x16xf32>
    %get3A_24 = arith.constant 0 : index
    %get3A_25 = arith.constant 0 : index
    %get3A_26 = vector.load %arg4[%get3A_24, %get3A_25] : memref<1x16xf32, #tpu.memory_space<vmem>>, vector<1x16xf32>
    %add3A_27 = vector.broadcast %get3A_26 : vector<1x16xf32> to vector<2000x16xf32>
    %add3A_28 = arith.addf %mul3A_23, %add3A_27 : vector<2000x16xf32>
    %swap3A = arith.constant 0 : index
    %swap3A_29 = arith.constant 0 : index
    %swap3A_30 = vector.load %arg5[%swap3A, %swap3A_29] : memref<2000x16xf32, #tpu.memory_space<vmem>>, vector<2000x16xf32>
    tpu.vector_store %arg5[%swap3A, %swap3A_29], %add3A_28 {strides = array<i32>} : memref<2000x16xf32, #tpu.memory_space<vmem>>, vector<2000x16xf32>,
    return
  }
  func.func @transform_0(%arg0: i32) -> (i32, i32, i32) {
    %c0_i32 = arith.constant 0 : i32
    %c0_i32_0 = arith.constant 0 : i32
    %c0_i32_1 = arith.constant 0 : i32
    return %c0_i32, %arg0, %c0_i32_0 : i32, i32, i32
  }
  func.func @transform_1(%arg0: i32) -> (i32, i32) {
    %c0_i32 = arith.constant 0 : i32
    %c0_i32_0 = arith.constant 0 : i32
    return %arg0, %c0_i32 : i32, i32
  }
  func.func @transform_2(%arg0: i32) -> (i32, i32) {
    %c0_i32 = arith.constant 0 : i32
    %c0_i32_0 = arith.constant 0 : i32
    return %arg0, %c0_i32 : i32, i32
  }
  func.func @transform_3(%arg0: i32) -> (i32, i32) {
    %c0_i32 = arith.constant 0 : i32
    %c0_i32_0 = arith.constant 0 : i32
    %c0_i32_1 = arith.constant 0 : i32
    return %c0_i32, %c0_i32_0 : i32, i32
  }
  func.func @transform_4(%arg0: i32) -> (i32, i32) {
    %c0_i32 = arith.constant 0 : i32
    %c0_i32_0 = arith.constant 0 : i32
    return %arg0, %c0_i32 : i32, i32
  }
}

</mosaic_0001>

<sc_bundles>
// kernel: kernel.11.cloned.1.call-start
scs
__scs_entry_jumppad:
0x0: {  	(pc) =	sbr.rel $0x88, $3  }
0x1: {  	(tag) =	ssettag $0x0;
	lr =	simm.s32 $0x1  }
0x2: {  	[smem:$0x3F9B] =	sst lr;
	_ =	strace $0xD0000000  }
0x3: {  	_ = 	snop  }
0x4: {  	_ = 	snop  }
0x5: {  	_ = 	snop  }
0x6: {  	_ = 	snop  }
0x7: {  	_ = 	snop  }
__scs_overlays_trampoline_lowered:
0x8: {  	[smem:$0x3FAA] =	sst s0  }
0x9: {  	[smem:$0x3FAB] =	sst s1  }
0xa: {  	[smem:$0x3FAC] =	sst s2  }
0xb: {  	[smem:$0x3FAD] =	sst s3  }
0xc: {  	[smem:$0x3FAE] =	sst s4  }
0xd: {  	[smem:$0x3FAF] =	sst s5  }
0xe: {  	[smem:$0x3FB0] =	sst s6  }
0xf: {  	[smem:$0x3FB1] =	sst s7  }
0x10: {  	[smem:$0x3FB2] =	sst s8  }
0x11: {  	[smem:$0x3FB3] =	sst s9;
	s0 =	simm.s32 @!p0 $0x0  }
0x12: {  	s1 =	sld [smem:$0x3F99];
	s0 =	simm.s32 @p0 $0x1  }
0x13: {  	[smem:$0x3FB4] =	sst s0;
	s0 =	simm.s32 @!p1 $0x0  }
0x14: {  	s2 =	sld [smem:$0x3F98];
	s0 =	simm.s32 @p1 $0x1  }
0x15: {  	[smem:$0x3FB5] =	sst s0;
	s0 =	simm.s32 @!p2 $0x0  }
0x16: {  	s3 =	sld [smem:$0x3FDB];
	s0 =	simm.s32 @p2 $0x1  }
0x17: {  	s4 =	simm.s32 $0x1BF5;
	[smem:$0x3FB7] =	sst s0  }
0x18: {  	s0 =	sld [smem:$0x3F9A];
	_ =	swait.ge [sflag:s4], $0x0  }
0x19: {  	s7 =	sld [smem:$0x3F9B]  }
0x1a: {  	s8 =	sadd.s32 $0xFFFFE003, lr  }
0x1b: {  	s9 =	sadd.s32 $0xFFFFFEF7, lr;
	s5 =	simm.s32 $0xFFFFFFFF;
	p2 =	slt.u32 s8, $0xFFFFF086  }
0x1c: {  	p1 =	slt.u32 s9, $0xF7A;
	s5 =	simm.s32 @!p2 $0x0  }
0x1d: {  	s5 =	simm.s32 @p1 $0x1;
	p0 =	seq.s32 s7, s2  }
0x1e: {  	s7 =	smul.u32 @!p0 $0xF7A, s2;
	p2 =	seq.s32 @!p0 s5, $0x0  }
0x1f: {  	s9 =	smul.u32 $0xF7A, s1;
	s8 =	simm.s32 @!p0 $0x1BF5;
	p2 =	por !p2, p0  }
0x20: {  	[sflag:s8] =	ssyncset.s32 @!p0 $0xFFFFF086;
	s6 =	sadd.s32 @!p0 s3, s7;
	s7 =	simm.s32 @!p0 $0x108  }
0x21: {  	s3 =	sadd.s32 s3, s9;
	s6 =	sadd.s32 @!p0 $0x88, s6;
	s7 =	simm.s32 @p2 $0x1082  }
0x22: {  	[simem:s7], [sflag:s8] =	dma.local @!p0 [hbm:s6], $0xF7A  }
0x23: {  	s9 =	sor.u32 $0xD0000000, s2;
	s6 =	simm.s32 $0x108;
	_ =	swait.ge @!p0 [sflag:s8], $0x0  }
0x24: {  	s3 =	sadd.s32 $0x88, s3;
	s6 =	simm.s32 @!p1 $0x1082;
	[sflag:s4] =	ssyncset.s32 $0xFFFFF086  }
0x25: {  	[simem:s6], [sflag:s4] =	dma.local [hbm:s3], $0xF7A  }
0x26: {  	[smem:$0x3F9B] =	sst s1;
	(tag) =	ssettag s2;
	_ =	strace s9  }
0x27: {  	s1 =	sld [smem:$0x3FAB]  }
0x28: {  	s2 =	sld [smem:$0x3FAC]  }
0x29: {  	s4 =	sld [smem:$0x3FAE]  }
0x2a: {  	p0 =	seq.s32 s5, $0x0;
	s5 =	sld [smem:$0x3FAF]  }
0x2b: {  	s6 =	sld [smem:$0x3FB0]  }
0x2c: {  	s7 =	sld [smem:$0x3FB1]  }
0x2d: {  	s3 =	simm.s32 $0x108;
	s8 =	sld [smem:$0x3FB2]  }
0x2e: {  	s3 =	simm.s32 @!p0 $0x1082;
	s9 =	sld [smem:$0x3FB3]  }
0x2f: {  	lr =	sadd.s32 s0, s3;
	s0 =	sld [smem:$0x3FAA]  }
0x30: {  	s3 =	sld [smem:$0x3FAD]  }
0x31: {  	[smem:$0x3FB6] =	sst s10  }
0x32: {  	s10 =	sld [smem:$0x3FB4];
	_ =	sdelay $0x3  }
0x33: {  	p0 =	seq.s32 s10, $0x1;
	s10 =	sld [smem:$0x3FB6];
	_ =	sdelay $0x3  }
0x34: {  	[smem:$0x3FB6] =	sst s10  }
0x35: {  	s10 =	sld [smem:$0x3FB5];
	_ =	sdelay $0x3  }
0x36: {  	p1 =	seq.s32 s10, $0x1;
	s10 =	sld [smem:$0x3FB6];
	_ =	sdelay $0x3  }
0x37: {  	[smem:$0x3FB6] =	sst s10  }
0x38: {  	s10 =	sld [smem:$0x3FB7]  }
0x39: {  	_ = 	snop;
	(pc) =	sbr.ind lr, $3  }
0x3a: {  	_ = 	snop  }
0x3b: {  	_ = 	snop  }
0x3c: {  	p2 =	seq.s32 s10, $0x1;
	s10 =	sld [smem:$0x3FB6]  }
0x3d: {  	_ =	shalt  }
0x3e: {  	_ =	shalt  }
0x3f: {  	_ =	shalt  }
0x40: {  	_ =	shalt  }
0x41: {  	_ =	shalt  }
0x42: {  	_ =	shalt  }
0x43: {  	_ =	shalt  }
0x44: {  	_ =	shalt  }
0x45: {  	_ =	shalt  }
0x46: {  	_ =	shalt  }
0x47: {  	_ =	shalt  }
0x48: {  	_ =	shalt  }
0x49: {  	_ =	shalt  }
0x4a: {  	_ =	shalt  }
0x4b: {  	_ =	shalt  }
0x4c: {  	_ =	shalt  }
0x4d: {  	_ =	shalt  }
0x4e: {  	_ =	shalt  }
0x4f: {  	_ =	shalt  }
0x50: {  	_ =	shalt  }
0x51: {  	_ =	shalt  }
0x52: {  	_ =	shalt  }
0x53: {  	_ =	shalt  }
0x54: {  	_ =	shalt  }
0x55: {  	_ =	shalt  }
0x56: {  	_ =	shalt  }
0x57: {  	_ =	shalt  }
0x58: {  	_ =	shalt  }
0x59: {  	_ =	shalt  }
0x5a: {  	_ =	shalt  }
0x5b: {  	_ =	shalt  }
0x5c: {  	_ =	shalt  }
0x5d: {  	_ =	shalt  }
0x5e: {  	_ =	shalt  }
0x5f: {  	_ =	shalt  }
0x60: {  	_ =	shalt  }
0x61: {  	_ =	shalt  }
0x62: {  	_ =	shalt  }
0x63: {  	_ =	shalt  }
0x64: {  	_ =	shalt  }
0x65: {  	_ =	shalt  }
0x66: {  	_ =	shalt  }
0x67: {  	_ =	shalt  }
0x68: {  	_ =	shalt  }
0x69: {  	_ =	shalt  }
0x6a: {  	_ =	shalt  }
0x6b: {  	_ =	shalt  }
0x6c: {  	_ =	shalt  }
0x6d: {  	_ =	shalt  }
0x6e: {  	_ =	shalt  }
0x6f: {  	_ =	shalt  }
0x70: {  	_ =	shalt  }
0x71: {  	_ =	shalt  }
0x72: {  	_ =	shalt  }
0x73: {  	_ =	shalt  }
0x74: {  	_ =	shalt  }
0x75: {  	_ =	shalt  }
0x76: {  	_ =	shalt  }
0x77: {  	_ =	shalt  }
0x78: {  	_ =	shalt  }
0x79: {  	_ =	shalt  }
0x7a: {  	_ =	shalt  }
0x7b: {  	_ =	shalt  }
0x7c: {  	_ =	shalt  }
0x7d: {  	_ =	shalt  }
0x7e: {  	_ =	shalt  }
0x7f: {  	_ =	shalt  }
0x80: {  	_ =	shalt  }
0x81: {  	_ =	shalt  }
0x82: {  	_ =	shalt  }
0x83: {  	_ =	shalt  }
0x84: {  	_ =	shalt  }
0x85: {  	_ =	shalt  }
0x86: {  	_ =	shalt  }
0x87: {  	_ =	shalt  }
.Lfunc_end0:
.L_simem_size_0:
called_computation.1_lowered:
.L_overlay_start_0:
0x88: {  	s2 =	sld [smem:$0x3FD9]  }
0x89: {  	s3 =	sld [smem:$0x3FFE];
	_ =	sdelay $0x1  }
0x8a: {  	s1 =	srdreg.scid  }
0x8b: {  	s0 =	sand.u32 $0x1, s1  }
0x8c: {  	s16 =	sshll.u32 s0, $0xA;
	s2 =	sadd.s32 s3, s2  }
0x8d: {  	s2 =	sadd.s32 s2, s16  }
0x8e: {  	[smem:$0x3FC2] =	sst s2  }
0x8f: {  	_ = 	snop  }
0x90: {  	(tm) =	ssettm $0x1  }
0x91: {  	s17 =	sld [smem:$0x3FFB];
	_ =	sdelay $0x3  }
0x92: {  	_ =	strace s17  }
0x93: {  	s2 =	sld [smem:$0x3FFC];
	_ =	sdelay $0x3  }
0x94: {  	_ =	strace s2  }
0x95: {  	s2 =	sld [smem:$0x3FFD];
	_ =	sdelay $0x3  }
0x96: {  	_ =	strace s2  }
0x97: {  	_ =	strace $0x8FFFFFFF  }
0x98: {  	s18 =	sld [smem:$0x3FDB];
	_ =	sdelay $0x1  }
0x99: {  	s19 =	simm.s32 $_scs_section_size  }
0x9a: {  	s4 =	simm.s32 $_size__tile_overlayer_lowered;
	s5 =	simm.s32 $_tile_overlayer_lowered  }
0x9b: {  	s22 =	simm.s32 $0x1BFF;
	s21 =	sshll.u32 s5, $0x1;
	s2 =	sadd.s32 s19, s18  }
0x9c: {  	s6 =	simm.s32 $0x0;
	s20 =	sshll.u32 s4, $0x1;
	s4 =	sadd.s32 s21, s2  }
0x9d: {  	[timem:s6], [sflag:s22] =	dma.local [hbm:s4], s20  }
0x9e: {  	_ =	swait.ge [sflag:s22], s20  }
0x9f: {  	s3 =	ssub.s32 $0x0, s20;
	[sflag:s22] =	ssyncset.done $0x0  }
0xa0: {  	[sflag:s22] =	ssyncadd.s32 s3;
	_ =	sdelay $0x1  }
0xa1: {  	s23 =	simm.s32 $0x1B8B  }
0xa2: {  	_ =	swait.ge [sflag:s23], $0x1  }
0xa3: {  	[sflag:s23] =	ssyncset.done $0x0  }
0xa4: {  	s25 =	simm.s32 $0x1B8E;
	s24 =	sld [smem:$0x3FFE];
	[sflag:s23] =	ssyncadd.s32 $0xFFFFFFFF  }
0xa5: {  	s26 =	simm.s32 $execute0_lowered;
	[smem:$0x3FD2] =	sst s25  }
0xa6: {  	s4 =	sshll.u32 s26, $0x1;
	_ =	strace $0x80000049;
	[dreg:$0x1] =	wrdreg $0xFFFFFFFF  }
0xa7: {  	s28 =	simm.s32 $_size_execute0_lowered;
	s2 =	sadd.s32 s2, s4;
	[dreg:$0x0] =	wrdreg $0x0  }
0xa8: {  	s4 =	sshll.u32 s28, $0x1;
	[dreg:$0x2] =	wrdreg s2  }
0xa9: {  	[dreg:$0x3] =	wrdreg s4  }
0xaa: {  	[dreg:$0x4] =	wrdreg $0xC0  }
0xab: {  	_ =	task [dreg:s6], $0x5FFFF  }
0xac: {  	[dreg:$0x1] =	wrdreg $0xFFFFFFFF  }
0xad: {  	[dreg:$0x0] =	wrdreg $0x60  }
0xae: {  	[dreg:$0x2] =	wrdreg s24  }
0xaf: {  	[dreg:$0x3] =	wrdreg $0x88200  }
0xb0: {  	[dreg:$0x4] =	wrdreg $0x9  }
0xb1: {  	_ =	task.clear_ibuf [dreg:s6], $0x5FFFF;
	_ =	strace $0x90000049  }
0xb2: {  	s29 =	simm.s32 $0x9;
	_ =	strace $0x8000004B  }
0xb3: {  	_ =	swait.ge [sflag:s29], $0x1  }
0xb4: {  	[sflag:s29] =	ssyncadd.s32 $0xFFFFFFFF  }
0xb5: {  	_ =	strace $0x9000004B  }
0xb6: {  	_ =	sfence  }
0xb7: {  	s30 =	sld [smem:$0x0];
	_ =	sdelay $0x2  }
0xb8: {  	s31 =	sshll.u32 s1, $0xD;
	s1 =	sshrl.u32 s1, $0x2  }
0xb9: {  	s3 =	sand.u32 $0x4000, s31;
	s1 =	sadd.s32 s1, s30  }
0xba: {  	s0 =	sor.u32 s3, s0;
	s1 =	sshll.u32 s1, $0x11  }
0xbb: {  	s0 =	sor.u32 s1, s0  }
0xbc: {  	s0 =	sadd.s32 $0x8F2B, s0  }
0xbd: {  	[sflag:s0] =	ssyncadd.remote.s32 $0x1  }
0xbe: {  	_ =	sfence.sel $0xFFFF  }
0xbf: {  	[dreg:$0x0] =	wrdreg $0xFFFFFFFF;
	(pc) =	sbr.abs _section_cstart, $3  }
0xc0: {  	[dreg:$0x1] =	wrdreg $0xFFFFFFFF  }
0xc1: {  	_ =	task.clear_ibuf [dreg:s6], $0x2FFFF;
	_ =	strace $0x9FFFFFFF  }
0xc2: {  	(tm) =	ssettm $0x7FFFFFFF  }
0xc3: {  	_ =	shalt  }
tec
execute0_lowered:
.L_overlay_start_1:
0x0: {  	(tag) =	ssettag $0x1  }
0x1: {  	s0 =	rddreg [dreg:$0x0];
	s1 =	srdreg.scid  }
0x2: {  	s11 =	stileid.u32;
	s2 =	rddreg [dreg:$0x1];
	s3 =	simm.s32 $0x0  }
0x3: {  	s28 =	simm.s32 $0x5;
	s29 =	simm.s32 $0x200;
	s6 =	smul.u32 $0xA000, s11  }
0x4: {  	s30 =	simm.s32 $0x3;
	s31 =	simm.s32 $0x6420;
	s8 =	smul.u32 $0x28000, s11  }
0x5: {  	s1 =	sand.u32 $0x1, s1;
	[smem:$0x7FF] =	sst s3;
	s12 =	smul.u32 $0x2710, s11  }
0x6: {  	s4 =	smul.u32 $0xA0000, s1;
	_ =	strace $0x8000004A;
	s21 =	sshll.u32 s1, $0x4  }
0x7: {  	s9 =	ssub.s32 $0x2, s1;
	s1 =	smul.u32 $0x27100, s1;
	s8 =	sshrl.u32 s8, $0x2  }
0x8: {  	s10 =	sshrl.u32 s9, $0x1;
	s19 =	sadd.s32 s6, s2;
	s5 =	sadd.s32 s6, s4  }
0x9: {  	s4 =	sadd.s32 $0x1F200, s0;
	s8 =	sadd.s32 s8, s2;
	s9 =	ssub.s32 s9, s10  }
0xa: {  	s1 =	sadd.s32 s12, s1;
	s12 =	simm.s32 $0x9;
	s6 =	simm.s32 $0x0  }
0xb: {  	[dreg:$0x7] =	wrdreg s19;
	s7 =	sshrl.u32 s5, $0x3;
	s22 =	sadd.s32 $0x2000, s8  }
0xc: {  	s5 =	sadd.s32 $0xB800, s0;
	s23 =	sadd.s32 $0x4000, s8;
	[dreg:$0x8] =	wrdreg s22  }
0xd: {  	s25 =	sadd.s32 $0x6000, s8;
	s8 =	sadd.s32 $0x8000, s8;
	[dreg:$0x9] =	wrdreg s23  }
0xe: {  	s18 =	sadd.s32 $0x280, s1;
	s0 =	sadd.s32 s7, s0;
	[dreg:$0xa] =	wrdreg s25  }
0xf: {  	s7 =	sor.u32 s11, s21;
	[dreg:$0xc] =	wrdreg s8;
	s21 =	sshrl.u32 s18, $0x3  }
0x10: {  	s22 =	smax.u32 s9, $0x1;
	s25 =	simm.s32 $0x280;
	s9 =	simm.s32 $0x300  }
0x11: {  	s8 =	simm.s32 $0x4;
	s11 =	simm.s32 $0x7;
	[dreg:$0x12] =	wrdreg s22  }
0x12: {  	s7 =	smul.u32 $0x2710, s7;
	s0 =	sadd.s32 $0x33200, s0;
	[dreg:$0x5] =	wrdreg s25  }
0x13: {  	s23 =	sadd.s32 s21, s5;
	s21 =	simm.s32 $0xD;
	[dreg:$0x11] =	wrdreg s0  }
0x14: {  	s22 =	simm.s32 $0x80;
	[dreg:$0x13] =	wrdreg s23;
	s16 =	sadd.s32 $0x300, s7  }
0x15: {  	s24 =	sshrl.u32 s7, $0x3;
	s17 =	sadd.s32 $0x380, s7;
	[dreg:$0x3] =	wrdreg s16  }
0x16: {  	s25 =	simm.s32 $0x2;
	s26 =	sadd.s32 s5, s24;
	[dreg:$0x4] =	wrdreg s17  }
0x17: {  	s23 =	simm.s32 $0x4E200;
	s24 =	sadd.s32 $0x200, s1;
	[dreg:$0xb] =	wrdreg s26  }
0x18: {  	s7 =	simm.s32 $0x4420;
	s13 =	sadd.s32 $0x10, s26;
	[dreg:$0x14] =	wrdreg s24  }
0x19: {  	s1 =	simm.s32 $0x6;
	s14 =	sadd.s32 $0x20, s26;
	[dreg:$0xd] =	wrdreg s13  }
0x1a: {  	s16 =	simm.s32 $0xB;
	s15 =	sadd.s32 $0x30, s26;
	[dreg:$0xe] =	wrdreg s14  }
0x1b: {  	s17 =	simm.s32 $0xC;
	s20 =	sadd.s32 $0x4E0, s26;
	[dreg:$0xf] =	wrdreg s15  }
0x1c: {  	s24 =	simm.s32 $0x100;
	s26 =	simm.s32 $0x380;
	[dreg:$0x10] =	wrdreg s20  }
0x1d: {  	s20 =	simm.s32 $0x420;
	[dreg:$0x6] =	wrdreg s26;
	s26 =	simm.s32 $0x2420  }
0x1e: {  	v0 =	vimm.f32 $0.0e+00;
	s13 =	simm.s32 $0x1;
	s14 =	simm.s32 $0x8;
	s15 =	simm.s32 $0xA  }
.LBB2_1:
0x1f: {  	[dreg:$0x15] =	wrdreg s6;
	s10 =	simm.s32 $0x100;
	s6 =	simm.s32 $0x0  }
.LBB2_2:
0x20: {  	p0 =	sne.s32 s10, $0x7F00;
	[tilespmem:s6+$0x450] =	vst v0;
	s18 =	smov.u32 s10;
	s10 =	sadd.s32 $0x100, s10  }
.Ltmp0:
0x21: {  	[tilespmem:s6+$0x440] =	vst v0;
	(pc) =	sbr.rel @p0 .LBB2_2-.Ltmp0, $3  }
0x22: {  	[tilespmem:s6+$0x420] =	vst v0  }
0x23: {  	[tilespmem:s6+$0x430] =	vst v0;
	_ =	sdelay $0x1  }
0x24: {  	s6 =	sshra.s32 s18, $0x2  }
0x25: {  	[tilespmem:s6+$0x450] =	vst v0  }
0x26: {  	[tilespmem:s6+$0x440] =	vst v0  }
0x27: {  	[tilespmem:s6+$0x420] =	vst v0  }
0x28: {  	[tilespmem:s6+$0x430] =	vst v0  }
0x29: {  	[spmem:s19] =	stream.linear.scatter [tilespmem:s20], [sflag:$0xD], $0x2000, $0x38;
	[tilespmem:$0x12820] =	vst v63  }
0x2a: {  	_ =	swait.ge [sflag:s21], $0x2000  }
0x2b: {  	[sflag:s21] =	ssyncset.done $0x0  }
0x2c: {  	s0 =	rddreg [dreg:$0x8];
	[sflag:s21] =	ssyncadd.s32 $0xFFFFE000  }
0x2d: {  	[spmem:s0] =	stream.linear.scatter [tilespmem:s20], [sflag:$0xD], $0x2000, $0x38;
	[tilespmem:$0x12820] =	vst v63  }
0x2e: {  	_ =	swait.ge [sflag:s21], $0x2000  }
0x2f: {  	[sflag:s21] =	ssyncset.done $0x0  }
0x30: {  	s6 =	rddreg [dreg:$0x9];
	[sflag:s21] =	ssyncadd.s32 $0xFFFFE000  }
0x31: {  	[spmem:s6] =	stream.linear.scatter [tilespmem:s20], [sflag:$0xD], $0x2000, $0x38;
	[tilespmem:$0x12820] =	vst v63  }
0x32: {  	_ =	swait.ge [sflag:s21], $0x2000  }
0x33: {  	[sflag:s21] =	ssyncset.done $0x0  }
0x34: {  	s10 =	rddreg [dreg:$0xa];
	[sflag:s21] =	ssyncadd.s32 $0xFFFFE000  }
0x35: {  	[spmem:s10] =	stream.linear.scatter [tilespmem:s20], [sflag:$0xD], $0x2000, $0x38;
	[tilespmem:$0x12820] =	vst v63  }
0x36: {  	_ =	swait.ge [sflag:s21], $0x2000  }
0x37: {  	[sflag:s21] =	ssyncset.done $0x0  }
0x38: {  	s18 =	rddreg [dreg:$0xc];
	[sflag:s21] =	ssyncadd.s32 $0xFFFFE000  }
0x39: {  	[spmem:s18] =	stream.linear.scatter [tilespmem:s20], [sflag:$0xD], $0x2000, $0x38;
	[tilespmem:$0x12820] =	vst v63  }
0x3a: {  	_ =	swait.ge [sflag:s21], $0x2000  }
0x3b: {  	[sflag:s21] =	ssyncset.done $0x0  }
0x3c: {  	[sflag:s21] =	ssyncadd.s32 $0xFFFFE000  }
0x3d: {  	[bflag:$0x0] =	sbarrier.arrive $0xFFFF  }
0x3e: {  	s6 =	simm.s32 $0x0;
	s19 =	rddreg [dreg:$0xb]  }
0x3f: {  	[tilespmem:s6], [sflag:$0xD] =	stream.strided.gather [hbm4b:s19+s22], $0x100, s23, s22, $0x38;
	[tilespmem:$0x12820] =	vst v63  }
0x40: {  	_ =	swait.ge [sflag:s21], $0x100  }
0x41: {  	[sflag:s21] =	ssyncset.done $0x0  }
0x42: {  	[sflag:s21] =	ssyncadd.s32 $0xFFFFFF00  }
0x43: {  	[tilespmem:s20], [sflag:$0x5] =	stream.indirect.gather [hbm4b:s4+s22], $0x40, s6, s22, $0xb8;
	[tilespmem:$0x12820] =	vst v63  }
0x44: {  	s10 =	rddreg [dreg:$0xd]  }
0x45: {  	[tilespmem:s24], [sflag:$0x2] =	stream.strided.gather [hbm4b:s10+s22], $0x100, s23, s22, $0x38;
	[tilespmem:$0x12820] =	vst v63  }
0x46: {  	_ =	swait.ge [sflag:s25], $0x100  }
0x47: {  	[sflag:s25] =	ssyncset.done $0x0  }
0x48: {  	[sflag:s25] =	ssyncadd.s32 $0xFFFFFF00  }
0x49: {  	[tilespmem:s26], [sflag:$0x6] =	stream.indirect.gather [hbm4b:s4+s22], $0x40, s24, s22, $0xb8;
	[tilespmem:$0x12820] =	vst v63  }
0x4a: {  	_ =	swait.ge [sflag:s28], $0x2000  }
0x4b: {  	[sflag:s28] =	ssyncset.done $0x0  }
0x4c: {  	[sflag:s28] =	ssyncadd.s32 $0xFFFFE000  }
0x4d: {  	[spmem:s2] =	stream.indirect.scatter.add.f32 [tilespmem:s20], [sflag:$0x9], $0x40, s22, s22, $0xb8;
	[tilespmem:$0x12820] =	vst v63  }
0x4e: {  	s18 =	rddreg [dreg:$0xe]  }
0x4f: {  	[tilespmem:s29], [sflag:$0x3] =	stream.strided.gather [hbm4b:s18+s22], $0x100, s23, s22, $0x38;
	[tilespmem:$0x12820] =	vst v63  }
0x50: {  	_ =	swait.ge [sflag:s30], $0x100  }
0x51: {  	[sflag:s30] =	ssyncset.done $0x0  }
0x52: {  	[sflag:s30] =	ssyncadd.s32 $0xFFFFFF00  }
0x53: {  	[tilespmem:s7], [sflag:$0x7] =	stream.indirect.gather [hbm4b:s4+s22], $0x40, s29, s22, $0xb8;
	[tilespmem:$0x12820] =	vst v63  }
0x54: {  	_ =	swait.ge [sflag:s1], $0x2000  }
0x55: {  	[sflag:s1] =	ssyncset.done $0x0  }
0x56: {  	s21 =	simm.s32 $0x180;
	[sflag:s1] =	ssyncadd.s32 $0xFFFFE000  }
0x57: {  	[spmem:s2] =	stream.indirect.scatter.add.f32 [tilespmem:s26], [sflag:$0xA], $0x40, s21, s22, $0xb8;
	[tilespmem:$0x12820] =	vst v63  }
0x58: {  	s19 =	rddreg [dreg:$0xf]  }
0x59: {  	[tilespmem:s9], [sflag:$0x4] =	stream.strided.gather [hbm4b:s19+s22], $0x100, s23, s22, $0x38;
	[tilespmem:$0x12820] =	vst v63  }
0x5a: {  	_ =	swait.ge [sflag:s8], $0x100  }
0x5b: {  	[sflag:s8] =	ssyncset.done $0x0  }
0x5c: {  	[sflag:s8] =	ssyncadd.s32 $0xFFFFFF00  }
0x5d: {  	[tilespmem:s31], [sflag:$0x8] =	stream.indirect.gather [hbm4b:s4+s22], $0x40, s9, s22, $0xb8;
	[tilespmem:$0x12820] =	vst v63  }
0x5e: {  	_ =	swait.ge [sflag:s11], $0x2000  }
0x5f: {  	[sflag:s11] =	ssyncset.done $0x0  }
0x60: {  	s10 =	rddreg [dreg:$0x5];
	[sflag:s11] =	ssyncadd.s32 $0xFFFFE000  }
0x61: {  	[spmem:s2] =	stream.indirect.scatter.add.f32 [tilespmem:s7], [sflag:$0xB], $0x40, s10, s22, $0xb8;
	[tilespmem:$0x12820] =	vst v63  }
0x62: {  	_ =	swait.ge [sflag:s12], $0x2000  }
0x63: {  	s19 =	rddreg [dreg:$0x14]  }
0x64: {  	[sflag:s12] =	ssyncset.done $0x0;
	s9 =	sshrl.u32 s19, $0x3  }
0x65: {  	[sflag:s12] =	ssyncadd.s32 $0xFFFFE000;
	s10 =	sadd.s32 s5, s9  }
0x66: {  	[tilespmem:s3], [sflag:$0x1] =	stream.strided.gather [hbm4b:s10+s22], $0x100, s23, s22, $0x38;
	[tilespmem:$0x12820] =	vst v63  }
0x67: {  	_ =	swait.ge [sflag:s13], $0x100  }
0x68: {  	[sflag:s13] =	ssyncset.done $0x0  }
0x69: {  	[sflag:s13] =	ssyncadd.s32 $0xFFFFFF00  }
0x6a: {  	[tilespmem:s20], [sflag:$0x5] =	stream.indirect.gather [hbm4b:s4+s22], $0x40, s3, s22, $0xb8;
	[tilespmem:$0x12820] =	vst v63  }
0x6b: {  	_ =	swait.ge [sflag:s14], $0x2000  }
0x6c: {  	[sflag:s14] =	ssyncset.done $0x0  }
0x6d: {  	s18 =	rddreg [dreg:$0x6];
	[sflag:s14] =	ssyncadd.s32 $0xFFFFE000  }
0x6e: {  	[spmem:s2] =	stream.indirect.scatter.add.f32 [tilespmem:s31], [sflag:$0xC], $0x40, s18, s22, $0xb8;
	[tilespmem:$0x12820] =	vst v63  }
0x6f: {  	_ =	swait.ge [sflag:s15], $0x2000  }
0x70: {  	[sflag:s15] =	ssyncset.done $0x0  }
0x71: {  	s0 =	rddreg [dreg:$0x13];
	[sflag:s15] =	ssyncadd.s32 $0xFFFFE000  }
0x72: {  	[tilespmem:s24], [sflag:$0x2] =	stream.strided.gather [hbm4b:s0+s22], $0x100, s23, s22, $0x38;
	[tilespmem:$0x12820] =	vst v63  }
0x73: {  	_ =	swait.ge [sflag:s25], $0x100  }
0x74: {  	[sflag:s25] =	ssyncset.done $0x0  }
0x75: {  	[sflag:s25] =	ssyncadd.s32 $0xFFFFFF00  }
0x76: {  	[tilespmem:s26], [sflag:$0x6] =	stream.indirect.gather [hbm4b:s4+s22], $0x40, s24, s22, $0xb8;
	[tilespmem:$0x12820] =	vst v63  }
0x77: {  	_ =	swait.ge [sflag:s28], $0x2000  }
0x78: {  	[sflag:s28] =	ssyncset.done $0x0  }
0x79: {  	[sflag:s28] =	ssyncadd.s32 $0xFFFFE000  }
0x7a: {  	[spmem:s2] =	stream.indirect.scatter.add.f32 [tilespmem:s20], [sflag:$0x9], $0x40, s22, s22, $0xb8;
	[tilespmem:$0x12820] =	vst v63  }
0x7b: {  	s18 =	smin.u32 s6, $0x47;
	_ =	swait.ge [sflag:s16], $0x2000  }
0x7c: {  	s18 =	sshll.u32 s18, $0x7;
	s20 =	rddreg [dreg:$0x3]  }
0x7d: {  	s10 =	sadd.s32 s18, s20  }
0x7e: {  	[sflag:s16] =	ssyncset.done $0x0;
	s10 =	sshrl.u32 s10, $0x3  }
0x7f: {  	[sflag:s16] =	ssyncadd.s32 $0xFFFFE000;
	s10 =	sadd.s32 s5, s10  }
0x80: {  	[tilespmem:s29], [sflag:$0x3] =	stream.strided.gather [hbm4b:s10+s22], $0x100, s23, s22, $0x38;
	[tilespmem:$0x12820] =	vst v63  }
0x81: {  	_ =	swait.ge [sflag:s30], $0x100  }
0x82: {  	[sflag:s30] =	ssyncset.done $0x0  }
0x83: {  	[sflag:s30] =	ssyncadd.s32 $0xFFFFFF00  }
0x84: {  	[tilespmem:s7], [sflag:$0x7] =	stream.indirect.gather [hbm4b:s4+s22], $0x40, s29, s22, $0xb8;
	[tilespmem:$0x12820] =	vst v63  }
0x85: {  	s19 =	sadd.s32 $0x200, s19;
	_ =	swait.ge [sflag:s1], $0x2000  }
0x86: {  	s9 =	simm.s32 $0x300;
	s3 =	simm.s32 $0x6420;
	[sflag:s1] =	ssyncset.done $0x0  }
0x87: {  	s6 =	smin.u32 s6, $0x46;
	s29 =	simm.s32 $0x2420;
	[sflag:s1] =	ssyncadd.s32 $0xFFFFE000  }
0x88: {  	[spmem:s2] =	stream.indirect.scatter.add.f32 [tilespmem:s29], [sflag:$0xA], $0x40, s21, s22, $0xb8;
	[tilespmem:$0x12820] =	vst v63  }
0x89: {  	s31 =	simm.s32 $0x200;
	s6 =	sshll.u32 s6, $0x7;
	_ =	swait.ge [sflag:s17], $0x2000  }
0x8a: {  	s26 =	simm.s32 $0x100;
	s24 =	simm.s32 $0x420;
	s21 =	rddreg [dreg:$0x4]  }
0x8b: {  	s20 =	simm.s32 $0x0;
	s18 =	sadd.s32 $0x40, s0;
	s10 =	sadd.s32 s6, s21  }
0x8c: {  	s7 =	simm.s32 $0x4420;
	[sflag:s17] =	ssyncset.done $0x0;
	s10 =	sshrl.u32 s10, $0x3  }
0x8d: {  	s6 =	simm.s32 $0x4;
	[sflag:s17] =	ssyncadd.s32 $0xFFFFE000;
	s10 =	sadd.s32 s5, s10  }
.LBB2_4:
0x8e: {  	[tilespmem:s9], [sflag:$0x4] =	stream.strided.gather [hbm4b:s10+s22], $0x100, s23, s22, $0x38;
	[tilespmem:$0x12820] =	vst v63  }
0x8f: {  	_ =	swait.ge [sflag:s8], $0x100  }
0x90: {  	[sflag:s8] =	ssyncset.done $0x0  }
0x91: {  	[sflag:s8] =	ssyncadd.s32 $0xFFFFFF00  }
0x92: {  	[tilespmem:s3], [sflag:$0x8] =	stream.indirect.gather [hbm4b:s4+s22], $0x40, s9, s22, $0xb8;
	[tilespmem:$0x12820] =	vst v63  }
0x93: {  	_ =	swait.ge [sflag:s11], $0x2000  }
0x94: {  	[sflag:s11] =	ssyncset.done $0x0  }
0x95: {  	s21 =	rddreg [dreg:$0x5];
	[sflag:s11] =	ssyncadd.s32 $0xFFFFE000  }
0x96: {  	[spmem:s2] =	stream.indirect.scatter.add.f32 [tilespmem:s7], [sflag:$0xB], $0x40, s21, s22, $0xb8;
	[tilespmem:$0x12820] =	vst v63  }
0x97: {  	_ =	swait.ge [sflag:s12], $0x2000  }
0x98: {  	s0 =	sshrl.u32 s19, $0x3;
	[sflag:s12] =	ssyncset.done $0x0  }
0x99: {  	s21 =	sadd.s32 s5, s0;
	[sflag:s12] =	ssyncadd.s32 $0xFFFFE000  }
0x9a: {  	[tilespmem:s20], [sflag:$0x1] =	stream.strided.gather [hbm4b:s21+s22], $0x100, s23, s22, $0x38;
	[tilespmem:$0x12820] =	vst v63  }
0x9b: {  	_ =	swait.ge [sflag:s13], $0x100  }
0x9c: {  	[sflag:s13] =	ssyncset.done $0x0  }
0x9d: {  	[sflag:s13] =	ssyncadd.s32 $0xFFFFFF00  }
0x9e: {  	[tilespmem:s24], [sflag:$0x5] =	stream.indirect.gather [hbm4b:s4+s22], $0x40, s20, s22, $0xb8;
	[tilespmem:$0x12820] =	vst v63  }
0x9f: {  	_ =	swait.ge [sflag:s14], $0x2000  }
0xa0: {  	[sflag:s14] =	ssyncset.done $0x0  }
0xa1: {  	s0 =	rddreg [dreg:$0x6];
	[sflag:s14] =	ssyncadd.s32 $0xFFFFE000  }
0xa2: {  	[spmem:s2] =	stream.indirect.scatter.add.f32 [tilespmem:s3], [sflag:$0xC], $0x40, s0, s22, $0xb8;
	[tilespmem:$0x12820] =	vst v63  }
0xa3: {  	_ =	swait.ge [sflag:s15], $0x2000  }
0xa4: {  	[sflag:s15] =	ssyncset.done $0x0  }
0xa5: {  	[sflag:s15] =	ssyncadd.s32 $0xFFFFE000  }
0xa6: {  	[tilespmem:s26], [sflag:$0x2] =	stream.strided.gather [hbm4b:s18+s22], $0x100, s23, s22, $0x38;
	[tilespmem:$0x12820] =	vst v63  }
0xa7: {  	_ =	swait.ge [sflag:s25], $0x100  }
0xa8: {  	[sflag:s25] =	ssyncset.done $0x0  }
0xa9: {  	[sflag:s25] =	ssyncadd.s32 $0xFFFFFF00  }
0xaa: {  	[tilespmem:s29], [sflag:$0x6] =	stream.indirect.gather [hbm4b:s4+s22], $0x40, s26, s22, $0xb8;
	[tilespmem:$0x12820] =	vst v63  }
0xab: {  	_ =	swait.ge [sflag:s28], $0x2000  }
0xac: {  	[sflag:s28] =	ssyncset.done $0x0  }
0xad: {  	s10 =	smov.u32 s6;
	[sflag:s28] =	ssyncadd.s32 $0xFFFFE000  }
0xae: {  	[spmem:s2] =	stream.indirect.scatter.add.f32 [tilespmem:s24], [sflag:$0x9], $0x40, s22, s22, $0xb8;
	[tilespmem:$0x12820] =	vst v63  }
0xaf: {  	s0 =	smin.u32 s10, $0x47;
	_ =	swait.ge [sflag:s16], $0x2000  }
0xb0: {  	s0 =	sshll.u32 s0, $0x7;
	s21 =	rddreg [dreg:$0x3]  }
0xb1: {  	s0 =	sadd.s32 s0, s21  }
0xb2: {  	[sflag:s16] =	ssyncset.done $0x0;
	s0 =	sshrl.u32 s0, $0x3  }
0xb3: {  	[sflag:s16] =	ssyncadd.s32 $0xFFFFE000;
	s0 =	sadd.s32 s5, s0  }
0xb4: {  	[tilespmem:s31], [sflag:$0x3] =	stream.strided.gather [hbm4b:s0+s22], $0x100, s23, s22, $0x38;
	[tilespmem:$0x12820] =	vst v63  }
0xb5: {  	_ =	swait.ge [sflag:s30], $0x100  }
0xb6: {  	[sflag:s30] =	ssyncset.done $0x0  }
0xb7: {  	[sflag:s30] =	ssyncadd.s32 $0xFFFFFF00  }
0xb8: {  	[tilespmem:s7], [sflag:$0x7] =	stream.indirect.gather [hbm4b:s4+s22], $0x40, s31, s22, $0xb8;
	[tilespmem:$0x12820] =	vst v63  }
0xb9: {  	_ =	swait.ge [sflag:s1], $0x2000  }
0xba: {  	[sflag:s1] =	ssyncset.done $0x0  }
0xbb: {  	p0 =	sne.s32 s6, $0x48;
	s21 =	simm.s32 $0x180;
	[sflag:s1] =	ssyncadd.s32 $0xFFFFE000  }
0xbc: {  	[spmem:s2] =	stream.indirect.scatter.add.f32 [tilespmem:s29], [sflag:$0xA], $0x40, s21, s22, $0xb8;
	[tilespmem:$0x12820] =	vst v63  }
.Ltmp1:
0xbd: {  	s10 =	smin.u32 s10, $0x46;
	_ =	swait.ge [sflag:s17], $0x2000;
	(pc) =	sbr.rel @p0 .LBB2_4-.Ltmp1, $4  }
0xbe: {  	s10 =	sshll.u32 s10, $0x7;
	s21 =	rddreg [dreg:$0x4]  }
0xbf: {  	s6 =	sadd.s32 $0x4, s6;
	s0 =	sadd.s32 s10, s21  }
0xc0: {  	s19 =	sadd.s32 $0x200, s19;
	[sflag:s17] =	ssyncset.done $0x0;
	s0 =	sshrl.u32 s0, $0x3  }
0xc1: {  	s18 =	sadd.s32 $0x40, s18;
	[sflag:s17] =	ssyncadd.s32 $0xFFFFE000;
	s10 =	sadd.s32 s5, s0  }
0xc2: {  	[tilespmem:s9], [sflag:$0x4] =	stream.strided.gather [hbm4b:s10+s22], $0x100, s23, s22, $0x38;
	[tilespmem:$0x12820] =	vst v63  }
0xc3: {  	_ =	swait.ge [sflag:s8], $0x100  }
0xc4: {  	[sflag:s8] =	ssyncset.done $0x0  }
0xc5: {  	[sflag:s8] =	ssyncadd.s32 $0xFFFFFF00  }
0xc6: {  	_ =	swait.ge [sflag:s11], $0x2000  }
0xc7: {  	[sflag:s11] =	ssyncset.done $0x0  }
0xc8: {  	[sflag:s11] =	ssyncadd.s32 $0xFFFFE000  }
0xc9: {  	_ =	swait.ge [sflag:s12], $0x2000  }
0xca: {  	[sflag:s12] =	ssyncset.done $0x0  }
0xcb: {  	[sflag:s12] =	ssyncadd.s32 $0xFFFFE000  }
0xcc: {  	_ =	swait.ge [sflag:s15], $0x2000  }
0xcd: {  	s6 =	simm.s32 $0x10;
	s3 =	simm.s32 $0x400;
	[sflag:s15] =	ssyncset.done $0x0  }
0xce: {  	s21 =	simm.s32 $0xD;
	s0 =	rddreg [dreg:$0x10];
	[sflag:s15] =	ssyncadd.s32 $0xFFFFE000  }
0xcf: {  	[tilespmem:s3], [sflag:$0xD] =	stream.strided.gather [hbm4b:s0+s6], $0x20, s23, s6, $0x38;
	[tilespmem:$0x12820] =	vst v63  }
0xd0: {  	_ =	swait.ge [sflag:s21], $0x20  }
0xd1: {  	[sflag:s21] =	ssyncset.done $0x0  }
0xd2: {  	s7 =	simm.s32 $0x8420;
	[sflag:s21] =	ssyncadd.s32 $0xFFFFFFE0  }
0xd3: {  	[tilespmem:s7], [sflag:$0x5] =	stream.indirect.gather [hbm4b:s4+s6], $0x40, s3, s6, $0xb8;
	[tilespmem:$0x12820] =	vst v63  }
0xd4: {  	_ =	swait.ge [sflag:s28], $0x400  }
0xd5: {  	[sflag:s28] =	ssyncset.done $0x0  }
0xd6: {  	s9 =	simm.s32 $0x410;
	[sflag:s28] =	ssyncadd.s32 $0xFFFFFC00  }
0xd7: {  	[spmem:s2] =	stream.indirect.scatter.add.f32 [tilespmem:s7], [sflag:$0xD], $0x40, s9, s6, $0xb8;
	[tilespmem:$0x12820] =	vst v63  }
0xd8: {  	_ =	swait.ge [sflag:s21], $0x400  }
0xd9: {  	[sflag:s21] =	ssyncset.done $0x0  }
0xda: {  	[sflag:s21] =	ssyncadd.s32 $0xFFFFFC00  }
0xdb: {  	s10 =	stileid.u32;
	[bflag:$0x0] =	sbarrier.arrive $0xFFFF  }
0xdc: {  	s0 =	sshll.u32 s10, $0x6;
	s19 =	rddreg [dreg:$0x7]  }
0xdd: {  	s0 =	sor.u32 $0x1C0D, s0;
	s20 =	rddreg [dreg:$0x11];
	s18 =	sshrl.u32 s19, $0x3  }
0xde: {  	[hbm:s20], [sflag:s0] =	dma.local [spmem:s18], $0x1400  }
0xdf: {  	_ =	swait.ge [sflag:s21], $0x1400  }
0xe0: {  	s24 =	rddreg [dreg:$0x15]  }
0xe1: {  	s26 =	rddreg [dreg:$0x12];
	s6 =	sadd.s32 $0x1, s24  }
0xe2: {  	p0 =	sne.s32 s6, s26  }
.Ltmp2:
0xe3: {  	_ = 	snop;
	(pc) =	sbr.rel @p0 .LBB2_1-.Ltmp2, $4  }
0xe4: {  	s29 =	simm.s32 $0x200  }
0xe5: {  	s31 =	simm.s32 $0x6420;
	s3 =	simm.s32 $0x0;
	s7 =	simm.s32 $0x4420  }
0xe6: {  	s9 =	simm.s32 $0x300;
	s20 =	simm.s32 $0x420;
	[sflag:s21] =	ssyncset.done $0x0  }
0xe7: {  	[sflag:s21] =	ssyncadd.s32 $0xFFFFEC00;
	s24 =	simm.s32 $0x100;
	s26 =	simm.s32 $0x2420  }
0xe8: {  	_ =	sfence.sel $0x180000  }
0xe9: {  	[bflag:$0x0] =	sbarrier.arrive $0xFFFF  }
0xea: {  	_ =	strace $0x9000004A  }
0xeb: {  	s0 =	stileid.u32;
	[bflag:$0x2] =	sbarrier.arrive $0xFFFF  }
0xec: {  	p0 =	sne.s32 s0, $0x0;
	s0 =	rddreg [dreg:$0x2]  }
0xed: {  	s0 =	sadd.s32 @!p0 $0x100000, s0  }
0xee: {  	[sflag:s0] =	ssyncadd.tile.s32 @!p0 $0x1;
	_ =	shalt  }
.Lfunc_end2:
_tile_overlayer_lowered:
.L_overlay_start_2:
0xef: {  	(tag) =	ssettag $0x2  }
0xf0: {  	s0 =	rddreg [dreg:$0x0];
	s2 =	stileid.u32  }
0xf1: {  	s1 =	rddreg [dreg:$0x1];
	p0 =	sne.s32 s2, $0x0  }
0xf2: {  	s3 =	rddreg [dreg:$0x2];
	[bflag:$0x3] =	sbarrier.arrive $0xFFFF;
	s2 =	simm.s32 @!p0 $0x1C0D  }
0xf3: {  	[timem:s3], [sflag:s2] =	dma.local @!p0 [hbm:s0], s1  }
0xf4: {  	s0 =	simm.s32 @!p0 $0xD  }
0xf5: {  	_ =	swait.ge @!p0 [sflag:s0], s1  }
0xf6: {  	s1 =	ssub.s32 @!p0 $0x0, s1;
	[sflag:s0] =	ssyncset.done @!p0 $0x0  }
0xf7: {  	[sflag:s0] =	ssyncadd.s32 @!p0 s1  }
0xf8: {  	[bflag:$0x3] =	sbarrier.arrive $0xFFFF  }
0xf9: {  	_ =	shalt  }

// kernel: kernel.14.cloned.1.call-start
scs
__scs_entry_jumppad:
0x0: {  	(pc) =	sbr.rel $0x88, $3  }
0x1: {  	(tag) =	ssettag $0x0;
	lr =	simm.s32 $0x1  }
0x2: {  	[smem:$0x3F9B] =	sst lr;
	_ =	strace $0xD0000000  }
0x3: {  	_ = 	snop  }
0x4: {  	_ = 	snop  }
0x5: {  	_ = 	snop  }
0x6: {  	_ = 	snop  }
0x7: {  	_ = 	snop  }
__scs_overlays_trampoline_lowered:
0x8: {  	[smem:$0x3FAA] =	sst s0  }
0x9: {  	[smem:$0x3FAB] =	sst s1  }
0xa: {  	[smem:$0x3FAC] =	sst s2  }
0xb: {  	[smem:$0x3FAD] =	sst s3  }
0xc: {  	[smem:$0x3FAE] =	sst s4  }
0xd: {  	[smem:$0x3FAF] =	sst s5  }
0xe: {  	[smem:$0x3FB0] =	sst s6  }
0xf: {  	[smem:$0x3FB1] =	sst s7  }
0x10: {  	[smem:$0x3FB2] =	sst s8  }
0x11: {  	[smem:$0x3FB3] =	sst s9;
	s0 =	simm.s32 @!p0 $0x0  }
0x12: {  	s1 =	sld [smem:$0x3F99];
	s0 =	simm.s32 @p0 $0x1  }
0x13: {  	[smem:$0x3FB4] =	sst s0;
	s0 =	simm.s32 @!p1 $0x0  }
0x14: {  	s2 =	sld [smem:$0x3F98];
	s0 =	simm.s32 @p1 $0x1  }
0x15: {  	[smem:$0x3FB5] =	sst s0;
	s0 =	simm.s32 @!p2 $0x0  }
0x16: {  	s3 =	sld [smem:$0x3FDB];
	s0 =	simm.s32 @p2 $0x1  }
0x17: {  	s4 =	simm.s32 $0x1BF5;
	[smem:$0x3FB7] =	sst s0  }
0x18: {  	s0 =	sld [smem:$0x3F9A];
	_ =	swait.ge [sflag:s4], $0x0  }
0x19: {  	s7 =	sld [smem:$0x3F9B]  }
0x1a: {  	s8 =	sadd.s32 $0xFFFFE003, lr  }
0x1b: {  	s9 =	sadd.s32 $0xFFFFFEF7, lr;
	s5 =	simm.s32 $0xFFFFFFFF;
	p2 =	slt.u32 s8, $0xFFFFF086  }
0x1c: {  	p1 =	slt.u32 s9, $0xF7A;
	s5 =	simm.s32 @!p2 $0x0  }
0x1d: {  	s5 =	simm.s32 @p1 $0x1;
	p0 =	seq.s32 s7, s2  }
0x1e: {  	s7 =	smul.u32 @!p0 $0xF7A, s2;
	p2 =	seq.s32 @!p0 s5, $0x0  }
0x1f: {  	s9 =	smul.u32 $0xF7A, s1;
	s8 =	simm.s32 @!p0 $0x1BF5;
	p2 =	por !p2, p0  }
0x20: {  	[sflag:s8] =	ssyncset.s32 @!p0 $0xFFFFF086;
	s6 =	sadd.s32 @!p0 s3, s7;
	s7 =	simm.s32 @!p0 $0x108  }
0x21: {  	s3 =	sadd.s32 s3, s9;
	s6 =	sadd.s32 @!p0 $0x88, s6;
	s7 =	simm.s32 @p2 $0x1082  }
0x22: {  	[simem:s7], [sflag:s8] =	dma.local @!p0 [hbm:s6], $0xF7A  }
0x23: {  	s9 =	sor.u32 $0xD0000000, s2;
	s6 =	simm.s32 $0x108;
	_ =	swait.ge @!p0 [sflag:s8], $0x0  }
0x24: {  	s3 =	sadd.s32 $0x88, s3;
	s6 =	simm.s32 @!p1 $0x1082;
	[sflag:s4] =	ssyncset.s32 $0xFFFFF086  }
0x25: {  	[simem:s6], [sflag:s4] =	dma.local [hbm:s3], $0xF7A  }
0x26: {  	[smem:$0x3F9B] =	sst s1;
	(tag) =	ssettag s2;
	_ =	strace s9  }
0x27: {  	s1 =	sld [smem:$0x3FAB]  }
0x28: {  	s2 =	sld [smem:$0x3FAC]  }
0x29: {  	s4 =	sld [smem:$0x3FAE]  }
0x2a: {  	p0 =	seq.s32 s5, $0x0;
	s5 =	sld [smem:$0x3FAF]  }
0x2b: {  	s6 =	sld [smem:$0x3FB0]  }
0x2c: {  	s7 =	sld [smem:$0x3FB1]  }
0x2d: {  	s3 =	simm.s32 $0x108;
	s8 =	sld [smem:$0x3FB2]  }
0x2e: {  	s3 =	simm.s32 @!p0 $0x1082;
	s9 =	sld [smem:$0x3FB3]  }
0x2f: {  	lr =	sadd.s32 s0, s3;
	s0 =	sld [smem:$0x3FAA]  }
0x30: {  	s3 =	sld [smem:$0x3FAD]  }
0x31: {  	[smem:$0x3FB6] =	sst s10  }
0x32: {  	s10 =	sld [smem:$0x3FB4];
	_ =	sdelay $0x3  }
0x33: {  	p0 =	seq.s32 s10, $0x1;
	s10 =	sld [smem:$0x3FB6];
	_ =	sdelay $0x3  }
0x34: {  	[smem:$0x3FB6] =	sst s10  }
0x35: {  	s10 =	sld [smem:$0x3FB5];
	_ =	sdelay $0x3  }
0x36: {  	p1 =	seq.s32 s10, $0x1;
	s10 =	sld [smem:$0x3FB6];
	_ =	sdelay $0x3  }
0x37: {  	[smem:$0x3FB6] =	sst s10  }
0x38: {  	s10 =	sld [smem:$0x3FB7]  }
0x39: {  	_ = 	snop;
	(pc) =	sbr.ind lr, $3  }
0x3a: {  	_ = 	snop  }
0x3b: {  	_ = 	snop  }
0x3c: {  	p2 =	seq.s32 s10, $0x1;
	s10 =	sld [smem:$0x3FB6]  }
0x3d: {  	_ =	shalt  }
0x3e: {  	_ =	shalt  }
0x3f: {  	_ =	shalt  }
0x40: {  	_ =	shalt  }
0x41: {  	_ =	shalt  }
0x42: {  	_ =	shalt  }
0x43: {  	_ =	shalt  }
0x44: {  	_ =	shalt  }
0x45: {  	_ =	shalt  }
0x46: {  	_ =	shalt  }
0x47: {  	_ =	shalt  }
0x48: {  	_ =	shalt  }
0x49: {  	_ =	shalt  }
0x4a: {  	_ =	shalt  }
0x4b: {  	_ =	shalt  }
0x4c: {  	_ =	shalt  }
0x4d: {  	_ =	shalt  }
0x4e: {  	_ =	shalt  }
0x4f: {  	_ =	shalt  }
0x50: {  	_ =	shalt  }
0x51: {  	_ =	shalt  }
0x52: {  	_ =	shalt  }
0x53: {  	_ =	shalt  }
0x54: {  	_ =	shalt  }
0x55: {  	_ =	shalt  }
0x56: {  	_ =	shalt  }
0x57: {  	_ =	shalt  }
0x58: {  	_ =	shalt  }
0x59: {  	_ =	shalt  }
0x5a: {  	_ =	shalt  }
0x5b: {  	_ =	shalt  }
0x5c: {  	_ =	shalt  }
0x5d: {  	_ =	shalt  }
0x5e: {  	_ =	shalt  }
0x5f: {  	_ =	shalt  }
0x60: {  	_ =	shalt  }
0x61: {  	_ =	shalt  }
0x62: {  	_ =	shalt  }
0x63: {  	_ =	shalt  }
0x64: {  	_ =	shalt  }
0x65: {  	_ =	shalt  }
0x66: {  	_ =	shalt  }
0x67: {  	_ =	shalt  }
0x68: {  	_ =	shalt  }
0x69: {  	_ =	shalt  }
0x6a: {  	_ =	shalt  }
0x6b: {  	_ =	shalt  }
0x6c: {  	_ =	shalt  }
0x6d: {  	_ =	shalt  }
0x6e: {  	_ =	shalt  }
0x6f: {  	_ =	shalt  }
0x70: {  	_ =	shalt  }
0x71: {  	_ =	shalt  }
0x72: {  	_ =	shalt  }
0x73: {  	_ =	shalt  }
0x74: {  	_ =	shalt  }
0x75: {  	_ =	shalt  }
0x76: {  	_ =	shalt  }
0x77: {  	_ =	shalt  }
0x78: {  	_ =	shalt  }
0x79: {  	_ =	shalt  }
0x7a: {  	_ =	shalt  }
0x7b: {  	_ =	shalt  }
0x7c: {  	_ =	shalt  }
0x7d: {  	_ =	shalt  }
0x7e: {  	_ =	shalt  }
0x7f: {  	_ =	shalt  }
0x80: {  	_ =	shalt  }
0x81: {  	_ =	shalt  }
0x82: {  	_ =	shalt  }
0x83: {  	_ =	shalt  }
0x84: {  	_ =	shalt  }
0x85: {  	_ =	shalt  }
0x86: {  	_ =	shalt  }
0x87: {  	_ =	shalt  }
.Lfunc_end0:
.L_simem_size_0:
called_computation.2_lowered:
.L_overlay_start_0:
0x88: {  	s2 =	sld [smem:$0x3FD9]  }
0x89: {  	s3 =	sld [smem:$0x3FFE];
	_ =	sdelay $0x1  }
0x8a: {  	s1 =	srdreg.scid  }
0x8b: {  	s0 =	sand.u32 $0x1, s1  }
0x8c: {  	s16 =	sshll.u32 s0, $0xA;
	s2 =	sadd.s32 s3, s2  }
0x8d: {  	s2 =	sadd.s32 s2, s16  }
0x8e: {  	[smem:$0x3FC2] =	sst s2  }
0x8f: {  	_ = 	snop  }
0x90: {  	(tm) =	ssettm $0x1  }
0x91: {  	s17 =	sld [smem:$0x3FFB];
	_ =	sdelay $0x3  }
0x92: {  	_ =	strace s17  }
0x93: {  	s2 =	sld [smem:$0x3FFC];
	_ =	sdelay $0x3  }
0x94: {  	_ =	strace s2  }
0x95: {  	s2 =	sld [smem:$0x3FFD];
	_ =	sdelay $0x3  }
0x96: {  	_ =	strace s2  }
0x97: {  	_ =	strace $0x8FFFFFFF  }
0x98: {  	s18 =	sld [smem:$0x3FDB];
	_ =	sdelay $0x1  }
0x99: {  	s19 =	simm.s32 $_scs_section_size  }
0x9a: {  	s4 =	simm.s32 $_size__tile_overlayer_lowered;
	s5 =	simm.s32 $_tile_overlayer_lowered  }
0x9b: {  	s22 =	simm.s32 $0x1BFF;
	s21 =	sshll.u32 s5, $0x1;
	s2 =	sadd.s32 s19, s18  }
0x9c: {  	s6 =	simm.s32 $0x0;
	s20 =	sshll.u32 s4, $0x1;
	s4 =	sadd.s32 s21, s2  }
0x9d: {  	[timem:s6], [sflag:s22] =	dma.local [hbm:s4], s20  }
0x9e: {  	_ =	swait.ge [sflag:s22], s20  }
0x9f: {  	s3 =	ssub.s32 $0x0, s20;
	[sflag:s22] =	ssyncset.done $0x0  }
0xa0: {  	[sflag:s22] =	ssyncadd.s32 s3;
	_ =	sdelay $0x1  }
0xa1: {  	s23 =	simm.s32 $0x1B8B  }
0xa2: {  	_ =	swait.ge [sflag:s23], $0x1  }
0xa3: {  	[sflag:s23] =	ssyncset.done $0x0  }
0xa4: {  	s25 =	simm.s32 $0x1B8E;
	s24 =	sld [smem:$0x3FFE];
	[sflag:s23] =	ssyncadd.s32 $0xFFFFFFFF  }
0xa5: {  	s26 =	simm.s32 $execute0_lowered;
	[smem:$0x3FD2] =	sst s25  }
0xa6: {  	s4 =	sshll.u32 s26, $0x1;
	_ =	strace $0x8000004C;
	[dreg:$0x1] =	wrdreg $0xFFFFFFFF  }
0xa7: {  	s28 =	simm.s32 $_size_execute0_lowered;
	s2 =	sadd.s32 s2, s4;
	[dreg:$0x0] =	wrdreg $0x0  }
0xa8: {  	s4 =	sshll.u32 s28, $0x1;
	[dreg:$0x2] =	wrdreg s2  }
0xa9: {  	[dreg:$0x3] =	wrdreg s4  }
0xaa: {  	[dreg:$0x4] =	wrdreg $0xC0  }
0xab: {  	_ =	task [dreg:s6], $0x5FFFF  }
0xac: {  	[dreg:$0x1] =	wrdreg $0xFFFFFFFF  }
0xad: {  	[dreg:$0x0] =	wrdreg $0x60  }
0xae: {  	[dreg:$0x2] =	wrdreg s24  }
0xaf: {  	[dreg:$0x3] =	wrdreg $0x25200  }
0xb0: {  	[dreg:$0x4] =	wrdreg $0x9  }
0xb1: {  	_ =	task.clear_ibuf [dreg:s6], $0x5FFFF;
	_ =	strace $0x9000004C  }
0xb2: {  	s29 =	simm.s32 $0x9;
	_ =	strace $0x8000004E  }
0xb3: {  	_ =	swait.ge [sflag:s29], $0x1  }
0xb4: {  	[sflag:s29] =	ssyncadd.s32 $0xFFFFFFFF  }
0xb5: {  	_ =	strace $0x9000004E  }
0xb6: {  	_ =	sfence  }
0xb7: {  	s30 =	sld [smem:$0x0];
	_ =	sdelay $0x2  }
0xb8: {  	s31 =	sshll.u32 s1, $0xD;
	s1 =	sshrl.u32 s1, $0x2  }
0xb9: {  	s3 =	sand.u32 $0x4000, s31;
	s1 =	sadd.s32 s1, s30  }
0xba: {  	s0 =	sor.u32 s3, s0;
	s1 =	sshll.u32 s1, $0x11  }
0xbb: {  	s0 =	sor.u32 s1, s0  }
0xbc: {  	s0 =	sadd.s32 $0x8F2B, s0  }
0xbd: {  	[sflag:s0] =	ssyncadd.remote.s32 $0x1  }
0xbe: {  	_ =	sfence.sel $0xFFFF  }
0xbf: {  	[dreg:$0x0] =	wrdreg $0xFFFFFFFF;
	(pc) =	sbr.abs _section_cstart, $3  }
0xc0: {  	[dreg:$0x1] =	wrdreg $0xFFFFFFFF  }
0xc1: {  	_ =	task.clear_ibuf [dreg:s6], $0x2FFFF;
	_ =	strace $0x9FFFFFFF  }
0xc2: {  	(tm) =	ssettm $0x7FFFFFFF  }
0xc3: {  	_ =	shalt  }
tec
execute0_lowered:
.L_overlay_start_1:
0x0: {  	(tag) =	ssettag $0x1  }
0x1: {  	s0 =	rddreg [dreg:$0x0]  }
0x2: {  	s1 =	srdreg.scid;
	s11 =	stileid.u32  }
0x3: {  	s2 =	rddreg [dreg:$0x1];
	s3 =	simm.s32 $0x0;
	s6 =	smul.u32 $0x2800, s11  }
0x4: {  	s28 =	simm.s32 $0x5;
	s29 =	simm.s32 $0x200;
	s8 =	smul.u32 $0xA000, s11  }
0x5: {  	s30 =	simm.s32 $0x3;
	s1 =	sand.u32 $0x1, s1;
	s12 =	smul.u32 $0x2710, s11  }
0x6: {  	s31 =	simm.s32 $0x1420;
	[smem:$0x7FF] =	sst s3;
	s4 =	smul.u32 $0x28000, s1  }
0x7: {  	_ =	strace $0x8000004D;
	s21 =	sshll.u32 s1, $0x4;
	s9 =	ssub.s32 $0x2, s1  }
0x8: {  	s1 =	smul.u32 $0x27100, s1;
	s8 =	sshrl.u32 s8, $0x2;
	s10 =	sshrl.u32 s9, $0x1  }
0x9: {  	s18 =	sadd.s32 s6, s2;
	s5 =	sadd.s32 s6, s4;
	s4 =	sadd.s32 $0x1A00, s0  }
0xa: {  	s8 =	sadd.s32 s8, s2;
	s9 =	ssub.s32 s9, s10;
	s1 =	sadd.s32 s12, s1  }
0xb: {  	s12 =	simm.s32 $0x9;
	s6 =	simm.s32 $0x0;
	[dreg:$0x7] =	wrdreg s18  }
0xc: {  	s7 =	sshrl.u32 s5, $0x3;
	s5 =	sadd.s32 $0xB800, s0;
	s22 =	sadd.s32 $0x800, s8  }
0xd: {  	s23 =	sadd.s32 $0x1000, s8;
	s25 =	sadd.s32 $0x1800, s8;
	[dreg:$0x8] =	wrdreg s22  }
0xe: {  	s8 =	sadd.s32 $0x2000, s8;
	s19 =	sadd.s32 $0x280, s1;
	[dreg:$0x9] =	wrdreg s23  }
0xf: {  	s0 =	sadd.s32 s7, s0;
	s7 =	sor.u32 s11, s21;
	[dreg:$0xa] =	wrdreg s25  }
0x10: {  	[dreg:$0xc] =	wrdreg s8;
	s21 =	sshrl.u32 s19, $0x3;
	s22 =	smax.u32 s9, $0x1  }
0x11: {  	s19 =	simm.s32 $0xD;
	s25 =	simm.s32 $0x280;
	s8 =	simm.s32 $0x4  }
0x12: {  	s9 =	simm.s32 $0x1C20;
	s11 =	simm.s32 $0x7;
	[dreg:$0x12] =	wrdreg s22  }
0x13: {  	s7 =	smul.u32 $0x2710, s7;
	s0 =	sadd.s32 $0x1F200, s0;
	[dreg:$0x5] =	wrdreg s25  }
0x14: {  	s23 =	sadd.s32 s21, s5;
	s22 =	simm.s32 $0x80;
	[dreg:$0x11] =	wrdreg s0  }
0x15: {  	s25 =	simm.s32 $0x2;
	[dreg:$0x13] =	wrdreg s23;
	s16 =	sadd.s32 $0x300, s7  }
0x16: {  	s24 =	sshrl.u32 s7, $0x3;
	s17 =	sadd.s32 $0x380, s7;
	[dreg:$0x3] =	wrdreg s16  }
0x17: {  	s21 =	simm.s32 $0x180;
	s26 =	sadd.s32 s5, s24;
	[dreg:$0x4] =	wrdreg s17  }
0x18: {  	s23 =	simm.s32 $0x4E200;
	s24 =	sadd.s32 $0x200, s1;
	[dreg:$0xb] =	wrdreg s26  }
0x19: {  	s7 =	simm.s32 $0x300;
	s13 =	sadd.s32 $0x10, s26;
	[dreg:$0x14] =	wrdreg s24  }
0x1a: {  	s1 =	simm.s32 $0x6;
	s14 =	sadd.s32 $0x20, s26;
	[dreg:$0xd] =	wrdreg s13  }
0x1b: {  	s16 =	simm.s32 $0xB;
	s15 =	sadd.s32 $0x30, s26;
	[dreg:$0xe] =	wrdreg s14  }
0x1c: {  	s17 =	simm.s32 $0xC;
	s20 =	sadd.s32 $0x4E0, s26;
	[dreg:$0xf] =	wrdreg s15  }
0x1d: {  	s24 =	simm.s32 $0x100;
	s26 =	simm.s32 $0x380;
	[dreg:$0x10] =	wrdreg s20  }
0x1e: {  	s20 =	simm.s32 $0x420;
	[dreg:$0x6] =	wrdreg s26;
	s26 =	simm.s32 $0xC20  }
0x1f: {  	v0 =	vimm.f32 $0.0e+00;
	s13 =	simm.s32 $0x1;
	s14 =	simm.s32 $0x8;
	s15 =	simm.s32 $0xA  }
.LBB2_1:
0x20: {  	[dreg:$0x15] =	wrdreg s6;
	s6 =	simm.s32 $0x40;
	s10 =	simm.s32 $0x0  }
.LBB2_2:
0x21: {  	p0 =	sne.s32 s6, $0x1FC0;
	[tilespmem:s10+$0x420] =	vst v0;
	s10 =	smov.u32 s6;
	s6 =	sadd.s32 $0x40, s6  }
.Ltmp0:
0x22: {  	(pc) =	sbr.rel @p0 .LBB2_2-.Ltmp0, $2  }
0x23: {  	_ =	sdelay $0x2  }
0x24: {  	s10 =	sshra.s32 s10, $0x2  }
0x25: {  	[tilespmem:s10+$0x420] =	vst v0  }
0x26: {  	[spmem:s18] =	stream.linear.scatter [tilespmem:s20], [sflag:$0xD], $0x800, $0x38;
	[tilespmem:$0x4D20] =	vst v63  }
0x27: {  	_ =	swait.ge [sflag:s19], $0x800  }
0x28: {  	[sflag:s19] =	ssyncset.done $0x0  }
0x29: {  	s0 =	rddreg [dreg:$0x8];
	[sflag:s19] =	ssyncadd.s32 $0xFFFFF800  }
0x2a: {  	[spmem:s0] =	stream.linear.scatter [tilespmem:s20], [sflag:$0xD], $0x800, $0x38;
	[tilespmem:$0x4D20] =	vst v63  }
0x2b: {  	_ =	swait.ge [sflag:s19], $0x800  }
0x2c: {  	[sflag:s19] =	ssyncset.done $0x0  }
0x2d: {  	s18 =	rddreg [dreg:$0x9];
	[sflag:s19] =	ssyncadd.s32 $0xFFFFF800  }
0x2e: {  	[spmem:s18] =	stream.linear.scatter [tilespmem:s20], [sflag:$0xD], $0x800, $0x38;
	[tilespmem:$0x4D20] =	vst v63  }
0x2f: {  	_ =	swait.ge [sflag:s19], $0x800  }
0x30: {  	[sflag:s19] =	ssyncset.done $0x0  }
0x31: {  	s6 =	rddreg [dreg:$0xa];
	[sflag:s19] =	ssyncadd.s32 $0xFFFFF800  }
0x32: {  	[spmem:s6] =	stream.linear.scatter [tilespmem:s20], [sflag:$0xD], $0x800, $0x38;
	[tilespmem:$0x4D20] =	vst v63  }
0x33: {  	_ =	swait.ge [sflag:s19], $0x800  }
0x34: {  	[sflag:s19] =	ssyncset.done $0x0  }
0x35: {  	s10 =	rddreg [dreg:$0xc];
	[sflag:s19] =	ssyncadd.s32 $0xFFFFF800  }
0x36: {  	[spmem:s10] =	stream.linear.scatter [tilespmem:s20], [sflag:$0xD], $0x800, $0x38;
	[tilespmem:$0x4D20] =	vst v63  }
0x37: {  	_ =	swait.ge [sflag:s19], $0x800  }
0x38: {  	[sflag:s19] =	ssyncset.done $0x0  }
0x39: {  	[sflag:s19] =	ssyncadd.s32 $0xFFFFF800  }
0x3a: {  	[bflag:$0x0] =	sbarrier.arrive $0xFFFF  }
0x3b: {  	s6 =	simm.s32 $0x0;
	s18 =	rddreg [dreg:$0xb]  }
0x3c: {  	[tilespmem:s6], [sflag:$0xD] =	stream.strided.gather [hbm4b:s18+s22], $0x100, s23, s22, $0x38;
	[tilespmem:$0x4D20] =	vst v63  }
0x3d: {  	_ =	swait.ge [sflag:s19], $0x100  }
0x3e: {  	[sflag:s19] =	ssyncset.done $0x0  }
0x3f: {  	[sflag:s19] =	ssyncadd.s32 $0xFFFFFF00  }
0x40: {  	[tilespmem:s20], [sflag:$0x5] =	stream.indirect.gather [hbm4b:s4+s22], $0x10, s6, s22, $0xb8;
	[tilespmem:$0x4D20] =	vst v63  }
0x41: {  	s19 =	rddreg [dreg:$0xd]  }
0x42: {  	[tilespmem:s24], [sflag:$0x2] =	stream.strided.gather [hbm4b:s19+s22], $0x100, s23, s22, $0x38;
	[tilespmem:$0x4D20] =	vst v63  }
0x43: {  	_ =	swait.ge [sflag:s25], $0x100  }
0x44: {  	[sflag:s25] =	ssyncset.done $0x0  }
0x45: {  	[sflag:s25] =	ssyncadd.s32 $0xFFFFFF00  }
0x46: {  	[tilespmem:s26], [sflag:$0x6] =	stream.indirect.gather [hbm4b:s4+s22], $0x10, s24, s22, $0xb8;
	[tilespmem:$0x4D20] =	vst v63  }
0x47: {  	_ =	swait.ge [sflag:s28], $0x800  }
0x48: {  	[sflag:s28] =	ssyncset.done $0x0  }
0x49: {  	[sflag:s28] =	ssyncadd.s32 $0xFFFFF800  }
0x4a: {  	[spmem:s2] =	stream.indirect.scatter.add.f32 [tilespmem:s20], [sflag:$0x9], $0x10, s22, s22, $0xb8;
	[tilespmem:$0x4D20] =	vst v63  }
0x4b: {  	s10 =	rddreg [dreg:$0xe]  }
0x4c: {  	[tilespmem:s29], [sflag:$0x3] =	stream.strided.gather [hbm4b:s10+s22], $0x100, s23, s22, $0x38;
	[tilespmem:$0x4D20] =	vst v63  }
0x4d: {  	_ =	swait.ge [sflag:s30], $0x100  }
0x4e: {  	[sflag:s30] =	ssyncset.done $0x0  }
0x4f: {  	[sflag:s30] =	ssyncadd.s32 $0xFFFFFF00  }
0x50: {  	[tilespmem:s31], [sflag:$0x7] =	stream.indirect.gather [hbm4b:s4+s22], $0x10, s29, s22, $0xb8;
	[tilespmem:$0x4D20] =	vst v63  }
0x51: {  	_ =	swait.ge [sflag:s1], $0x800  }
0x52: {  	[sflag:s1] =	ssyncset.done $0x0  }
0x53: {  	[sflag:s1] =	ssyncadd.s32 $0xFFFFF800  }
0x54: {  	[spmem:s2] =	stream.indirect.scatter.add.f32 [tilespmem:s26], [sflag:$0xA], $0x10, s21, s22, $0xb8;
	[tilespmem:$0x4D20] =	vst v63  }
0x55: {  	s18 =	rddreg [dreg:$0xf]  }
0x56: {  	[tilespmem:s7], [sflag:$0x4] =	stream.strided.gather [hbm4b:s18+s22], $0x100, s23, s22, $0x38;
	[tilespmem:$0x4D20] =	vst v63  }
0x57: {  	_ =	swait.ge [sflag:s8], $0x100  }
0x58: {  	[sflag:s8] =	ssyncset.done $0x0  }
0x59: {  	[sflag:s8] =	ssyncadd.s32 $0xFFFFFF00  }
0x5a: {  	[tilespmem:s9], [sflag:$0x8] =	stream.indirect.gather [hbm4b:s4+s22], $0x10, s7, s22, $0xb8;
	[tilespmem:$0x4D20] =	vst v63  }
0x5b: {  	_ =	swait.ge [sflag:s11], $0x800  }
0x5c: {  	[sflag:s11] =	ssyncset.done $0x0  }
0x5d: {  	s19 =	rddreg [dreg:$0x5];
	[sflag:s11] =	ssyncadd.s32 $0xFFFFF800  }
0x5e: {  	[spmem:s2] =	stream.indirect.scatter.add.f32 [tilespmem:s31], [sflag:$0xB], $0x10, s19, s22, $0xb8;
	[tilespmem:$0x4D20] =	vst v63  }
0x5f: {  	_ =	swait.ge [sflag:s12], $0x800  }
0x60: {  	s19 =	rddreg [dreg:$0x14]  }
0x61: {  	[sflag:s12] =	ssyncset.done $0x0;
	s0 =	sshrl.u32 s19, $0x3  }
0x62: {  	[sflag:s12] =	ssyncadd.s32 $0xFFFFF800;
	s10 =	sadd.s32 s5, s0  }
0x63: {  	[tilespmem:s3], [sflag:$0x1] =	stream.strided.gather [hbm4b:s10+s22], $0x100, s23, s22, $0x38;
	[tilespmem:$0x4D20] =	vst v63  }
0x64: {  	_ =	swait.ge [sflag:s13], $0x100  }
0x65: {  	[sflag:s13] =	ssyncset.done $0x0  }
0x66: {  	[sflag:s13] =	ssyncadd.s32 $0xFFFFFF00  }
0x67: {  	[tilespmem:s20], [sflag:$0x5] =	stream.indirect.gather [hbm4b:s4+s22], $0x10, s3, s22, $0xb8;
	[tilespmem:$0x4D20] =	vst v63  }
0x68: {  	_ =	swait.ge [sflag:s14], $0x800  }
0x69: {  	[sflag:s14] =	ssyncset.done $0x0  }
0x6a: {  	s18 =	rddreg [dreg:$0x6];
	[sflag:s14] =	ssyncadd.s32 $0xFFFFF800  }
0x6b: {  	[spmem:s2] =	stream.indirect.scatter.add.f32 [tilespmem:s9], [sflag:$0xC], $0x10, s18, s22, $0xb8;
	[tilespmem:$0x4D20] =	vst v63  }
0x6c: {  	_ =	swait.ge [sflag:s15], $0x800  }
0x6d: {  	[sflag:s15] =	ssyncset.done $0x0  }
0x6e: {  	s0 =	rddreg [dreg:$0x13];
	[sflag:s15] =	ssyncadd.s32 $0xFFFFF800  }
0x6f: {  	[tilespmem:s24], [sflag:$0x2] =	stream.strided.gather [hbm4b:s0+s22], $0x100, s23, s22, $0x38;
	[tilespmem:$0x4D20] =	vst v63  }
0x70: {  	_ =	swait.ge [sflag:s25], $0x100  }
0x71: {  	[sflag:s25] =	ssyncset.done $0x0  }
0x72: {  	[sflag:s25] =	ssyncadd.s32 $0xFFFFFF00  }
0x73: {  	[tilespmem:s26], [sflag:$0x6] =	stream.indirect.gather [hbm4b:s4+s22], $0x10, s24, s22, $0xb8;
	[tilespmem:$0x4D20] =	vst v63  }
0x74: {  	_ =	swait.ge [sflag:s28], $0x800  }
0x75: {  	[sflag:s28] =	ssyncset.done $0x0  }
0x76: {  	[sflag:s28] =	ssyncadd.s32 $0xFFFFF800  }
0x77: {  	[spmem:s2] =	stream.indirect.scatter.add.f32 [tilespmem:s20], [sflag:$0x9], $0x10, s22, s22, $0xb8;
	[tilespmem:$0x4D20] =	vst v63  }
0x78: {  	s18 =	smin.u32 s6, $0x47;
	_ =	swait.ge [sflag:s16], $0x800  }
0x79: {  	s18 =	sshll.u32 s18, $0x7;
	s10 =	rddreg [dreg:$0x3]  }
0x7a: {  	s10 =	sadd.s32 s18, s10  }
0x7b: {  	[sflag:s16] =	ssyncset.done $0x0;
	s10 =	sshrl.u32 s10, $0x3  }
0x7c: {  	[sflag:s16] =	ssyncadd.s32 $0xFFFFF800;
	s10 =	sadd.s32 s5, s10  }
0x7d: {  	[tilespmem:s29], [sflag:$0x3] =	stream.strided.gather [hbm4b:s10+s22], $0x100, s23, s22, $0x38;
	[tilespmem:$0x4D20] =	vst v63  }
0x7e: {  	_ =	swait.ge [sflag:s30], $0x100  }
0x7f: {  	[sflag:s30] =	ssyncset.done $0x0  }
0x80: {  	[sflag:s30] =	ssyncadd.s32 $0xFFFFFF00  }
0x81: {  	[tilespmem:s31], [sflag:$0x7] =	stream.indirect.gather [hbm4b:s4+s22], $0x10, s29, s22, $0xb8;
	[tilespmem:$0x4D20] =	vst v63  }
0x82: {  	_ =	swait.ge [sflag:s1], $0x800  }
0x83: {  	[sflag:s1] =	ssyncset.done $0x0  }
0x84: {  	[sflag:s1] =	ssyncadd.s32 $0xFFFFF800  }
0x85: {  	[spmem:s2] =	stream.indirect.scatter.add.f32 [tilespmem:s26], [sflag:$0xA], $0x10, s21, s22, $0xb8;
	[tilespmem:$0x4D20] =	vst v63  }
0x86: {  	s6 =	smin.u32 s6, $0x46;
	_ =	swait.ge [sflag:s17], $0x800  }
0x87: {  	s6 =	sshll.u32 s6, $0x7;
	s21 =	rddreg [dreg:$0x4]  }
0x88: {  	s19 =	sadd.s32 $0x200, s19;
	s10 =	sadd.s32 s6, s21  }
0x89: {  	s18 =	sadd.s32 $0x40, s0;
	[sflag:s17] =	ssyncset.done $0x0;
	s10 =	sshrl.u32 s10, $0x3  }
0x8a: {  	s6 =	simm.s32 $0x4;
	[sflag:s17] =	ssyncadd.s32 $0xFFFFF800;
	s10 =	sadd.s32 s5, s10  }
.LBB2_4:
0x8b: {  	[tilespmem:s7], [sflag:$0x4] =	stream.strided.gather [hbm4b:s10+s22], $0x100, s23, s22, $0x38;
	[tilespmem:$0x4D20] =	vst v63  }
0x8c: {  	_ =	swait.ge [sflag:s8], $0x100  }
0x8d: {  	[sflag:s8] =	ssyncset.done $0x0  }
0x8e: {  	[sflag:s8] =	ssyncadd.s32 $0xFFFFFF00  }
0x8f: {  	[tilespmem:s9], [sflag:$0x8] =	stream.indirect.gather [hbm4b:s4+s22], $0x10, s7, s22, $0xb8;
	[tilespmem:$0x4D20] =	vst v63  }
0x90: {  	_ =	swait.ge [sflag:s11], $0x800  }
0x91: {  	[sflag:s11] =	ssyncset.done $0x0  }
0x92: {  	s21 =	rddreg [dreg:$0x5];
	[sflag:s11] =	ssyncadd.s32 $0xFFFFF800  }
0x93: {  	[spmem:s2] =	stream.indirect.scatter.add.f32 [tilespmem:s31], [sflag:$0xB], $0x10, s21, s22, $0xb8;
	[tilespmem:$0x4D20] =	vst v63  }
0x94: {  	_ =	swait.ge [sflag:s12], $0x800  }
0x95: {  	s0 =	sshrl.u32 s19, $0x3;
	[sflag:s12] =	ssyncset.done $0x0  }
0x96: {  	s21 =	sadd.s32 s5, s0;
	[sflag:s12] =	ssyncadd.s32 $0xFFFFF800  }
0x97: {  	[tilespmem:s3], [sflag:$0x1] =	stream.strided.gather [hbm4b:s21+s22], $0x100, s23, s22, $0x38;
	[tilespmem:$0x4D20] =	vst v63  }
0x98: {  	_ =	swait.ge [sflag:s13], $0x100  }
0x99: {  	[sflag:s13] =	ssyncset.done $0x0  }
0x9a: {  	[sflag:s13] =	ssyncadd.s32 $0xFFFFFF00  }
0x9b: {  	[tilespmem:s20], [sflag:$0x5] =	stream.indirect.gather [hbm4b:s4+s22], $0x10, s3, s22, $0xb8;
	[tilespmem:$0x4D20] =	vst v63  }
0x9c: {  	_ =	swait.ge [sflag:s14], $0x800  }
0x9d: {  	[sflag:s14] =	ssyncset.done $0x0  }
0x9e: {  	s0 =	rddreg [dreg:$0x6];
	[sflag:s14] =	ssyncadd.s32 $0xFFFFF800  }
0x9f: {  	[spmem:s2] =	stream.indirect.scatter.add.f32 [tilespmem:s9], [sflag:$0xC], $0x10, s0, s22, $0xb8;
	[tilespmem:$0x4D20] =	vst v63  }
0xa0: {  	_ =	swait.ge [sflag:s15], $0x800  }
0xa1: {  	[sflag:s15] =	ssyncset.done $0x0  }
0xa2: {  	[sflag:s15] =	ssyncadd.s32 $0xFFFFF800  }
0xa3: {  	[tilespmem:s24], [sflag:$0x2] =	stream.strided.gather [hbm4b:s18+s22], $0x100, s23, s22, $0x38;
	[tilespmem:$0x4D20] =	vst v63  }
0xa4: {  	_ =	swait.ge [sflag:s25], $0x100  }
0xa5: {  	[sflag:s25] =	ssyncset.done $0x0  }
0xa6: {  	[sflag:s25] =	ssyncadd.s32 $0xFFFFFF00  }
0xa7: {  	[tilespmem:s26], [sflag:$0x6] =	stream.indirect.gather [hbm4b:s4+s22], $0x10, s24, s22, $0xb8;
	[tilespmem:$0x4D20] =	vst v63  }
0xa8: {  	_ =	swait.ge [sflag:s28], $0x800  }
0xa9: {  	[sflag:s28] =	ssyncset.done $0x0  }
0xaa: {  	s10 =	smov.u32 s6;
	[sflag:s28] =	ssyncadd.s32 $0xFFFFF800  }
0xab: {  	[spmem:s2] =	stream.indirect.scatter.add.f32 [tilespmem:s20], [sflag:$0x9], $0x10, s22, s22, $0xb8;
	[tilespmem:$0x4D20] =	vst v63  }
0xac: {  	s0 =	smin.u32 s10, $0x47;
	_ =	swait.ge [sflag:s16], $0x800  }
0xad: {  	s0 =	sshll.u32 s0, $0x7;
	s21 =	rddreg [dreg:$0x3]  }
0xae: {  	s0 =	sadd.s32 s0, s21  }
0xaf: {  	[sflag:s16] =	ssyncset.done $0x0;
	s0 =	sshrl.u32 s0, $0x3  }
0xb0: {  	[sflag:s16] =	ssyncadd.s32 $0xFFFFF800;
	s0 =	sadd.s32 s5, s0  }
0xb1: {  	[tilespmem:s29], [sflag:$0x3] =	stream.strided.gather [hbm4b:s0+s22], $0x100, s23, s22, $0x38;
	[tilespmem:$0x4D20] =	vst v63  }
0xb2: {  	_ =	swait.ge [sflag:s30], $0x100  }
0xb3: {  	[sflag:s30] =	ssyncset.done $0x0  }
0xb4: {  	[sflag:s30] =	ssyncadd.s32 $0xFFFFFF00  }
0xb5: {  	[tilespmem:s31], [sflag:$0x7] =	stream.indirect.gather [hbm4b:s4+s22], $0x10, s29, s22, $0xb8;
	[tilespmem:$0x4D20] =	vst v63  }
0xb6: {  	_ =	swait.ge [sflag:s1], $0x800  }
0xb7: {  	[sflag:s1] =	ssyncset.done $0x0  }
0xb8: {  	p0 =	sne.s32 s6, $0x48;
	s21 =	simm.s32 $0x180;
	[sflag:s1] =	ssyncadd.s32 $0xFFFFF800  }
0xb9: {  	[spmem:s2] =	stream.indirect.scatter.add.f32 [tilespmem:s26], [sflag:$0xA], $0x10, s21, s22, $0xb8;
	[tilespmem:$0x4D20] =	vst v63  }
.Ltmp1:
0xba: {  	s10 =	smin.u32 s10, $0x46;
	_ =	swait.ge [sflag:s17], $0x800;
	(pc) =	sbr.rel @p0 .LBB2_4-.Ltmp1, $4  }
0xbb: {  	s10 =	sshll.u32 s10, $0x7;
	s0 =	rddreg [dreg:$0x4]  }
0xbc: {  	s6 =	sadd.s32 $0x4, s6;
	s0 =	sadd.s32 s10, s0  }
0xbd: {  	s19 =	sadd.s32 $0x200, s19;
	[sflag:s17] =	ssyncset.done $0x0;
	s0 =	sshrl.u32 s0, $0x3  }
0xbe: {  	s18 =	sadd.s32 $0x40, s18;
	[sflag:s17] =	ssyncadd.s32 $0xFFFFF800;
	s10 =	sadd.s32 s5, s0  }
0xbf: {  	[tilespmem:s7], [sflag:$0x4] =	stream.strided.gather [hbm4b:s10+s22], $0x100, s23, s22, $0x38;
	[tilespmem:$0x4D20] =	vst v63  }
0xc0: {  	_ =	swait.ge [sflag:s8], $0x100  }
0xc1: {  	[sflag:s8] =	ssyncset.done $0x0  }
0xc2: {  	[sflag:s8] =	ssyncadd.s32 $0xFFFFFF00  }
0xc3: {  	_ =	swait.ge [sflag:s11], $0x800  }
0xc4: {  	[sflag:s11] =	ssyncset.done $0x0  }
0xc5: {  	[sflag:s11] =	ssyncadd.s32 $0xFFFFF800  }
0xc6: {  	_ =	swait.ge [sflag:s12], $0x800  }
0xc7: {  	[sflag:s12] =	ssyncset.done $0x0  }
0xc8: {  	[sflag:s12] =	ssyncadd.s32 $0xFFFFF800  }
0xc9: {  	_ =	swait.ge [sflag:s15], $0x800  }
0xca: {  	s6 =	simm.s32 $0x10;
	s18 =	simm.s32 $0x400;
	[sflag:s15] =	ssyncset.done $0x0  }
0xcb: {  	s19 =	simm.s32 $0xD;
	s0 =	rddreg [dreg:$0x10];
	[sflag:s15] =	ssyncadd.s32 $0xFFFFF800  }
0xcc: {  	[tilespmem:s18], [sflag:$0xD] =	stream.strided.gather [hbm4b:s0+s6], $0x20, s23, s6, $0x38;
	[tilespmem:$0x4D20] =	vst v63  }
0xcd: {  	_ =	swait.ge [sflag:s19], $0x20  }
0xce: {  	[sflag:s19] =	ssyncset.done $0x0  }
0xcf: {  	s0 =	simm.s32 $0x2420;
	[sflag:s19] =	ssyncadd.s32 $0xFFFFFFE0  }
0xd0: {  	[tilespmem:s0], [sflag:$0x5] =	stream.indirect.gather [hbm4b:s4+s6], $0x10, s18, s6, $0xb8;
	[tilespmem:$0x4D20] =	vst v63  }
0xd1: {  	_ =	swait.ge [sflag:s28], $0x100  }
0xd2: {  	[sflag:s28] =	ssyncset.done $0x0  }
0xd3: {  	s18 =	simm.s32 $0x410;
	[sflag:s28] =	ssyncadd.s32 $0xFFFFFF00  }
0xd4: {  	[spmem:s2] =	stream.indirect.scatter.add.f32 [tilespmem:s0], [sflag:$0xD], $0x10, s18, s6, $0xb8;
	[tilespmem:$0x4D20] =	vst v63  }
0xd5: {  	_ =	swait.ge [sflag:s19], $0x100  }
0xd6: {  	[sflag:s19] =	ssyncset.done $0x0  }
0xd7: {  	[sflag:s19] =	ssyncadd.s32 $0xFFFFFF00  }
0xd8: {  	s18 =	stileid.u32;
	[bflag:$0x0] =	sbarrier.arrive $0xFFFF  }
0xd9: {  	s0 =	sshll.u32 s18, $0x6;
	s18 =	rddreg [dreg:$0x7]  }
0xda: {  	s0 =	sor.u32 $0x1C0D, s0;
	s10 =	rddreg [dreg:$0x11];
	s6 =	sshrl.u32 s18, $0x3  }
0xdb: {  	[hbm:s10], [sflag:s0] =	dma.local [spmem:s6], $0x500  }
0xdc: {  	_ =	swait.ge [sflag:s19], $0x500  }
0xdd: {  	s0 =	rddreg [dreg:$0x15]  }
0xde: {  	s10 =	rddreg [dreg:$0x12];
	s6 =	sadd.s32 $0x1, s0  }
0xdf: {  	p0 =	sne.s32 s6, s10  }
.Ltmp2:
0xe0: {  	_ = 	snop;
	(pc) =	sbr.rel @p0 .LBB2_1-.Ltmp2, $3  }
0xe1: {  	_ =	sdelay $0x1  }
0xe2: {  	[sflag:s19] =	ssyncset.done $0x0  }
0xe3: {  	[sflag:s19] =	ssyncadd.s32 $0xFFFFFB00  }
0xe4: {  	_ =	sfence.sel $0x180000  }
0xe5: {  	[bflag:$0x0] =	sbarrier.arrive $0xFFFF  }
0xe6: {  	_ =	strace $0x9000004D  }
0xe7: {  	s0 =	stileid.u32;
	[bflag:$0x2] =	sbarrier.arrive $0xFFFF  }
0xe8: {  	p0 =	sne.s32 s0, $0x0;
	s0 =	rddreg [dreg:$0x2]  }
0xe9: {  	s0 =	sadd.s32 @!p0 $0x100000, s0  }
0xea: {  	[sflag:s0] =	ssyncadd.tile.s32 @!p0 $0x1;
	_ =	shalt  }
.Lfunc_end2:
_tile_overlayer_lowered:
.L_overlay_start_2:
0xeb: {  	(tag) =	ssettag $0x2  }
0xec: {  	s0 =	rddreg [dreg:$0x0];
	s2 =	stileid.u32  }
0xed: {  	s1 =	rddreg [dreg:$0x1];
	p0 =	sne.s32 s2, $0x0  }
0xee: {  	s3 =	rddreg [dreg:$0x2];
	[bflag:$0x3] =	sbarrier.arrive $0xFFFF;
	s2 =	simm.s32 @!p0 $0x1C0D  }
0xef: {  	[timem:s3], [sflag:s2] =	dma.local @!p0 [hbm:s0], s1  }
0xf0: {  	s0 =	simm.s32 @!p0 $0xD  }
0xf1: {  	_ =	swait.ge @!p0 [sflag:s0], s1  }
0xf2: {  	s1 =	ssub.s32 @!p0 $0x0, s1;
	[sflag:s0] =	ssyncset.done @!p0 $0x0  }
0xf3: {  	[sflag:s0] =	ssyncadd.s32 @!p0 s1  }
0xf4: {  	[bflag:$0x3] =	sbarrier.arrive $0xFFFF  }
0xf5: {  	_ =	shalt  }

// kernel: kernel.8.cloned.1.call-start
scs
__scs_entry_jumppad:
0x0: {  	(pc) =	sbr.rel $0x88, $3  }
0x1: {  	(tag) =	ssettag $0x0;
	lr =	simm.s32 $0x1  }
0x2: {  	[smem:$0x3F9B] =	sst lr;
	_ =	strace $0xD0000000  }
0x3: {  	_ = 	snop  }
0x4: {  	_ = 	snop  }
0x5: {  	_ = 	snop  }
0x6: {  	_ = 	snop  }
0x7: {  	_ = 	snop  }
__scs_overlays_trampoline_lowered:
0x8: {  	[smem:$0x3FAA] =	sst s0  }
0x9: {  	[smem:$0x3FAB] =	sst s1  }
0xa: {  	[smem:$0x3FAC] =	sst s2  }
0xb: {  	[smem:$0x3FAD] =	sst s3  }
0xc: {  	[smem:$0x3FAE] =	sst s4  }
0xd: {  	[smem:$0x3FAF] =	sst s5  }
0xe: {  	[smem:$0x3FB0] =	sst s6  }
0xf: {  	[smem:$0x3FB1] =	sst s7  }
0x10: {  	[smem:$0x3FB2] =	sst s8  }
0x11: {  	[smem:$0x3FB3] =	sst s9;
	s0 =	simm.s32 @!p0 $0x0  }
0x12: {  	s1 =	sld [smem:$0x3F99];
	s0 =	simm.s32 @p0 $0x1  }
0x13: {  	[smem:$0x3FB4] =	sst s0;
	s0 =	simm.s32 @!p1 $0x0  }
0x14: {  	s2 =	sld [smem:$0x3F98];
	s0 =	simm.s32 @p1 $0x1  }
0x15: {  	[smem:$0x3FB5] =	sst s0;
	s0 =	simm.s32 @!p2 $0x0  }
0x16: {  	s3 =	sld [smem:$0x3FDB];
	s0 =	simm.s32 @p2 $0x1  }
0x17: {  	s4 =	simm.s32 $0x1BF5;
	[smem:$0x3FB7] =	sst s0  }
0x18: {  	s0 =	sld [smem:$0x3F9A];
	_ =	swait.ge [sflag:s4], $0x0  }
0x19: {  	s7 =	sld [smem:$0x3F9B]  }
0x1a: {  	s8 =	sadd.s32 $0xFFFFE003, lr  }
0x1b: {  	s9 =	sadd.s32 $0xFFFFFEF7, lr;
	s5 =	simm.s32 $0xFFFFFFFF;
	p2 =	slt.u32 s8, $0xFFFFF086  }
0x1c: {  	p1 =	slt.u32 s9, $0xF7A;
	s5 =	simm.s32 @!p2 $0x0  }
0x1d: {  	s5 =	simm.s32 @p1 $0x1;
	p0 =	seq.s32 s7, s2  }
0x1e: {  	s7 =	smul.u32 @!p0 $0xF7A, s2;
	p2 =	seq.s32 @!p0 s5, $0x0  }
0x1f: {  	s9 =	smul.u32 $0xF7A, s1;
	s8 =	simm.s32 @!p0 $0x1BF5;
	p2 =	por !p2, p0  }
0x20: {  	[sflag:s8] =	ssyncset.s32 @!p0 $0xFFFFF086;
	s6 =	sadd.s32 @!p0 s3, s7;
	s7 =	simm.s32 @!p0 $0x108  }
0x21: {  	s3 =	sadd.s32 s3, s9;
	s6 =	sadd.s32 @!p0 $0x88, s6;
	s7 =	simm.s32 @p2 $0x1082  }
0x22: {  	[simem:s7], [sflag:s8] =	dma.local @!p0 [hbm:s6], $0xF7A  }
0x23: {  	s9 =	sor.u32 $0xD0000000, s2;
	s6 =	simm.s32 $0x108;
	_ =	swait.ge @!p0 [sflag:s8], $0x0  }
0x24: {  	s3 =	sadd.s32 $0x88, s3;
	s6 =	simm.s32 @!p1 $0x1082;
	[sflag:s4] =	ssyncset.s32 $0xFFFFF086  }
0x25: {  	[simem:s6], [sflag:s4] =	dma.local [hbm:s3], $0xF7A  }
0x26: {  	[smem:$0x3F9B] =	sst s1;
	(tag) =	ssettag s2;
	_ =	strace s9  }
0x27: {  	s1 =	sld [smem:$0x3FAB]  }
0x28: {  	s2 =	sld [smem:$0x3FAC]  }
0x29: {  	s4 =	sld [smem:$0x3FAE]  }
0x2a: {  	p0 =	seq.s32 s5, $0x0;
	s5 =	sld [smem:$0x3FAF]  }
0x2b: {  	s6 =	sld [smem:$0x3FB0]  }
0x2c: {  	s7 =	sld [smem:$0x3FB1]  }
0x2d: {  	s3 =	simm.s32 $0x108;
	s8 =	sld [smem:$0x3FB2]  }
0x2e: {  	s3 =	simm.s32 @!p0 $0x1082;
	s9 =	sld [smem:$0x3FB3]  }
0x2f: {  	lr =	sadd.s32 s0, s3;
	s0 =	sld [smem:$0x3FAA]  }
0x30: {  	s3 =	sld [smem:$0x3FAD]  }
0x31: {  	[smem:$0x3FB6] =	sst s10  }
0x32: {  	s10 =	sld [smem:$0x3FB4];
	_ =	sdelay $0x3  }
0x33: {  	p0 =	seq.s32 s10, $0x1;
	s10 =	sld [smem:$0x3FB6];
	_ =	sdelay $0x3  }
0x34: {  	[smem:$0x3FB6] =	sst s10  }
0x35: {  	s10 =	sld [smem:$0x3FB5];
	_ =	sdelay $0x3  }
0x36: {  	p1 =	seq.s32 s10, $0x1;
	s10 =	sld [smem:$0x3FB6];
	_ =	sdelay $0x3  }
0x37: {  	[smem:$0x3FB6] =	sst s10  }
0x38: {  	s10 =	sld [smem:$0x3FB7]  }
0x39: {  	_ = 	snop;
	(pc) =	sbr.ind lr, $3  }
0x3a: {  	_ = 	snop  }
0x3b: {  	_ = 	snop  }
0x3c: {  	p2 =	seq.s32 s10, $0x1;
	s10 =	sld [smem:$0x3FB6]  }
0x3d: {  	_ =	shalt  }
0x3e: {  	_ =	shalt  }
0x3f: {  	_ =	shalt  }
0x40: {  	_ =	shalt  }
0x41: {  	_ =	shalt  }
0x42: {  	_ =	shalt  }
0x43: {  	_ =	shalt  }
0x44: {  	_ =	shalt  }
0x45: {  	_ =	shalt  }
0x46: {  	_ =	shalt  }
0x47: {  	_ =	shalt  }
0x48: {  	_ =	shalt  }
0x49: {  	_ =	shalt  }
0x4a: {  	_ =	shalt  }
0x4b: {  	_ =	shalt  }
0x4c: {  	_ =	shalt  }
0x4d: {  	_ =	shalt  }
0x4e: {  	_ =	shalt  }
0x4f: {  	_ =	shalt  }
0x50: {  	_ =	shalt  }
0x51: {  	_ =	shalt  }
0x52: {  	_ =	shalt  }
0x53: {  	_ =	shalt  }
0x54: {  	_ =	shalt  }
0x55: {  	_ =	shalt  }
0x56: {  	_ =	shalt  }
0x57: {  	_ =	shalt  }
0x58: {  	_ =	shalt  }
0x59: {  	_ =	shalt  }
0x5a: {  	_ =	shalt  }
0x5b: {  	_ =	shalt  }
0x5c: {  	_ =	shalt  }
0x5d: {  	_ =	shalt  }
0x5e: {  	_ =	shalt  }
0x5f: {  	_ =	shalt  }
0x60: {  	_ =	shalt  }
0x61: {  	_ =	shalt  }
0x62: {  	_ =	shalt  }
0x63: {  	_ =	shalt  }
0x64: {  	_ =	shalt  }
0x65: {  	_ =	shalt  }
0x66: {  	_ =	shalt  }
0x67: {  	_ =	shalt  }
0x68: {  	_ =	shalt  }
0x69: {  	_ =	shalt  }
0x6a: {  	_ =	shalt  }
0x6b: {  	_ =	shalt  }
0x6c: {  	_ =	shalt  }
0x6d: {  	_ =	shalt  }
0x6e: {  	_ =	shalt  }
0x6f: {  	_ =	shalt  }
0x70: {  	_ =	shalt  }
0x71: {  	_ =	shalt  }
0x72: {  	_ =	shalt  }
0x73: {  	_ =	shalt  }
0x74: {  	_ =	shalt  }
0x75: {  	_ =	shalt  }
0x76: {  	_ =	shalt  }
0x77: {  	_ =	shalt  }
0x78: {  	_ =	shalt  }
0x79: {  	_ =	shalt  }
0x7a: {  	_ =	shalt  }
0x7b: {  	_ =	shalt  }
0x7c: {  	_ =	shalt  }
0x7d: {  	_ =	shalt  }
0x7e: {  	_ =	shalt  }
0x7f: {  	_ =	shalt  }
0x80: {  	_ =	shalt  }
0x81: {  	_ =	shalt  }
0x82: {  	_ =	shalt  }
0x83: {  	_ =	shalt  }
0x84: {  	_ =	shalt  }
0x85: {  	_ =	shalt  }
0x86: {  	_ =	shalt  }
0x87: {  	_ =	shalt  }
.Lfunc_end0:
.L_simem_size_0:
called_computation_lowered:
.L_overlay_start_0:
0x88: {  	s2 =	sld [smem:$0x3FD9]  }
0x89: {  	s3 =	sld [smem:$0x3FFE];
	_ =	sdelay $0x1  }
0x8a: {  	s1 =	srdreg.scid  }
0x8b: {  	s0 =	sand.u32 $0x1, s1  }
0x8c: {  	s17 =	sshll.u32 s0, $0xA;
	s2 =	sadd.s32 s3, s2  }
0x8d: {  	s2 =	sadd.s32 s2, s17  }
0x8e: {  	[smem:$0x3FC2] =	sst s2  }
0x8f: {  	_ = 	snop  }
0x90: {  	s2 =	sld [smem:$0x3FD0];
	(tm) =	ssettm $0x1  }
0x91: {  	s18 =	sld [smem:$0x3FFB];
	_ =	sdelay $0x3  }
0x92: {  	_ =	strace s18  }
0x93: {  	s3 =	sld [smem:$0x3FFC];
	_ =	sdelay $0x3  }
0x94: {  	_ =	strace s3  }
0x95: {  	s3 =	sld [smem:$0x3FFD];
	_ =	sdelay $0x3  }
0x96: {  	_ =	strace s3  }
0x97: {  	_ =	strace $0x8FFFFFFF  }
0x98: {  	s19 =	sld [smem:$0x3FDB];
	_ =	sdelay $0x1  }
0x99: {  	s4 =	simm.s32 $_scs_section_size  }
0x9a: {  	s5 =	simm.s32 $_size__tile_overlayer_lowered;
	s6 =	simm.s32 $_tile_overlayer_lowered  }
0x9b: {  	s22 =	simm.s32 $0x1BFF;
	s21 =	sshll.u32 s6, $0x1;
	s3 =	sadd.s32 s4, s19  }
0x9c: {  	s7 =	simm.s32 $0x0;
	s20 =	sshll.u32 s5, $0x1;
	s5 =	sadd.s32 s21, s3  }
0x9d: {  	[timem:s7], [sflag:s22] =	dma.local [hbm:s5], s20  }
0x9e: {  	_ =	swait.ge [sflag:s22], s20  }
0x9f: {  	s4 =	ssub.s32 $0x0, s20;
	[sflag:s22] =	ssyncset.done $0x0  }
0xa0: {  	[sflag:s22] =	ssyncadd.s32 s4;
	_ =	sdelay $0x1  }
0xa1: {  	s23 =	simm.s32 $0x1B8B  }
0xa2: {  	_ =	swait.ge [sflag:s23], $0x1  }
0xa3: {  	[sflag:s23] =	ssyncset.done $0x0  }
0xa4: {  	s25 =	simm.s32 $0x1B8E;
	s24 =	sld [smem:$0x3FFE];
	[sflag:s23] =	ssyncadd.s32 $0xFFFFFFFF  }
0xa5: {  	s26 =	simm.s32 $execute0_lowered;
	[smem:$0x3FD2] =	sst s25  }
0xa6: {  	s5 =	sshll.u32 s26, $0x1;
	_ =	strace $0x80000046;
	[dreg:$0x1] =	wrdreg $0xFFFFFFFF  }
0xa7: {  	s28 =	simm.s32 $_size_execute0_lowered;
	s3 =	sadd.s32 s3, s5;
	[dreg:$0x0] =	wrdreg $0x0  }
0xa8: {  	s5 =	sshll.u32 s28, $0x1;
	[dreg:$0x2] =	wrdreg s3  }
0xa9: {  	[dreg:$0x3] =	wrdreg s5  }
0xaa: {  	[dreg:$0x4] =	wrdreg $0xC0  }
0xab: {  	_ =	task [dreg:s7], $0x5FFFF  }
0xac: {  	[dreg:$0x1] =	wrdreg $0xFFFFFFFF  }
0xad: {  	[dreg:$0x0] =	wrdreg $0x60  }
0xae: {  	[dreg:$0x2] =	wrdreg s24  }
0xaf: {  	[dreg:$0x3] =	wrdreg s2  }
0xb0: {  	[dreg:$0x4] =	wrdreg $0x4800  }
0xb1: {  	[dreg:$0x5] =	wrdreg $0x9  }
0xb2: {  	_ =	task.clear_ibuf [dreg:s7], $0x6FFFF;
	_ =	strace $0x90000046  }
0xb3: {  	s29 =	simm.s32 $0x9;
	_ =	strace $0x80000048  }
0xb4: {  	_ =	swait.ge [sflag:s29], $0x1  }
0xb5: {  	[sflag:s29] =	ssyncadd.s32 $0xFFFFFFFF  }
0xb6: {  	_ =	strace $0x90000048  }
0xb7: {  	_ =	sfence  }
0xb8: {  	s30 =	sld [smem:$0x0];
	_ =	sdelay $0x2  }
0xb9: {  	s31 =	sshll.u32 s1, $0xD;
	s1 =	sshrl.u32 s1, $0x2  }
0xba: {  	s3 =	sand.u32 $0x4000, s31;
	s1 =	sadd.s32 s1, s30  }
0xbb: {  	s0 =	sor.u32 s3, s0;
	s1 =	sshll.u32 s1, $0x11  }
0xbc: {  	s0 =	sor.u32 s1, s0  }
0xbd: {  	s0 =	sadd.s32 $0x8F2B, s0  }
0xbe: {  	[sflag:s0] =	ssyncadd.remote.s32 $0x1  }
0xbf: {  	_ =	sfence.sel $0xFFFF  }
0xc0: {  	[dreg:$0x0] =	wrdreg $0xFFFFFFFF;
	(pc) =	sbr.abs _section_cstart, $3  }
0xc1: {  	[dreg:$0x1] =	wrdreg $0xFFFFFFFF  }
0xc2: {  	_ =	task.clear_ibuf [dreg:s7], $0x2FFFF;
	_ =	strace $0x9FFFFFFF  }
0xc3: {  	(tm) =	ssettm $0x7FFFFFFF  }
tec
execute0_lowered:
.L_overlay_start_1:
0x0: {  	(tag) =	ssettag $0x1  }
0x1: {  	s4 =	rddreg [dreg:$0x0]  }
0x2: {  	s9 =	rddreg [dreg:$0x1]  }
0x3: {  	s1 =	rddreg [dreg:$0x2];
	s2 =	srdreg.scid  }
0x4: {  	s0 =	rddreg [dreg:$0x3];
	s3 =	simm.s32 $0x0;
	s15 =	simm.s32 $0x200  }
0x5: {  	s16 =	simm.s32 $0x3;
	s17 =	simm.s32 $0x80;
	s18 =	simm.s32 $0x180  }
0x6: {  	s19 =	simm.s32 $0x2;
	s20 =	simm.s32 $0x1;
	s21 =	simm.s32 $0x100  }
0x7: {  	s22 =	simm.s32 $0x10;
	s6 =	sand.u32 $0x1, s2;
	s2 =	stileid.u32  }
0x8: {  	s25 =	simm.s32 $0x20;
	s26 =	simm.s32 $0x0;
	s8 =	smul.u32 $0xA00, s2  }
0x9: {  	[smem:$0x7FF] =	sst s3;
	s4 =	sadd.s32 $0x1A00, s4;
	s11 =	smul.u32 $0x500, s2  }
0xa: {  	s5 =	sshll.u32 s6, $0x4;
	s7 =	ssub.s32 $0x2, s6;
	s12 =	smul.u32 $0x27100, s6  }
0xb: {  	_ =	strace $0x80000047;
	s31 =	sshll.u32 s6, $0x7;
	s13 =	smul.u32 $0x2710, s2  }
0xc: {  	s23 =	sshll.u32 s2, $0x6;
	s5 =	sor.u32 s2, s5;
	s10 =	sshrl.u32 s7, $0x1  }
0xd: {  	s23 =	sor.u32 $0x1C03, s23;
	s5 =	smul.u32 $0x2710, s5;
	s10 =	ssub.s32 s7, s10  }
0xe: {  	s30 =	sshrl.u32 s8, $0x2;
	s11 =	sor.u32 s31, s11;
	s13 =	sadd.s32 s13, s12  }
0xf: {  	s6 =	sadd.s32 s30, s1;
	s11 =	sshrl.u32 s11, $0x3;
	s10 =	smax.u32 s10, $0x1  }
0x10: {  	s14 =	sadd.s32 $0x180, s13;
	s13 =	sadd.s32 $0x100, s13;
	s5 =	sshrl.u32 s5, $0x3  }
0x11: {  	s9 =	sadd.s32 s9, s11;
	s14 =	sshrl.u32 s14, $0x3;
	s5 =	sadd.s32 s4, s5  }
0x12: {  	s24 =	sshrl.u32 s6, $0x3;
	s14 =	sadd.s32 s14, s4;
	s7 =	sadd.s32 $0x10, s5  }
0x13: {  	v0 =	vimm.f32 $1.000000000e+00;
	v1 =	vimm.f32 $0.0e+00;
	s8 =	sadd.s32 $0x4E0, s5;
	s11 =	sadd.s32 $0x4D0, s5;
	s12 =	sadd.s32 $0x4C0, s5  }
.LBB2_1:
0x14: {  	[tilespmem:$0x180] =	vst v0  }
0x15: {  	[tilespmem:$0x190] =	vst v0  }
0x16: {  	[tilespmem:$0x1A0] =	vst v0  }
0x17: {  	[tilespmem:$0x1B0] =	vst v0  }
0x18: {  	[tilespmem:$0x1C0] =	vst v0  }
0x19: {  	[tilespmem:$0x1D0] =	vst v0  }
0x1a: {  	[tilespmem:$0x1E0] =	vst v0  }
0x1b: {  	[tilespmem:$0x1F0] =	vst v0  }
0x1c: {  	[tilespmem:$0x200] =	vst v1  }
0x1d: {  	[tilespmem:$0x210] =	vst v1  }
0x1e: {  	[tilespmem:$0x220] =	vst v1  }
0x1f: {  	[tilespmem:$0x230] =	vst v1  }
0x20: {  	[tilespmem:$0x240] =	vst v1  }
0x21: {  	[tilespmem:$0x250] =	vst v1  }
0x22: {  	[tilespmem:$0x260] =	vst v1  }
0x23: {  	[tilespmem:$0x270] =	vst v1  }
0x24: {  	[tilespmem:$0x280] =	vst v1  }
0x25: {  	[tilespmem:$0x290] =	vst v1  }
0x26: {  	[tilespmem:$0x2A0] =	vst v1  }
0x27: {  	[tilespmem:$0x2B0] =	vst v1  }
0x28: {  	[tilespmem:$0x2C0] =	vst v1  }
0x29: {  	[tilespmem:$0x2D0] =	vst v1  }
0x2a: {  	[tilespmem:$0x2E0] =	vst v1  }
0x2b: {  	[tilespmem:$0x2F0] =	vst v1  }
0x2c: {  	[tilespmem:$0x300] =	vst v1  }
0x2d: {  	[tilespmem:$0x310] =	vst v1  }
0x2e: {  	[tilespmem:$0x320] =	vst v1  }
0x2f: {  	[tilespmem:$0x330] =	vst v1  }
0x30: {  	[tilespmem:$0x340] =	vst v1  }
0x31: {  	[tilespmem:$0x350] =	vst v1  }
0x32: {  	[tilespmem:$0x360] =	vst v1  }
0x33: {  	[tilespmem:$0x370] =	vst v1  }
0x34: {  	[tilespmem:$0x380] =	vst v1  }
0x35: {  	[tilespmem:$0x390] =	vst v1  }
0x36: {  	[tilespmem:$0x3A0] =	vst v1  }
0x37: {  	[tilespmem:$0x3B0] =	vst v1  }
0x38: {  	[tilespmem:$0x3C0] =	vst v1  }
0x39: {  	[tilespmem:$0x3D0] =	vst v1  }
0x3a: {  	[tilespmem:$0x3E0] =	vst v1  }
0x3b: {  	[tilespmem:$0x3F0] =	vst v1  }
0x3c: {  	[tilespmem:$0x400] =	vst v1  }
0x3d: {  	[tilespmem:$0x410] =	vst v1  }
0x3e: {  	[tilespmem:$0x420] =	vst v1  }
0x3f: {  	[tilespmem:$0x430] =	vst v1  }
0x40: {  	[tilespmem:$0x440] =	vst v1  }
0x41: {  	[tilespmem:$0x450] =	vst v1  }
0x42: {  	[tilespmem:$0x460] =	vst v1  }
0x43: {  	[tilespmem:$0x470] =	vst v1  }
0x44: {  	[spmem:s6] =	stream.linear.scatter [tilespmem:s15], [sflag:$0x3], $0x280, $0x38;
	[tilespmem:$0x700] =	vst v63  }
0x45: {  	_ =	swait.ge [sflag:s16], $0x280  }
0x46: {  	[sflag:s16] =	ssyncset.done $0x0  }
0x47: {  	[sflag:s16] =	ssyncadd.s32 $0xFFFFFD80  }
0x48: {  	[bflag:$0x0] =	sbarrier.arrive $0xFFFF  }
0x49: {  	[tilespmem:s3], [sflag:$0x3] =	stream.linear.gather [hbm4b:s5+s3], $0x80, $0x38;
	[tilespmem:$0x700] =	vst v63  }
0x4a: {  	_ =	swait.ge [sflag:s16], $0x80  }
0x4b: {  	[sflag:s16] =	ssyncset.done $0x0  }
0x4c: {  	[sflag:s16] =	ssyncadd.s32 $0xFFFFFF80  }
0x4d: {  	[tilespmem:s17], [sflag:$0x2] =	stream.linear.gather [hbm4b:s7+s3], $0x80, $0x38;
	[tilespmem:$0x700] =	vst v63  }
0x4e: {  	_ = 	snop  }
0x4f: {  	[spmem:s1] =	stream.indirect.scatter.add.f32 [tilespmem:s18], [sflag:$0x3], $0x1, s3, s17, $0xb8;
	[tilespmem:$0x700] =	vst v63  }
0x50: {  	_ =	swait.ge [sflag:s16], $0x80  }
0x51: {  	s28 =	sshrl.u32 s13, $0x3;
	[sflag:s16] =	ssyncset.done $0x0  }
0x52: {  	s28 =	sadd.s32 s4, s28;
	[sflag:s16] =	ssyncadd.s32 $0xFFFFFF80  }
0x53: {  	[tilespmem:s3], [sflag:$0x1] =	stream.linear.gather [hbm4b:s28+s3], $0x80, $0x38;
	[tilespmem:$0x700] =	vst v63  }
0x54: {  	_ =	swait.ge [sflag:s19], $0x80  }
0x55: {  	[sflag:s19] =	ssyncset.done $0x0  }
0x56: {  	[sflag:s19] =	ssyncadd.s32 $0xFFFFFF80  }
0x57: {  	[spmem:s1] =	stream.indirect.scatter.add.f32 [tilespmem:s18], [sflag:$0x3], $0x1, s17, s17, $0xb8;
	[tilespmem:$0x700] =	vst v63  }
0x58: {  	_ =	swait.ge [sflag:s16], $0x80  }
0x59: {  	[sflag:s16] =	ssyncset.done $0x0  }
0x5a: {  	s28 =	sadd.s32 $0x0, s14;
	[sflag:s16] =	ssyncadd.s32 $0xFFFFFF80  }
0x5b: {  	[tilespmem:s17], [sflag:$0x2] =	stream.linear.gather [hbm4b:s28+s3], $0x80, $0x38;
	[tilespmem:$0x700] =	vst v63  }
0x5c: {  	_ =	swait.ge [sflag:s20], $0x80  }
0x5d: {  	s29 =	smov.u32 s13;
	s28 =	simm.s32 $0x20;
	[sflag:s20] =	ssyncset.done $0x0  }
.LBB2_2:
0x5e: {  	p0 =	sne.s32 s28, $0x480;
	[sflag:s20] =	ssyncadd.s32 $0xFFFFFF80;
	s29 =	sadd.s32 $0x100, s29  }
0x5f: {  	[spmem:s1] =	stream.indirect.scatter.add.f32 [tilespmem:s18], [sflag:$0x3], $0x1, s3, s17, $0xb8;
	[tilespmem:$0x700] =	vst v63  }
0x60: {  	s30 =	smov.u32 s28;
	s28 =	sadd.s32 $0x20, s28;
	_ =	swait.ge [sflag:s16], $0x80  }
0x61: {  	s31 =	sshrl.u32 s29, $0x3;
	[sflag:s16] =	ssyncset.done $0x0  }
0x62: {  	s31 =	sadd.s32 s4, s31;
	[sflag:s16] =	ssyncadd.s32 $0xFFFFFF80  }
0x63: {  	[tilespmem:s3], [sflag:$0x1] =	stream.linear.gather [hbm4b:s31+s3], $0x80, $0x38;
	[tilespmem:$0x700] =	vst v63  }
0x64: {  	_ =	swait.ge [sflag:s19], $0x80  }
0x65: {  	[sflag:s19] =	ssyncset.done $0x0  }
0x66: {  	[sflag:s19] =	ssyncadd.s32 $0xFFFFFF80  }
0x67: {  	[spmem:s1] =	stream.indirect.scatter.add.f32 [tilespmem:s18], [sflag:$0x3], $0x1, s17, s17, $0xb8;
	[tilespmem:$0x700] =	vst v63  }
0x68: {  	_ =	swait.ge [sflag:s16], $0x80  }
.Ltmp0:
0x69: {  	[sflag:s16] =	ssyncset.done $0x0;
	(pc) =	sbr.rel @p0 .LBB2_2-.Ltmp0, $4  }
0x6a: {  	s30 =	sadd.s32 s30, s14;
	[sflag:s16] =	ssyncadd.s32 $0xFFFFFF80  }
0x6b: {  	[tilespmem:s17], [sflag:$0x2] =	stream.linear.gather [hbm4b:s30+s3], $0x80, $0x38;
	[tilespmem:$0x700] =	vst v63  }
0x6c: {  	_ =	swait.ge [sflag:s20], $0x80  }
0x6d: {  	[sflag:s20] =	ssyncset.done $0x0  }
0x6e: {  	[sflag:s20] =	ssyncadd.s32 $0xFFFFFF80  }
0x6f: {  	[spmem:s1] =	stream.indirect.scatter.add.f32 [tilespmem:s18], [sflag:$0x3], $0x1, s3, s17, $0xb8;
	[tilespmem:$0x700] =	vst v63  }
0x70: {  	_ =	swait.ge [sflag:s16], $0x80  }
0x71: {  	[sflag:s16] =	ssyncset.done $0x0  }
0x72: {  	[sflag:s16] =	ssyncadd.s32 $0xFFFFFF80  }
0x73: {  	[tilespmem:s3], [sflag:$0x1] =	stream.linear.gather [hbm4b:s12+s3], $0x80, $0x38;
	[tilespmem:$0x700] =	vst v63  }
0x74: {  	_ =	swait.ge [sflag:s19], $0x80  }
0x75: {  	[sflag:s19] =	ssyncset.done $0x0  }
0x76: {  	[sflag:s19] =	ssyncadd.s32 $0xFFFFFF80  }
0x77: {  	[spmem:s1] =	stream.indirect.scatter.add.f32 [tilespmem:s18], [sflag:$0x3], $0x1, s17, s17, $0xb8;
	[tilespmem:$0x700] =	vst v63  }
0x78: {  	_ =	swait.ge [sflag:s16], $0x80  }
0x79: {  	[sflag:s16] =	ssyncset.done $0x0  }
0x7a: {  	[sflag:s16] =	ssyncadd.s32 $0xFFFFFF80  }
0x7b: {  	[tilespmem:s17], [sflag:$0x2] =	stream.linear.gather [hbm4b:s11+s3], $0x80, $0x38;
	[tilespmem:$0x700] =	vst v63  }
0x7c: {  	_ =	swait.ge [sflag:s20], $0x80  }
0x7d: {  	[sflag:s20] =	ssyncset.done $0x0  }
0x7e: {  	[sflag:s20] =	ssyncadd.s32 $0xFFFFFF80  }
0x7f: {  	[spmem:s1] =	stream.indirect.scatter.add.f32 [tilespmem:s18], [sflag:$0x3], $0x1, s3, s17, $0xb8;
	[tilespmem:$0x700] =	vst v63  }
0x80: {  	_ =	swait.ge [sflag:s16], $0x80  }
0x81: {  	[sflag:s16] =	ssyncset.done $0x0  }
0x82: {  	[sflag:s16] =	ssyncadd.s32 $0xFFFFFF80  }
0x83: {  	[tilespmem:s3], [sflag:$0x1] =	stream.linear.gather [hbm4b:s11+s3], $0x80, $0x38;
	[tilespmem:$0x700] =	vst v63  }
0x84: {  	_ =	swait.ge [sflag:s19], $0x80  }
0x85: {  	[sflag:s19] =	ssyncset.done $0x0  }
0x86: {  	[sflag:s19] =	ssyncadd.s32 $0xFFFFFF80  }
0x87: {  	[spmem:s1] =	stream.indirect.scatter.add.f32 [tilespmem:s18], [sflag:$0x3], $0x1, s17, s17, $0xb8;
	[tilespmem:$0x700] =	vst v63  }
0x88: {  	_ =	swait.ge [sflag:s16], $0x80  }
0x89: {  	[sflag:s16] =	ssyncset.done $0x0  }
0x8a: {  	[sflag:s16] =	ssyncadd.s32 $0xFFFFFF80  }
0x8b: {  	[tilespmem:s17], [sflag:$0x2] =	stream.linear.gather [hbm4b:s11+s3], $0x80, $0x38;
	[tilespmem:$0x700] =	vst v63  }
0x8c: {  	_ =	swait.ge [sflag:s20], $0x80  }
0x8d: {  	[sflag:s20] =	ssyncset.done $0x0  }
0x8e: {  	[sflag:s20] =	ssyncadd.s32 $0xFFFFFF80  }
0x8f: {  	_ =	swait.ge [sflag:s19], $0x80  }
0x90: {  	[sflag:s19] =	ssyncset.done $0x0  }
0x91: {  	[sflag:s19] =	ssyncadd.s32 $0xFFFFFF80  }
0x92: {  	[tilespmem:s21], [sflag:$0x3] =	stream.linear.gather [hbm4b:s8+s3], $0x10, $0x38;
	[tilespmem:$0x700] =	vst v63  }
0x93: {  	_ =	swait.ge [sflag:s16], $0x10  }
0x94: {  	[sflag:s16] =	ssyncset.done $0x0  }
0x95: {  	[sflag:s16] =	ssyncadd.s32 $0xFFFFFFF0  }
0x96: {  	[spmem:s1] =	stream.indirect.scatter.add.f32 [tilespmem:s18], [sflag:$0x3], $0x1, s21, s22, $0xb8;
	[tilespmem:$0x700] =	vst v63  }
0x97: {  	_ =	swait.ge [sflag:s16], $0x10  }
0x98: {  	s26 =	sadd.s32 $0x1, s26;
	[sflag:s16] =	ssyncset.done $0x0  }
0x99: {  	p0 =	sne.s32 s26, s10;
	[sflag:s16] =	ssyncadd.s32 $0xFFFFFFF0  }
.Ltmp1:
0x9a: {  	[bflag:$0x0] =	sbarrier.arrive $0xFFFF;
	(pc) =	sbr.rel @p0 .LBB2_1-.Ltmp1, $4  }
0x9b: {  	[hbm:s9@s25], [sflag:s23] =	dma.strided [spmem:s24@s22], $0x50, s20, $0x10   }
0x9c: {  	_ =	swait.ge [sflag:s16], $0x50  }
0x9d: {  	[sflag:s16] =	ssyncset.done $0x0  }
0x9e: {  	[sflag:s16] =	ssyncadd.s32 $0xFFFFFFB0  }
0x9f: {  	_ =	sfence.sel $0x180000  }
0xa0: {  	[bflag:$0x0] =	sbarrier.arrive $0xFFFF  }
0xa1: {  	p0 =	sne.s32 s2, $0x0;
	_ =	strace $0x90000047  }
0xa2: {  	s0 =	sadd.s32 @!p0 $0x100000, s0;
	[bflag:$0x2] =	sbarrier.arrive $0xFFFF  }
0xa3: {  	[sflag:s0] =	ssyncadd.tile.s32 @!p0 $0x1;
	_ =	shalt  }
.Lfunc_end2:
_tile_overlayer_lowered:
.L_overlay_start_2:
0xa4: {  	(tag) =	ssettag $0x2  }
0xa5: {  	s0 =	rddreg [dreg:$0x0];
	s2 =	stileid.u32  }
0xa6: {  	s1 =	rddreg [dreg:$0x1];
	p0 =	sne.s32 s2, $0x0  }
0xa7: {  	s3 =	rddreg [dreg:$0x2];
	[bflag:$0x3] =	sbarrier.arrive $0xFFFF;
	s2 =	simm.s32 @!p0 $0x1C03  }
0xa8: {  	[timem:s3], [sflag:s2] =	dma.local @!p0 [hbm:s0], s1  }
0xa9: {  	s0 =	simm.s32 @!p0 $0x3  }
0xaa: {  	_ =	swait.ge @!p0 [sflag:s0], s1  }
0xab: {  	s1 =	ssub.s32 @!p0 $0x0, s1;
	[sflag:s0] =	ssyncset.done @!p0 $0x0  }
0xac: {  	[sflag:s0] =	ssyncadd.s32 @!p0 s1  }
0xad: {  	[bflag:$0x3] =	sbarrier.arrive $0xFFFF  }
0xae: {  	_ =	shalt  }

</sc_bundles>
